<compile_context>
chip_gen: v7x
topology: tpu7x:2x2x1
jax: 0.10.2.dev20260603
libtpu: 0.0.44.dev20260713+nightly
codegen_flags: <defaults>
</compile_context>

<pallas_src>
import functools

import jax
import jax.numpy as jnp
from jax import lax
from jax.experimental import pallas as pl
from jax.experimental.pallas import tpu as pltpu
from jax.experimental.pallas import tpu_sc as plsc

N_NODES = 100000
FEAT = 128
NW = 32
CH = 32
ROWS = 7 * CH
QROWS = ROWS // 4
NSLOT = 2
CPW_LO = 97
IDX_CAP = 100 * ROWS
NO_PAD = 7 * 96896 + IDX_CAP

_mesh = plsc.VectorSubcoreMesh(core_axis_name="c", subcore_axis_name="s")


@functools.partial(
    pl.kernel,
    mesh=_mesh,
    compiler_params=pltpu.CompilerParams(needs_layout_passes=False),
    out_type=[
        jax.ShapeDtypeStruct((N_NODES, FEAT), jnp.float32),
        jax.ShapeDtypeStruct((N_NODES, FEAT), jnp.int32),
    ],
    scratch_types=[
        pltpu.VMEM((IDX_CAP,), jnp.int32),
        pltpu.VMEM((NSLOT * ROWS, FEAT), jnp.float32),
        pltpu.VMEM((NSLOT * CH, FEAT), jnp.float32),
        pltpu.VMEM((NSLOT * CH, FEAT), jnp.int32),
        pltpu.SemaphoreType.DMA((NSLOT,)),
        pltpu.SemaphoreType.DMA((NSLOT,)),
    ],
)
def _sc_pool(x_hbm, no_hbm, vals_hbm, idxs_hbm,
             idx_all, rows_all, vout_all, iout_all, sem_g, sem_o):
    wid = lax.axis_index("s") * 2 + lax.axis_index("c")
    node0 = CH * CPW_LO * wid + CH * jnp.minimum(wid, 21)
    n_chunks = jnp.where(wid < 21, CPW_LO + 1, CPW_LO)

    iota = lax.iota(jnp.int32, 16)
    iota7 = iota * 7
    kf = [jnp.full((16,), float(k), jnp.float32) for k in range(7)]
    zeros16 = jnp.zeros((16,), jnp.int32)

    pltpu.sync_copy(no_hbm.at[pl.ds(node0 * 7, IDX_CAP)], idx_all)

    def gather(g, slot):
        base = g * ROWS
        rbase = slot * ROWS
        for h in range(4):
            pltpu.async_copy(
                x_hbm.at[idx_all.at[pl.ds(base + h * QROWS, QROWS)]],
                rows_all.at[pl.ds(rbase + h * QROWS, QROWS)],
                sem_g.at[slot])

    def wait_gather(slot):
        for h in range(4):
            pltpu.make_async_copy(
                x_hbm.at[idx_all.at[pl.ds(0, QROWS)]],
                rows_all.at[pl.ds(h * QROWS, QROWS)],
                sem_g.at[slot]).wait()

    def put_out(g, slot):
        node_base = node0 + g * CH
        obase = slot * CH
        pltpu.async_copy(vout_all.at[pl.ds(obase, CH)],
                         vals_hbm.at[pl.ds(node_base, CH)], sem_o.at[slot])
        pltpu.async_copy(iout_all.at[pl.ds(obase, CH)],
                         idxs_hbm.at[pl.ds(node_base, CH)], sem_o.at[slot])

    def wait_out(slot):
        pltpu.make_async_copy(vout_all.at[pl.ds(0, CH)],
                              vals_hbm.at[pl.ds(0, CH)], sem_o.at[slot]).wait()
        pltpu.make_async_copy(iout_all.at[pl.ds(0, CH)],
                              idxs_hbm.at[pl.ds(0, CH)], sem_o.at[slot]).wait()

    def compute(slot):
        rbase = slot * ROWS
        obase = slot * CH

        def node_body(b, _):
            base = b * 896 + rbase * FEAT
            orow = b + obase
            for v in range(8):
                bval = None
                bidx = None
                for k in range(7):
                    col = iota7 + (base + (112 * v + k))
                    gv = plsc.load_gather(rows_all, [zeros16, col])
                    if k == 0:
                        bval = gv
                        bidx = kf[0]
                    else:
                        m = gv > bval
                        bval = jnp.maximum(bval, gv)
                        bidx = jnp.where(m, kf[k], bidx)
                vout_all[orow, pl.ds(16 * v, 16)] = bval
                iout_all[orow, pl.ds(16 * v, 16)] = bidx.astype(jnp.int32)
            return 0

        lax.fori_loop(0, CH, node_body, 0)

    for i in range(NSLOT):
        gather(i, i)

    def chunk_body(g, _):
        slot = g & (NSLOT - 1)
        wait_gather(slot)

        @pl.when(g >= NSLOT)
        def _():
            wait_out(slot)

        compute(slot)
        put_out(g, slot)
        gather(g + NSLOT, slot)
        return 0

    lax.fori_loop(0, n_chunks, chunk_body, 0)

    for i in range(NSLOT):
        wait_gather(i)
        wait_out(i)


def kernel(x, neigh_orders):
    no32 = neigh_orders.astype(jnp.int32)
    no32 = jnp.concatenate(
        [no32, jnp.zeros((NO_PAD - no32.shape[0],), jnp.int32)])
    vals, idxs = _sc_pool(x, no32)
    return (vals, idxs)

# --- scband reference (transcript-rebuilt; emitter-appended) ---
"""Pipeline reference for scband-seg-net-pool-layer-36807869726730 (READ-ONLY COPY).

The authoritative reference and input builder live on the scoring server;
editing this copy changes nothing except your own understanding.
"""

import jax, jax.numpy as jnp
import numpy as np

NUM_NODES = 100000
FEAT = 128

def setup_inputs(seed: int = 0) -> dict:
    key = jax.random.key(seed)
    k1, k2 = jax.random.split(key)
    x = jax.random.normal(k1, (NUM_NODES * 7, FEAT), dtype=jnp.float32)
    neigh_orders = jax.random.randint(k2, (NUM_NODES * 7,), 0, NUM_NODES * 7, dtype=jnp.int64)
    return {"x": x, "neigh_orders": neigh_orders}

def reference(x, neigh_orders):
    # Faithful translation of SegNet_pool_layer.forward
    feat_num = x.shape[1]
    gathered = x[neigh_orders[0:NUM_NODES * 7]]               # [num_nodes*7, feat]
    g = gathered.reshape(NUM_NODES, feat_num, 7)              # torch .view semantics == reshape
    vals = jnp.max(g, axis=2)                                 # torch.max(x, 2)[0]
    idxs = jnp.argmax(g, axis=2)                              # torch.max(x, 2)[1]
    return (vals, idxs)

if __name__ == "__main__":
    import jax
    _d = setup_inputs()
    print(jax.jit(kernel)(*tuple(_d.values())))

</pallas_src>

<mosaic_0001>
#map = affine_map<(d0, d1) -> (0, 0)>
#map1 = affine_map<(d0, d1) -> (0)>
module attributes {stable_mosaic.version = 14 : i64} {
  func.func @_sc_pool(%arg0: i32, %arg1: i32, %arg2: memref<700000x128xf32, #tpu.memory_space<hbm>>, %arg3: memref<700672xi32, #tpu.memory_space<hbm>>, %arg4: memref<100000x128xf32, #tpu.memory_space<hbm>>, %arg5: memref<100000x128xi32, #tpu.memory_space<hbm>>, %arg6: memref<22400xi32, #tpu.memory_space<vmem>>, %arg7: memref<448x128xf32, #tpu.memory_space<vmem>>, %arg8: memref<64x128xf32, #tpu.memory_space<vmem>>, %arg9: memref<64x128xi32, #tpu.memory_space<vmem>>, %arg10: memref<2x!tpu.dma_semaphore, #tpu.memory_space<semaphore_mem>>, %arg11: memref<2x!tpu.dma_semaphore, #tpu.memory_space<semaphore_mem>>) attributes {dimension_semantics = [#tpu.dimension_semantics<core_parallel>, #tpu.dimension_semantics<subcore_parallel>], iteration_bounds = array<i64: 2, 16>, scalar_prefetch = 0 : i64, scratch_operands = 6 : i64, tpu.core_type = #tpu.core_type<sc_vector_subcore>, window_params = [{transform_indices = #map}, {transform_indices = #map1}, {transform_indices = #map}, {transform_indices = #map}]} {
    %mul3A = arith.constant 2 : i32
    %mul3A_0 = arith.muli %arg1, %mul3A : i32
    %add3A = arith.addi %mul3A_0, %arg0 : i32
    %mul3A_1 = arith.constant 3104 : i32
    %mul3A_2 = arith.muli %mul3A_1, %add3A : i32
    %min3A = arith.constant 21 : i32
    %min3A_3 = arith.minsi %add3A, %min3A : i32
    %mul3A_4 = arith.constant 32 : i32
    %mul3A_5 = arith.muli %mul3A_4, %min3A_3 : i32
    %add3A_6 = arith.addi %mul3A_2, %mul3A_5 : i32
    %lt3A = arith.constant 21 : i32
    %lt3A_7 = arith.cmpi slt, %add3A, %lt3A : i32
    %jit3A = arith.constant 98 : i32
    %jit3A_8 = arith.constant 97 : i32
    %select_n3A = arith.select %lt3A_7, %jit3A, %jit3A_8 : i32
    %iota3A = tpu.iota {dimensions = array<i32: 0>} : vector<16xi32>
    %mul3A_9 = arith.constant 7 : i32
    %mul3A_10 = vector.broadcast %mul3A_9 : i32 to vector<16xi32>
    %mul3A_11 = arith.muli %iota3A, %mul3A_10 : vector<16xi32>
    %broadcast_in_dim3A = arith.constant 0.000000e+00 : f32
    %broadcast_in_dim3A_12 = vector.broadcast %broadcast_in_dim3A : f32 to vector<16xf32>
    %broadcast_in_dim3A_13 = arith.constant 1.000000e+00 : f32
    %broadcast_in_dim3A_14 = vector.broadcast %broadcast_in_dim3A_13 : f32 to vector<16xf32>
    %broadcast_in_dim3A_15 = arith.constant 2.000000e+00 : f32
    %broadcast_in_dim3A_16 = vector.broadcast %broadcast_in_dim3A_15 : f32 to vector<16xf32>
    %broadcast_in_dim3A_17 = arith.constant 3.000000e+00 : f32
    %broadcast_in_dim3A_18 = vector.broadcast %broadcast_in_dim3A_17 : f32 to vector<16xf32>
    %broadcast_in_dim3A_19 = arith.constant 4.000000e+00 : f32
    %broadcast_in_dim3A_20 = vector.broadcast %broadcast_in_dim3A_19 : f32 to vector<16xf32>
    %broadcast_in_dim3A_21 = arith.constant 5.000000e+00 : f32
    %broadcast_in_dim3A_22 = vector.broadcast %broadcast_in_dim3A_21 : f32 to vector<16xf32>
    %broadcast_in_dim3A_23 = arith.constant 6.000000e+00 : f32
    %broadcast_in_dim3A_24 = vector.broadcast %broadcast_in_dim3A_23 : f32 to vector<16xf32>
    %broadcast_in_dim3A_25 = arith.constant 0 : i32
    %broadcast_in_dim3A_26 = vector.broadcast %broadcast_in_dim3A_25 : i32 to vector<16xi32>
    %mul3A_27 = arith.constant 7 : i32
    %mul3A_28 = arith.muli %add3A_6, %mul3A_27 : i32
    "tpu.region"() ({
      %run_scoped3A = tpu.sem_alloc : memref<!tpu.dma_semaphore, #tpu.memory_space<semaphore_mem>>
      %dma_start3A_274 = tpu.memref_slice %arg3[%mul3A_28] : memref<700672xi32, #tpu.memory_space<hbm>> -> memref<22400xi32, #tpu.memory_space<hbm>>
      %dma_start3A_275 = tpu.memref_slice %arg3[%mul3A_28] : memref<700672xi32, #tpu.memory_space<hbm>> -> memref<22400xi32, #tpu.memory_space<hbm>>
      tpu.enqueue_dma source(%dma_start3A_275 : memref<22400xi32, #tpu.memory_space<hbm>>) target(%arg6 : memref<22400xi32, #tpu.memory_space<vmem>>) target_semaphore(%run_scoped3A : memref<!tpu.dma_semaphore, #tpu.memory_space<semaphore_mem>>)
      %dma_wait3A_276 = tpu.memref_slice %arg3[%mul3A_28] : memref<700672xi32, #tpu.memory_space<hbm>> -> memref<22400xi32, #tpu.memory_space<hbm>>
      %dma_wait3A_277 = tpu.memref_slice %arg3[%mul3A_28] : memref<700672xi32, #tpu.memory_space<hbm>> -> memref<22400xi32, #tpu.memory_space<hbm>>
      tpu.wait_dma2 semaphore(%run_scoped3A : memref<!tpu.dma_semaphore, #tpu.memory_space<semaphore_mem>>) src(%dma_wait3A_277 : memref<22400xi32, #tpu.memory_space<hbm>>) dst(%arg6 : memref<22400xi32, #tpu.memory_space<vmem>>)
      tpu.yield
    }) : () -> ()
    %dma_start3A = arith.constant 0 : i32
    %dma_start3A_29 = arith.constant 0 : i32
    %dma_start3A_30 = arith.constant 0 : i32
    %dma_start3A_31 = tpu.memref_slice %arg7[%dma_start3A_29, %dma_start3A_30] : memref<448x128xf32, #tpu.memory_space<vmem>> -> memref<56x128xf32, #tpu.memory_space<vmem>>
    %dma_start3A_32 = arith.constant 0 : i32
    %dma_start3A_33 = tpu.memref_slice %arg6[%dma_start3A_32] : memref<22400xi32, #tpu.memory_space<vmem>> -> memref<56xi32, #tpu.memory_space<vmem>>
    %dma_start3A_34 = arith.constant 0 : i32
    %dma_start3A_35 = arith.constant 0 : i32
    %dma_start3A_36 = tpu.memref_slice %arg2[%dma_start3A_34, %dma_start3A_35] : memref<700000x128xf32, #tpu.memory_space<hbm>> -> memref<700000x128xf32, #tpu.memory_space<hbm>>
    %dma_start3A_37 = tpu.memref_slice %arg10[%dma_start3A] : memref<2x!tpu.dma_semaphore, #tpu.memory_space<semaphore_mem>> -> memref<1x!tpu.dma_semaphore, #tpu.memory_space<semaphore_mem>>
    %dma_start3A_38 = tpu.memref_squeeze %dma_start3A_37 : memref<1x!tpu.dma_semaphore, #tpu.memory_space<semaphore_mem>> -> memref<!tpu.dma_semaphore, #tpu.memory_space<semaphore_mem>>
    tpu.enqueue_indirect_dma source(%dma_start3A_36 : memref<700000x128xf32, #tpu.memory_space<hbm>>) target(%dma_start3A_31 : memref<56x128xf32, #tpu.memory_space<vmem>>) offsets(%dma_start3A_33 : memref<56xi32, #tpu.memory_space<vmem>>) semaphore(%dma_start3A_38 : memref<!tpu.dma_semaphore, #tpu.memory_space<semaphore_mem>>)
    %dma_start3A_39 = arith.constant 0 : i32
    %dma_start3A_40 = arith.constant 56 : i32
    %dma_start3A_41 = arith.constant 0 : i32
    %dma_start3A_42 = tpu.memref_slice %arg7[%dma_start3A_40, %dma_start3A_41] : memref<448x128xf32, #tpu.memory_space<vmem>> -> memref<56x128xf32, #tpu.memory_space<vmem>>
    %dma_start3A_43 = arith.constant 56 : i32
    %dma_start3A_44 = tpu.memref_slice %arg6[%dma_start3A_43] : memref<22400xi32, #tpu.memory_space<vmem>> -> memref<56xi32, #tpu.memory_space<vmem>>
    %dma_start3A_45 = arith.constant 0 : i32
    %dma_start3A_46 = arith.constant 0 : i32
    %dma_start3A_47 = tpu.memref_slice %arg2[%dma_start3A_45, %dma_start3A_46] : memref<700000x128xf32, #tpu.memory_space<hbm>> -> memref<700000x128xf32, #tpu.memory_space<hbm>>
    %dma_start3A_48 = tpu.memref_slice %arg10[%dma_start3A_39] : memref<2x!tpu.dma_semaphore, #tpu.memory_space<semaphore_mem>> -> memref<1x!tpu.dma_semaphore, #tpu.memory_space<semaphore_mem>>
    %dma_start3A_49 = tpu.memref_squeeze %dma_start3A_48 : memref<1x!tpu.dma_semaphore, #tpu.memory_space<semaphore_mem>> -> memref<!tpu.dma_semaphore, #tpu.memory_space<semaphore_mem>>
    tpu.enqueue_indirect_dma source(%dma_start3A_47 : memref<700000x128xf32, #tpu.memory_space<hbm>>) target(%dma_start3A_42 : memref<56x128xf32, #tpu.memory_space<vmem>>) offsets(%dma_start3A_44 : memref<56xi32, #tpu.memory_space<vmem>>) semaphore(%dma_start3A_49 : memref<!tpu.dma_semaphore, #tpu.memory_space<semaphore_mem>>)
    %dma_start3A_50 = arith.constant 0 : i32
    %dma_start3A_51 = arith.constant 112 : i32
    %dma_start3A_52 = arith.constant 0 : i32
    %dma_start3A_53 = tpu.memref_slice %arg7[%dma_start3A_51, %dma_start3A_52] : memref<448x128xf32, #tpu.memory_space<vmem>> -> memref<56x128xf32, #tpu.memory_space<vmem>>
    %dma_start3A_54 = arith.constant 112 : i32
    %dma_start3A_55 = tpu.memref_slice %arg6[%dma_start3A_54] : memref<22400xi32, #tpu.memory_space<vmem>> -> memref<56xi32, #tpu.memory_space<vmem>>
    %dma_start3A_56 = arith.constant 0 : i32
    %dma_start3A_57 = arith.constant 0 : i32
    %dma_start3A_58 = tpu.memref_slice %arg2[%dma_start3A_56, %dma_start3A_57] : memref<700000x128xf32, #tpu.memory_space<hbm>> -> memref<700000x128xf32, #tpu.memory_space<hbm>>
    %dma_start3A_59 = tpu.memref_slice %arg10[%dma_start3A_50] : memref<2x!tpu.dma_semaphore, #tpu.memory_space<semaphore_mem>> -> memref<1x!tpu.dma_semaphore, #tpu.memory_space<semaphore_mem>>
    %dma_start3A_60 = tpu.memref_squeeze %dma_start3A_59 : memref<1x!tpu.dma_semaphore, #tpu.memory_space<semaphore_mem>> -> memref<!tpu.dma_semaphore, #tpu.memory_space<semaphore_mem>>
    tpu.enqueue_indirect_dma source(%dma_start3A_58 : memref<700000x128xf32, #tpu.memory_space<hbm>>) target(%dma_start3A_53 : memref<56x128xf32, #tpu.memory_space<vmem>>) offsets(%dma_start3A_55 : memref<56xi32, #tpu.memory_space<vmem>>) semaphore(%dma_start3A_60 : memref<!tpu.dma_semaphore, #tpu.memory_space<semaphore_mem>>)
    %dma_start3A_61 = arith.constant 0 : i32
    %dma_start3A_62 = arith.constant 168 : i32
    %dma_start3A_63 = arith.constant 0 : i32
    %dma_start3A_64 = tpu.memref_slice %arg7[%dma_start3A_62, %dma_start3A_63] : memref<448x128xf32, #tpu.memory_space<vmem>> -> memref<56x128xf32, #tpu.memory_space<vmem>>
    %dma_start3A_65 = arith.constant 168 : i32
    %dma_start3A_66 = tpu.memref_slice %arg6[%dma_start3A_65] : memref<22400xi32, #tpu.memory_space<vmem>> -> memref<56xi32, #tpu.memory_space<vmem>>
    %dma_start3A_67 = arith.constant 0 : i32
    %dma_start3A_68 = arith.constant 0 : i32
    %dma_start3A_69 = tpu.memref_slice %arg2[%dma_start3A_67, %dma_start3A_68] : memref<700000x128xf32, #tpu.memory_space<hbm>> -> memref<700000x128xf32, #tpu.memory_space<hbm>>
    %dma_start3A_70 = tpu.memref_slice %arg10[%dma_start3A_61] : memref<2x!tpu.dma_semaphore, #tpu.memory_space<semaphore_mem>> -> memref<1x!tpu.dma_semaphore, #tpu.memory_space<semaphore_mem>>
    %dma_start3A_71 = tpu.memref_squeeze %dma_start3A_70 : memref<1x!tpu.dma_semaphore, #tpu.memory_space<semaphore_mem>> -> memref<!tpu.dma_semaphore, #tpu.memory_space<semaphore_mem>>
    tpu.enqueue_indirect_dma source(%dma_start3A_69 : memref<700000x128xf32, #tpu.memory_space<hbm>>) target(%dma_start3A_64 : memref<56x128xf32, #tpu.memory_space<vmem>>) offsets(%dma_start3A_66 : memref<56xi32, #tpu.memory_space<vmem>>) semaphore(%dma_start3A_71 : memref<!tpu.dma_semaphore, #tpu.memory_space<semaphore_mem>>)
    %dma_start3A_72 = arith.constant 1 : i32
    %dma_start3A_73 = arith.constant 224 : i32
    %dma_start3A_74 = arith.constant 0 : i32
    %dma_start3A_75 = tpu.memref_slice %arg7[%dma_start3A_73, %dma_start3A_74] : memref<448x128xf32, #tpu.memory_space<vmem>> -> memref<56x128xf32, #tpu.memory_space<vmem>>
    %dma_start3A_76 = arith.constant 224 : i32
    %dma_start3A_77 = tpu.memref_slice %arg6[%dma_start3A_76] : memref<22400xi32, #tpu.memory_space<vmem>> -> memref<56xi32, #tpu.memory_space<vmem>>
    %dma_start3A_78 = arith.constant 0 : i32
    %dma_start3A_79 = arith.constant 0 : i32
    %dma_start3A_80 = tpu.memref_slice %arg2[%dma_start3A_78, %dma_start3A_79] : memref<700000x128xf32, #tpu.memory_space<hbm>> -> memref<700000x128xf32, #tpu.memory_space<hbm>>
    %dma_start3A_81 = tpu.memref_slice %arg10[%dma_start3A_72] : memref<2x!tpu.dma_semaphore, #tpu.memory_space<semaphore_mem>> -> memref<1x!tpu.dma_semaphore, #tpu.memory_space<semaphore_mem>>
    %dma_start3A_82 = tpu.memref_squeeze %dma_start3A_81 : memref<1x!tpu.dma_semaphore, #tpu.memory_space<semaphore_mem>> -> memref<!tpu.dma_semaphore, #tpu.memory_space<semaphore_mem>>
    tpu.enqueue_indirect_dma source(%dma_start3A_80 : memref<700000x128xf32, #tpu.memory_space<hbm>>) target(%dma_start3A_75 : memref<56x128xf32, #tpu.memory_space<vmem>>) offsets(%dma_start3A_77 : memref<56xi32, #tpu.memory_space<vmem>>) semaphore(%dma_start3A_82 : memref<!tpu.dma_semaphore, #tpu.memory_space<semaphore_mem>>)
    %dma_start3A_83 = arith.constant 1 : i32
    %dma_start3A_84 = arith.constant 280 : i32
    %dma_start3A_85 = arith.constant 0 : i32
    %dma_start3A_86 = tpu.memref_slice %arg7[%dma_start3A_84, %dma_start3A_85] : memref<448x128xf32, #tpu.memory_space<vmem>> -> memref<56x128xf32, #tpu.memory_space<vmem>>
    %dma_start3A_87 = arith.constant 280 : i32
    %dma_start3A_88 = tpu.memref_slice %arg6[%dma_start3A_87] : memref<22400xi32, #tpu.memory_space<vmem>> -> memref<56xi32, #tpu.memory_space<vmem>>
    %dma_start3A_89 = arith.constant 0 : i32
    %dma_start3A_90 = arith.constant 0 : i32
    %dma_start3A_91 = tpu.memref_slice %arg2[%dma_start3A_89, %dma_start3A_90] : memref<700000x128xf32, #tpu.memory_space<hbm>> -> memref<700000x128xf32, #tpu.memory_space<hbm>>
    %dma_start3A_92 = tpu.memref_slice %arg10[%dma_start3A_83] : memref<2x!tpu.dma_semaphore, #tpu.memory_space<semaphore_mem>> -> memref<1x!tpu.dma_semaphore, #tpu.memory_space<semaphore_mem>>
    %dma_start3A_93 = tpu.memref_squeeze %dma_start3A_92 : memref<1x!tpu.dma_semaphore, #tpu.memory_space<semaphore_mem>> -> memref<!tpu.dma_semaphore, #tpu.memory_space<semaphore_mem>>
    tpu.enqueue_indirect_dma source(%dma_start3A_91 : memref<700000x128xf32, #tpu.memory_space<hbm>>) target(%dma_start3A_86 : memref<56x128xf32, #tpu.memory_space<vmem>>) offsets(%dma_start3A_88 : memref<56xi32, #tpu.memory_space<vmem>>) semaphore(%dma_start3A_93 : memref<!tpu.dma_semaphore, #tpu.memory_space<semaphore_mem>>)
    %dma_start3A_94 = arith.constant 1 : i32
    %dma_start3A_95 = arith.constant 336 : i32
    %dma_start3A_96 = arith.constant 0 : i32
    %dma_start3A_97 = tpu.memref_slice %arg7[%dma_start3A_95, %dma_start3A_96] : memref<448x128xf32, #tpu.memory_space<vmem>> -> memref<56x128xf32, #tpu.memory_space<vmem>>
    %dma_start3A_98 = arith.constant 336 : i32
    %dma_start3A_99 = tpu.memref_slice %arg6[%dma_start3A_98] : memref<22400xi32, #tpu.memory_space<vmem>> -> memref<56xi32, #tpu.memory_space<vmem>>
    %dma_start3A_100 = arith.constant 0 : i32
    %dma_start3A_101 = arith.constant 0 : i32
    %dma_start3A_102 = tpu.memref_slice %arg2[%dma_start3A_100, %dma_start3A_101] : memref<700000x128xf32, #tpu.memory_space<hbm>> -> memref<700000x128xf32, #tpu.memory_space<hbm>>
    %dma_start3A_103 = tpu.memref_slice %arg10[%dma_start3A_94] : memref<2x!tpu.dma_semaphore, #tpu.memory_space<semaphore_mem>> -> memref<1x!tpu.dma_semaphore, #tpu.memory_space<semaphore_mem>>
    %dma_start3A_104 = tpu.memref_squeeze %dma_start3A_103 : memref<1x!tpu.dma_semaphore, #tpu.memory_space<semaphore_mem>> -> memref<!tpu.dma_semaphore, #tpu.memory_space<semaphore_mem>>
    tpu.enqueue_indirect_dma source(%dma_start3A_102 : memref<700000x128xf32, #tpu.memory_space<hbm>>) target(%dma_start3A_97 : memref<56x128xf32, #tpu.memory_space<vmem>>) offsets(%dma_start3A_99 : memref<56xi32, #tpu.memory_space<vmem>>) semaphore(%dma_start3A_104 : memref<!tpu.dma_semaphore, #tpu.memory_space<semaphore_mem>>)
    %dma_start3A_105 = arith.constant 1 : i32
    %dma_start3A_106 = arith.constant 392 : i32
    %dma_start3A_107 = arith.constant 0 : i32
    %dma_start3A_108 = tpu.memref_slice %arg7[%dma_start3A_106, %dma_start3A_107] : memref<448x128xf32, #tpu.memory_space<vmem>> -> memref<56x128xf32, #tpu.memory_space<vmem>>
    %dma_start3A_109 = arith.constant 392 : i32
    %dma_start3A_110 = tpu.memref_slice %arg6[%dma_start3A_109] : memref<22400xi32, #tpu.memory_space<vmem>> -> memref<56xi32, #tpu.memory_space<vmem>>
    %dma_start3A_111 = arith.constant 0 : i32
    %dma_start3A_112 = arith.constant 0 : i32
    %dma_start3A_113 = tpu.memref_slice %arg2[%dma_start3A_111, %dma_start3A_112] : memref<700000x128xf32, #tpu.memory_space<hbm>> -> memref<700000x128xf32, #tpu.memory_space<hbm>>
    %dma_start3A_114 = tpu.memref_slice %arg10[%dma_start3A_105] : memref<2x!tpu.dma_semaphore, #tpu.memory_space<semaphore_mem>> -> memref<1x!tpu.dma_semaphore, #tpu.memory_space<semaphore_mem>>
    %dma_start3A_115 = tpu.memref_squeeze %dma_start3A_114 : memref<1x!tpu.dma_semaphore, #tpu.memory_space<semaphore_mem>> -> memref<!tpu.dma_semaphore, #tpu.memory_space<semaphore_mem>>
    tpu.enqueue_indirect_dma source(%dma_start3A_113 : memref<700000x128xf32, #tpu.memory_space<hbm>>) target(%dma_start3A_108 : memref<56x128xf32, #tpu.memory_space<vmem>>) offsets(%dma_start3A_110 : memref<56xi32, #tpu.memory_space<vmem>>) semaphore(%dma_start3A_115 : memref<!tpu.dma_semaphore, #tpu.memory_space<semaphore_mem>>)
    %while3A = arith.constant 0 : i32
    %while3A_116 = arith.constant 0 : i32
    %while3A_117 = arith.subi %select_n3A, %while3A : i32
    %while3A_118 = arith.addi %while3A, %while3A_117 : i32
    %while3A_119 = arith.constant 1 : i32
    %while3A_120 = arith.divsi %while3A_117, %while3A_119 : i32
    %while3A_121 = arith.muli %while3A_120, %while3A_119 : i32
    %while3A_122 = arith.addi %while3A, %while3A_121 : i32
    %while3A_123 = arith.constant 1 : i32
    %while3A_124 = scf.for %while3A_274 = %while3A to %while3A_122 step %while3A_123 iter_args(%while3A_275 = %while3A_116) -> (i32)  : i32 {
      %and3A = arith.constant 1 : i32
      %and3A_276 = arith.andi %while3A_274, %and3A : i32
      %dma_wait3A_277 = arith.constant 0 : i32
      %dma_wait3A_278 = arith.constant 0 : i32
      %dma_wait3A_279 = tpu.memref_slice %arg7[%dma_wait3A_277, %dma_wait3A_278] : memref<448x128xf32, #tpu.memory_space<vmem>> -> memref<56x128xf32, #tpu.memory_space<vmem>>
      %dma_wait3A_280 = arith.constant 0 : i32
      %dma_wait3A_281 = tpu.memref_slice %arg6[%dma_wait3A_280] : memref<22400xi32, #tpu.memory_space<vmem>> -> memref<56xi32, #tpu.memory_space<vmem>>
      %dma_wait3A_282 = arith.constant 0 : i32
      %dma_wait3A_283 = arith.constant 0 : i32
      %dma_wait3A_284 = tpu.memref_slice %arg2[%dma_wait3A_282, %dma_wait3A_283] : memref<700000x128xf32, #tpu.memory_space<hbm>> -> memref<700000x128xf32, #tpu.memory_space<hbm>>
      %dma_wait3A_285 = tpu.memref_slice %arg10[%and3A_276] : memref<2x!tpu.dma_semaphore, #tpu.memory_space<semaphore_mem>> -> memref<1x!tpu.dma_semaphore, #tpu.memory_space<semaphore_mem>>
      %dma_wait3A_286 = tpu.memref_squeeze %dma_wait3A_285 : memref<1x!tpu.dma_semaphore, #tpu.memory_space<semaphore_mem>> -> memref<!tpu.dma_semaphore, #tpu.memory_space<semaphore_mem>>
      tpu.wait_indirect_dma semaphore(%dma_wait3A_286 : memref<!tpu.dma_semaphore, #tpu.memory_space<semaphore_mem>>) src(%dma_wait3A_284 : memref<700000x128xf32, #tpu.memory_space<hbm>>) dst(%dma_wait3A_279 : memref<56x128xf32, #tpu.memory_space<vmem>>)
      %dma_wait3A_287 = arith.constant 56 : i32
      %dma_wait3A_288 = arith.constant 0 : i32
      %dma_wait3A_289 = tpu.memref_slice %arg7[%dma_wait3A_287, %dma_wait3A_288] : memref<448x128xf32, #tpu.memory_space<vmem>> -> memref<56x128xf32, #tpu.memory_space<vmem>>
      %dma_wait3A_290 = arith.constant 0 : i32
      %dma_wait3A_291 = tpu.memref_slice %arg6[%dma_wait3A_290] : memref<22400xi32, #tpu.memory_space<vmem>> -> memref<56xi32, #tpu.memory_space<vmem>>
      %dma_wait3A_292 = arith.constant 0 : i32
      %dma_wait3A_293 = arith.constant 0 : i32
      %dma_wait3A_294 = tpu.memref_slice %arg2[%dma_wait3A_292, %dma_wait3A_293] : memref<700000x128xf32, #tpu.memory_space<hbm>> -> memref<700000x128xf32, #tpu.memory_space<hbm>>
      %dma_wait3A_295 = tpu.memref_slice %arg10[%and3A_276] : memref<2x!tpu.dma_semaphore, #tpu.memory_space<semaphore_mem>> -> memref<1x!tpu.dma_semaphore, #tpu.memory_space<semaphore_mem>>
      %dma_wait3A_296 = tpu.memref_squeeze %dma_wait3A_295 : memref<1x!tpu.dma_semaphore, #tpu.memory_space<semaphore_mem>> -> memref<!tpu.dma_semaphore, #tpu.memory_space<semaphore_mem>>
      tpu.wait_indirect_dma semaphore(%dma_wait3A_296 : memref<!tpu.dma_semaphore, #tpu.memory_space<semaphore_mem>>) src(%dma_wait3A_294 : memref<700000x128xf32, #tpu.memory_space<hbm>>) dst(%dma_wait3A_289 : memref<56x128xf32, #tpu.memory_space<vmem>>)
      %dma_wait3A_297 = arith.constant 112 : i32
      %dma_wait3A_298 = arith.constant 0 : i32
      %dma_wait3A_299 = tpu.memref_slice %arg7[%dma_wait3A_297, %dma_wait3A_298] : memref<448x128xf32, #tpu.memory_space<vmem>> -> memref<56x128xf32, #tpu.memory_space<vmem>>
      %dma_wait3A_300 = arith.constant 0 : i32
      %dma_wait3A_301 = tpu.memref_slice %arg6[%dma_wait3A_300] : memref<22400xi32, #tpu.memory_space<vmem>> -> memref<56xi32, #tpu.memory_space<vmem>>
      %dma_wait3A_302 = arith.constant 0 : i32
      %dma_wait3A_303 = arith.constant 0 : i32
      %dma_wait3A_304 = tpu.memref_slice %arg2[%dma_wait3A_302, %dma_wait3A_303] : memref<700000x128xf32, #tpu.memory_space<hbm>> -> memref<700000x128xf32, #tpu.memory_space<hbm>>
      %dma_wait3A_305 = tpu.memref_slice %arg10[%and3A_276] : memref<2x!tpu.dma_semaphore, #tpu.memory_space<semaphore_mem>> -> memref<1x!tpu.dma_semaphore, #tpu.memory_space<semaphore_mem>>
      %dma_wait3A_306 = tpu.memref_squeeze %dma_wait3A_305 : memref<1x!tpu.dma_semaphore, #tpu.memory_space<semaphore_mem>> -> memref<!tpu.dma_semaphore, #tpu.memory_space<semaphore_mem>>
      tpu.wait_indirect_dma semaphore(%dma_wait3A_306 : memref<!tpu.dma_semaphore, #tpu.memory_space<semaphore_mem>>) src(%dma_wait3A_304 : memref<700000x128xf32, #tpu.memory_space<hbm>>) dst(%dma_wait3A_299 : memref<56x128xf32, #tpu.memory_space<vmem>>)
      %dma_wait3A_307 = arith.constant 168 : i32
      %dma_wait3A_308 = arith.constant 0 : i32
      %dma_wait3A_309 = tpu.memref_slice %arg7[%dma_wait3A_307, %dma_wait3A_308] : memref<448x128xf32, #tpu.memory_space<vmem>> -> memref<56x128xf32, #tpu.memory_space<vmem>>
      %dma_wait3A_310 = arith.constant 0 : i32
      %dma_wait3A_311 = tpu.memref_slice %arg6[%dma_wait3A_310] : memref<22400xi32, #tpu.memory_space<vmem>> -> memref<56xi32, #tpu.memory_space<vmem>>
      %dma_wait3A_312 = arith.constant 0 : i32
      %dma_wait3A_313 = arith.constant 0 : i32
      %dma_wait3A_314 = tpu.memref_slice %arg2[%dma_wait3A_312, %dma_wait3A_313] : memref<700000x128xf32, #tpu.memory_space<hbm>> -> memref<700000x128xf32, #tpu.memory_space<hbm>>
      %dma_wait3A_315 = tpu.memref_slice %arg10[%and3A_276] : memref<2x!tpu.dma_semaphore, #tpu.memory_space<semaphore_mem>> -> memref<1x!tpu.dma_semaphore, #tpu.memory_space<semaphore_mem>>
      %dma_wait3A_316 = tpu.memref_squeeze %dma_wait3A_315 : memref<1x!tpu.dma_semaphore, #tpu.memory_space<semaphore_mem>> -> memref<!tpu.dma_semaphore, #tpu.memory_space<semaphore_mem>>
      tpu.wait_indirect_dma semaphore(%dma_wait3A_316 : memref<!tpu.dma_semaphore, #tpu.memory_space<semaphore_mem>>) src(%dma_wait3A_314 : memref<700000x128xf32, #tpu.memory_space<hbm>>) dst(%dma_wait3A_309 : memref<56x128xf32, #tpu.memory_space<vmem>>)
      %ge3A = arith.constant 2 : i32
      %ge3A_317 = arith.cmpi sge, %while3A_274, %ge3A : i32
      %convert_element_type3A = arith.extui %ge3A_317 : i1 to i32
      %cond3A = arith.constant 0 : i32
      %cond3A_318 = arith.cmpi ne, %convert_element_type3A, %cond3A : i32
      scf.if %cond3A_318 {
        %dma_wait3A_409 = arith.constant 0 : i32
        %dma_wait3A_410 = arith.constant 0 : i32
        %dma_wait3A_411 = tpu.memref_slice %arg8[%dma_wait3A_409, %dma_wait3A_410] : memref<64x128xf32, #tpu.memory_space<vmem>> -> memref<32x128xf32, #tpu.memory_space<vmem>>
        %dma_wait3A_412 = arith.constant 0 : i32
        %dma_wait3A_413 = arith.constant 0 : i32
        %dma_wait3A_414 = tpu.memref_slice %arg4[%dma_wait3A_412, %dma_wait3A_413] : memref<100000x128xf32, #tpu.memory_space<hbm>> -> memref<32x128xf32, #tpu.memory_space<hbm>>
        %dma_wait3A_415 = tpu.memref_slice %arg11[%and3A_276] : memref<2x!tpu.dma_semaphore, #tpu.memory_space<semaphore_mem>> -> memref<1x!tpu.dma_semaphore, #tpu.memory_space<semaphore_mem>>
        %dma_wait3A_416 = tpu.memref_squeeze %dma_wait3A_415 : memref<1x!tpu.dma_semaphore, #tpu.memory_space<semaphore_mem>> -> memref<!tpu.dma_semaphore, #tpu.memory_space<semaphore_mem>>
        %dma_wait3A_417 = arith.constant 0 : i32
        %dma_wait3A_418 = arith.constant 0 : i32
        %dma_wait3A_419 = tpu.memref_slice %arg4[%dma_wait3A_417, %dma_wait3A_418] : memref<100000x128xf32, #tpu.memory_space<hbm>> -> memref<32x128xf32, #tpu.memory_space<hbm>>
        %dma_wait3A_420 = arith.constant 0 : i32
        %dma_wait3A_421 = arith.constant 0 : i32
        %dma_wait3A_422 = tpu.memref_slice %arg8[%dma_wait3A_420, %dma_wait3A_421] : memref<64x128xf32, #tpu.memory_space<vmem>> -> memref<32x128xf32, #tpu.memory_space<vmem>>
        tpu.wait_dma2 semaphore(%dma_wait3A_416 : memref<!tpu.dma_semaphore, #tpu.memory_space<semaphore_mem>>) src(%dma_wait3A_422 : memref<32x128xf32, #tpu.memory_space<vmem>>) dst(%dma_wait3A_419 : memref<32x128xf32, #tpu.memory_space<hbm>>)
        %dma_wait3A_423 = arith.constant 0 : i32
        %dma_wait3A_424 = arith.constant 0 : i32
        %dma_wait3A_425 = tpu.memref_slice %arg9[%dma_wait3A_423, %dma_wait3A_424] : memref<64x128xi32, #tpu.memory_space<vmem>> -> memref<32x128xi32, #tpu.memory_space<vmem>>
        %dma_wait3A_426 = arith.constant 0 : i32
        %dma_wait3A_427 = arith.constant 0 : i32
        %dma_wait3A_428 = tpu.memref_slice %arg5[%dma_wait3A_426, %dma_wait3A_427] : memref<100000x128xi32, #tpu.memory_space<hbm>> -> memref<32x128xi32, #tpu.memory_space<hbm>>
        %dma_wait3A_429 = tpu.memref_slice %arg11[%and3A_276] : memref<2x!tpu.dma_semaphore, #tpu.memory_space<semaphore_mem>> -> memref<1x!tpu.dma_semaphore, #tpu.memory_space<semaphore_mem>>
        %dma_wait3A_430 = tpu.memref_squeeze %dma_wait3A_429 : memref<1x!tpu.dma_semaphore, #tpu.memory_space<semaphore_mem>> -> memref<!tpu.dma_semaphore, #tpu.memory_space<semaphore_mem>>
        %dma_wait3A_431 = arith.constant 0 : i32
        %dma_wait3A_432 = arith.constant 0 : i32
        %dma_wait3A_433 = tpu.memref_slice %arg5[%dma_wait3A_431, %dma_wait3A_432] : memref<100000x128xi32, #tpu.memory_space<hbm>> -> memref<32x128xi32, #tpu.memory_space<hbm>>
        %dma_wait3A_434 = arith.constant 0 : i32
        %dma_wait3A_435 = arith.constant 0 : i32
        %dma_wait3A_436 = tpu.memref_slice %arg9[%dma_wait3A_434, %dma_wait3A_435] : memref<64x128xi32, #tpu.memory_space<vmem>> -> memref<32x128xi32, #tpu.memory_space<vmem>>
        tpu.wait_dma2 semaphore(%dma_wait3A_430 : memref<!tpu.dma_semaphore, #tpu.memory_space<semaphore_mem>>) src(%dma_wait3A_436 : memref<32x128xi32, #tpu.memory_space<vmem>>) dst(%dma_wait3A_433 : memref<32x128xi32, #tpu.memory_space<hbm>>)
      } else {
      }
      %mul3A_319 = arith.constant 224 : i32
      %mul3A_320 = arith.muli %and3A_276, %mul3A_319 : i32
      %mul3A_321 = arith.constant 32 : i32
      %mul3A_322 = arith.muli %and3A_276, %mul3A_321 : i32
      %scan3A = arith.constant 0 : i32
      %scan3A_323 = arith.constant 0 : i32
      %scan3A_324 = arith.constant 32 : i32
      %scan3A_325 = arith.addi %scan3A_323, %scan3A_324 : i32
      %scan3A_326 = arith.constant 1 : i32
      %scan3A_327 = scf.for %scan3A_409 = %scan3A_323 to %scan3A_325 step %scan3A_326 iter_args(%scan3A_410 = %scan3A) -> (i32)  : i32 {
        %mul3A_411 = arith.constant 896 : i32
        %mul3A_412 = arith.muli %scan3A_409, %mul3A_411 : i32
        %mul3A_413 = arith.constant 128 : i32
        %mul3A_414 = arith.muli %mul3A_320, %mul3A_413 : i32
        %add3A_415 = arith.addi %mul3A_412, %mul3A_414 : i32
        %add3A_416 = arith.addi %scan3A_409, %mul3A_322 : i32
        %add3A_417 = arith.constant 0 : i32
        %add3A_418 = arith.addi %add3A_415, %add3A_417 : i32
        %add3A_419 = vector.broadcast %add3A_418 : i32 to vector<16xi32>
        %add3A_420 = arith.addi %mul3A_11, %add3A_419 : vector<16xi32>
        %gather3A = tpu.vector_load_idx %arg7[%broadcast_in_dim3A_26, %add3A_420] : memref<448x128xf32, #tpu.memory_space<vmem>>[vector<16xi32>, vector<16xi32>], vector<16xf32>,
        %add3A_421 = arith.constant 1 : i32
        %add3A_422 = arith.addi %add3A_415, %add3A_421 : i32
        %add3A_423 = vector.broadcast %add3A_422 : i32 to vector<16xi32>
        %add3A_424 = arith.addi %mul3A_11, %add3A_423 : vector<16xi32>
        %gather3A_425 = tpu.vector_load_idx %arg7[%broadcast_in_dim3A_26, %add3A_424] : memref<448x128xf32, #tpu.memory_space<vmem>>[vector<16xi32>, vector<16xi32>], vector<16xf32>,
        %gt3A = arith.cmpf ogt, %gather3A_425, %gather3A : vector<16xf32>
        %max3A = arith.maximumf %gather3A, %gather3A_425 : vector<16xf32>
        %select_n3A_426 = arith.select %gt3A, %broadcast_in_dim3A_14, %broadcast_in_dim3A_12 : vector<16xi1>, vector<16xf32>
        %add3A_427 = arith.constant 2 : i32
        %add3A_428 = arith.addi %add3A_415, %add3A_427 : i32
        %add3A_429 = vector.broadcast %add3A_428 : i32 to vector<16xi32>
        %add3A_430 = arith.addi %mul3A_11, %add3A_429 : vector<16xi32>
        %gather3A_431 = tpu.vector_load_idx %arg7[%broadcast_in_dim3A_26, %add3A_430] : memref<448x128xf32, #tpu.memory_space<vmem>>[vector<16xi32>, vector<16xi32>], vector<16xf32>,
        %gt3A_432 = arith.cmpf ogt, %gather3A_431, %max3A : vector<16xf32>
        %max3A_433 = arith.maximumf %max3A, %gather3A_431 : vector<16xf32>
        %select_n3A_434 = arith.select %gt3A_432, %broadcast_in_dim3A_16, %select_n3A_426 : vector<16xi1>, vector<16xf32>
        %add3A_435 = arith.constant 3 : i32
        %add3A_436 = arith.addi %add3A_415, %add3A_435 : i32
        %add3A_437 = vector.broadcast %add3A_436 : i32 to vector<16xi32>
        %add3A_438 = arith.addi %mul3A_11, %add3A_437 : vector<16xi32>
        %gather3A_439 = tpu.vector_load_idx %arg7[%broadcast_in_dim3A_26, %add3A_438] : memref<448x128xf32, #tpu.memory_space<vmem>>[vector<16xi32>, vector<16xi32>], vector<16xf32>,
        %gt3A_440 = arith.cmpf ogt, %gather3A_439, %max3A_433 : vector<16xf32>
        %max3A_441 = arith.maximumf %max3A_433, %gather3A_439 : vector<16xf32>
        %select_n3A_442 = arith.select %gt3A_440, %broadcast_in_dim3A_18, %select_n3A_434 : vector<16xi1>, vector<16xf32>
        %add3A_443 = arith.constant 4 : i32
        %add3A_444 = arith.addi %add3A_415, %add3A_443 : i32
        %add3A_445 = vector.broadcast %add3A_444 : i32 to vector<16xi32>
        %add3A_446 = arith.addi %mul3A_11, %add3A_445 : vector<16xi32>
        %gather3A_447 = tpu.vector_load_idx %arg7[%broadcast_in_dim3A_26, %add3A_446] : memref<448x128xf32, #tpu.memory_space<vmem>>[vector<16xi32>, vector<16xi32>], vector<16xf32>,
        %gt3A_448 = arith.cmpf ogt, %gather3A_447, %max3A_441 : vector<16xf32>
        %max3A_449 = arith.maximumf %max3A_441, %gather3A_447 : vector<16xf32>
        %select_n3A_450 = arith.select %gt3A_448, %broadcast_in_dim3A_20, %select_n3A_442 : vector<16xi1>, vector<16xf32>
        %add3A_451 = arith.constant 5 : i32
        %add3A_452 = arith.addi %add3A_415, %add3A_451 : i32
        %add3A_453 = vector.broadcast %add3A_452 : i32 to vector<16xi32>
        %add3A_454 = arith.addi %mul3A_11, %add3A_453 : vector<16xi32>
        %gather3A_455 = tpu.vector_load_idx %arg7[%broadcast_in_dim3A_26, %add3A_454] : memref<448x128xf32, #tpu.memory_space<vmem>>[vector<16xi32>, vector<16xi32>], vector<16xf32>,
        %gt3A_456 = arith.cmpf ogt, %gather3A_455, %max3A_449 : vector<16xf32>
        %max3A_457 = arith.maximumf %max3A_449, %gather3A_455 : vector<16xf32>
        %select_n3A_458 = arith.select %gt3A_456, %broadcast_in_dim3A_22, %select_n3A_450 : vector<16xi1>, vector<16xf32>
        %add3A_459 = arith.constant 6 : i32
        %add3A_460 = arith.addi %add3A_415, %add3A_459 : i32
        %add3A_461 = vector.broadcast %add3A_460 : i32 to vector<16xi32>
        %add3A_462 = arith.addi %mul3A_11, %add3A_461 : vector<16xi32>
        %gather3A_463 = tpu.vector_load_idx %arg7[%broadcast_in_dim3A_26, %add3A_462] : memref<448x128xf32, #tpu.memory_space<vmem>>[vector<16xi32>, vector<16xi32>], vector<16xf32>,
        %gt3A_464 = arith.cmpf ogt, %gather3A_463, %max3A_457 : vector<16xf32>
        %max3A_465 = arith.maximumf %max3A_457, %gather3A_463 : vector<16xf32>
        %select_n3A_466 = arith.select %gt3A_464, %broadcast_in_dim3A_24, %select_n3A_458 : vector<16xi1>, vector<16xf32>
        %swap3A = arith.index_cast %add3A_416 : i32 to index
        %swap3A_467 = arith.constant 0 : index
        %swap3A_468 = tpu.vector_load %arg8[%swap3A, %swap3A_467] {strides = array<i32>} : memref<64x128xf32, #tpu.memory_space<vmem>>, vector<16xf32>,
        tpu.vector_store %arg8[%swap3A, %swap3A_467], %max3A_465 {strides = array<i32>} : memref<64x128xf32, #tpu.memory_space<vmem>>, vector<16xf32>,
        %convert_element_type3A_469 = arith.fptosi %select_n3A_466 : vector<16xf32> to vector<16xi32>
        %swap3A_470 = arith.index_cast %add3A_416 : i32 to index
        %swap3A_471 = arith.constant 0 : index
        %swap3A_472 = tpu.vector_load %arg9[%swap3A_470, %swap3A_471] {strides = array<i32>} : memref<64x128xi32, #tpu.memory_space<vmem>>, vector<16xi32>,
        tpu.vector_store %arg9[%swap3A_470, %swap3A_471], %convert_element_type3A_469 {strides = array<i32>} : memref<64x128xi32, #tpu.memory_space<vmem>>, vector<16xi32>,
        %add3A_473 = arith.constant 112 : i32
        %add3A_474 = arith.addi %add3A_415, %add3A_473 : i32
        %add3A_475 = vector.broadcast %add3A_474 : i32 to vector<16xi32>
        %add3A_476 = arith.addi %mul3A_11, %add3A_475 : vector<16xi32>
        %gather3A_477 = tpu.vector_load_idx %arg7[%broadcast_in_dim3A_26, %add3A_476] : memref<448x128xf32, #tpu.memory_space<vmem>>[vector<16xi32>, vector<16xi32>], vector<16xf32>,
        %add3A_478 = arith.constant 113 : i32
        %add3A_479 = arith.addi %add3A_415, %add3A_478 : i32
        %add3A_480 = vector.broadcast %add3A_479 : i32 to vector<16xi32>
        %add3A_481 = arith.addi %mul3A_11, %add3A_480 : vector<16xi32>
        %gather3A_482 = tpu.vector_load_idx %arg7[%broadcast_in_dim3A_26, %add3A_481] : memref<448x128xf32, #tpu.memory_space<vmem>>[vector<16xi32>, vector<16xi32>], vector<16xf32>,
        %gt3A_483 = arith.cmpf ogt, %gather3A_482, %gather3A_477 : vector<16xf32>
        %max3A_484 = arith.maximumf %gather3A_477, %gather3A_482 : vector<16xf32>
        %select_n3A_485 = arith.select %gt3A_483, %broadcast_in_dim3A_14, %broadcast_in_dim3A_12 : vector<16xi1>, vector<16xf32>
        %add3A_486 = arith.constant 114 : i32
        %add3A_487 = arith.addi %add3A_415, %add3A_486 : i32
        %add3A_488 = vector.broadcast %add3A_487 : i32 to vector<16xi32>
        %add3A_489 = arith.addi %mul3A_11, %add3A_488 : vector<16xi32>
        %gather3A_490 = tpu.vector_load_idx %arg7[%broadcast_in_dim3A_26, %add3A_489] : memref<448x128xf32, #tpu.memory_space<vmem>>[vector<16xi32>, vector<16xi32>], vector<16xf32>,
        %gt3A_491 = arith.cmpf ogt, %gather3A_490, %max3A_484 : vector<16xf32>
        %max3A_492 = arith.maximumf %max3A_484, %gather3A_490 : vector<16xf32>
        %select_n3A_493 = arith.select %gt3A_491, %broadcast_in_dim3A_16, %select_n3A_485 : vector<16xi1>, vector<16xf32>
        %add3A_494 = arith.constant 115 : i32
        %add3A_495 = arith.addi %add3A_415, %add3A_494 : i32
        %add3A_496 = vector.broadcast %add3A_495 : i32 to vector<16xi32>
        %add3A_497 = arith.addi %mul3A_11, %add3A_496 : vector<16xi32>
        %gather3A_498 = tpu.vector_load_idx %arg7[%broadcast_in_dim3A_26, %add3A_497] : memref<448x128xf32, #tpu.memory_space<vmem>>[vector<16xi32>, vector<16xi32>], vector<16xf32>,
        %gt3A_499 = arith.cmpf ogt, %gather3A_498, %max3A_492 : vector<16xf32>
        %max3A_500 = arith.maximumf %max3A_492, %gather3A_498 : vector<16xf32>
        %select_n3A_501 = arith.select %gt3A_499, %broadcast_in_dim3A_18, %select_n3A_493 : vector<16xi1>, vector<16xf32>
        %add3A_502 = arith.constant 116 : i32
        %add3A_503 = arith.addi %add3A_415, %add3A_502 : i32
        %add3A_504 = vector.broadcast %add3A_503 : i32 to vector<16xi32>
        %add3A_505 = arith.addi %mul3A_11, %add3A_504 : vector<16xi32>
        %gather3A_506 = tpu.vector_load_idx %arg7[%broadcast_in_dim3A_26, %add3A_505] : memref<448x128xf32, #tpu.memory_space<vmem>>[vector<16xi32>, vector<16xi32>], vector<16xf32>,
        %gt3A_507 = arith.cmpf ogt, %gather3A_506, %max3A_500 : vector<16xf32>
        %max3A_508 = arith.maximumf %max3A_500, %gather3A_506 : vector<16xf32>
        %select_n3A_509 = arith.select %gt3A_507, %broadcast_in_dim3A_20, %select_n3A_501 : vector<16xi1>, vector<16xf32>
        %add3A_510 = arith.constant 117 : i32
        %add3A_511 = arith.addi %add3A_415, %add3A_510 : i32
        %add3A_512 = vector.broadcast %add3A_511 : i32 to vector<16xi32>
        %add3A_513 = arith.addi %mul3A_11, %add3A_512 : vector<16xi32>
        %gather3A_514 = tpu.vector_load_idx %arg7[%broadcast_in_dim3A_26, %add3A_513] : memref<448x128xf32, #tpu.memory_space<vmem>>[vector<16xi32>, vector<16xi32>], vector<16xf32>,
        %gt3A_515 = arith.cmpf ogt, %gather3A_514, %max3A_508 : vector<16xf32>
        %max3A_516 = arith.maximumf %max3A_508, %gather3A_514 : vector<16xf32>
        %select_n3A_517 = arith.select %gt3A_515, %broadcast_in_dim3A_22, %select_n3A_509 : vector<16xi1>, vector<16xf32>
        %add3A_518 = arith.constant 118 : i32
        %add3A_519 = arith.addi %add3A_415, %add3A_518 : i32
        %add3A_520 = vector.broadcast %add3A_519 : i32 to vector<16xi32>
        %add3A_521 = arith.addi %mul3A_11, %add3A_520 : vector<16xi32>
        %gather3A_522 = tpu.vector_load_idx %arg7[%broadcast_in_dim3A_26, %add3A_521] : memref<448x128xf32, #tpu.memory_space<vmem>>[vector<16xi32>, vector<16xi32>], vector<16xf32>,
        %gt3A_523 = arith.cmpf ogt, %gather3A_522, %max3A_516 : vector<16xf32>
        %max3A_524 = arith.maximumf %max3A_516, %gather3A_522 : vector<16xf32>
        %select_n3A_525 = arith.select %gt3A_523, %broadcast_in_dim3A_24, %select_n3A_517 : vector<16xi1>, vector<16xf32>
        %swap3A_526 = arith.index_cast %add3A_416 : i32 to index
        %swap3A_527 = arith.constant 16 : index
        %swap3A_528 = tpu.vector_load %arg8[%swap3A_526, %swap3A_527] {strides = array<i32>} : memref<64x128xf32, #tpu.memory_space<vmem>>, vector<16xf32>,
        tpu.vector_store %arg8[%swap3A_526, %swap3A_527], %max3A_524 {strides = array<i32>} : memref<64x128xf32, #tpu.memory_space<vmem>>, vector<16xf32>,
        %convert_element_type3A_529 = arith.fptosi %select_n3A_525 : vector<16xf32> to vector<16xi32>
        %swap3A_530 = arith.index_cast %add3A_416 : i32 to index
        %swap3A_531 = arith.constant 16 : index
        %swap3A_532 = tpu.vector_load %arg9[%swap3A_530, %swap3A_531] {strides = array<i32>} : memref<64x128xi32, #tpu.memory_space<vmem>>, vector<16xi32>,
        tpu.vector_store %arg9[%swap3A_530, %swap3A_531], %convert_element_type3A_529 {strides = array<i32>} : memref<64x128xi32, #tpu.memory_space<vmem>>, vector<16xi32>,
        %add3A_533 = arith.constant 224 : i32
        %add3A_534 = arith.addi %add3A_415, %add3A_533 : i32
        %add3A_535 = vector.broadcast %add3A_534 : i32 to vector<16xi32>
        %add3A_536 = arith.addi %mul3A_11, %add3A_535 : vector<16xi32>
        %gather3A_537 = tpu.vector_load_idx %arg7[%broadcast_in_dim3A_26, %add3A_536] : memref<448x128xf32, #tpu.memory_space<vmem>>[vector<16xi32>, vector<16xi32>], vector<16xf32>,
        %add3A_538 = arith.constant 225 : i32
        %add3A_539 = arith.addi %add3A_415, %add3A_538 : i32
        %add3A_540 = vector.broadcast %add3A_539 : i32 to vector<16xi32>
        %add3A_541 = arith.addi %mul3A_11, %add3A_540 : vector<16xi32>
        %gather3A_542 = tpu.vector_load_idx %arg7[%broadcast_in_dim3A_26, %add3A_541] : memref<448x128xf32, #tpu.memory_space<vmem>>[vector<16xi32>, vector<16xi32>], vector<16xf32>,
        %gt3A_543 = arith.cmpf ogt, %gather3A_542, %gather3A_537 : vector<16xf32>
        %max3A_544 = arith.maximumf %gather3A_537, %gather3A_542 : vector<16xf32>
        %select_n3A_545 = arith.select %gt3A_543, %broadcast_in_dim3A_14, %broadcast_in_dim3A_12 : vector<16xi1>, vector<16xf32>
        %add3A_546 = arith.constant 226 : i32
        %add3A_547 = arith.addi %add3A_415, %add3A_546 : i32
        %add3A_548 = vector.broadcast %add3A_547 : i32 to vector<16xi32>
        %add3A_549 = arith.addi %mul3A_11, %add3A_548 : vector<16xi32>
        %gather3A_550 = tpu.vector_load_idx %arg7[%broadcast_in_dim3A_26, %add3A_549] : memref<448x128xf32, #tpu.memory_space<vmem>>[vector<16xi32>, vector<16xi32>], vector<16xf32>,
        %gt3A_551 = arith.cmpf ogt, %gather3A_550, %max3A_544 : vector<16xf32>
        %max3A_552 = arith.maximumf %max3A_544, %gather3A_550 : vector<16xf32>
        %select_n3A_553 = arith.select %gt3A_551, %broadcast_in_dim3A_16, %select_n3A_545 : vector<16xi1>, vector<16xf32>
        %add3A_554 = arith.constant 227 : i32
        %add3A_555 = arith.addi %add3A_415, %add3A_554 : i32
        %add3A_556 = vector.broadcast %add3A_555 : i32 to vector<16xi32>
        %add3A_557 = arith.addi %mul3A_11, %add3A_556 : vector<16xi32>
        %gather3A_558 = tpu.vector_load_idx %arg7[%broadcast_in_dim3A_26, %add3A_557] : memref<448x128xf32, #tpu.memory_space<vmem>>[vector<16xi32>, vector<16xi32>], vector<16xf32>,
        %gt3A_559 = arith.cmpf ogt, %gather3A_558, %max3A_552 : vector<16xf32>
        %max3A_560 = arith.maximumf %max3A_552, %gather3A_558 : vector<16xf32>
        %select_n3A_561 = arith.select %gt3A_559, %broadcast_in_dim3A_18, %select_n3A_553 : vector<16xi1>, vector<16xf32>
        %add3A_562 = arith.constant 228 : i32
        %add3A_563 = arith.addi %add3A_415, %add3A_562 : i32
        %add3A_564 = vector.broadcast %add3A_563 : i32 to vector<16xi32>
        %add3A_565 = arith.addi %mul3A_11, %add3A_564 : vector<16xi32>
        %gather3A_566 = tpu.vector_load_idx %arg7[%broadcast_in_dim3A_26, %add3A_565] : memref<448x128xf32, #tpu.memory_space<vmem>>[vector<16xi32>, vector<16xi32>], vector<16xf32>,
        %gt3A_567 = arith.cmpf ogt, %gather3A_566, %max3A_560 : vector<16xf32>
        %max3A_568 = arith.maximumf %max3A_560, %gather3A_566 : vector<16xf32>
        %select_n3A_569 = arith.select %gt3A_567, %broadcast_in_dim3A_20, %select_n3A_561 : vector<16xi1>, vector<16xf32>
        %add3A_570 = arith.constant 229 : i32
        %add3A_571 = arith.addi %add3A_415, %add3A_570 : i32
        %add3A_572 = vector.broadcast %add3A_571 : i32 to vector<16xi32>
        %add3A_573 = arith.addi %mul3A_11, %add3A_572 : vector<16xi32>
        %gather3A_574 = tpu.vector_load_idx %arg7[%broadcast_in_dim3A_26, %add3A_573] : memref<448x128xf32, #tpu.memory_space<vmem>>[vector<16xi32>, vector<16xi32>], vector<16xf32>,
        %gt3A_575 = arith.cmpf ogt, %gather3A_574, %max3A_568 : vector<16xf32>
        %max3A_576 = arith.maximumf %max3A_568, %gather3A_574 : vector<16xf32>
        %select_n3A_577 = arith.select %gt3A_575, %broadcast_in_dim3A_22, %select_n3A_569 : vector<16xi1>, vector<16xf32>
        %add3A_578 = arith.constant 230 : i32
        %add3A_579 = arith.addi %add3A_415, %add3A_578 : i32
        %add3A_580 = vector.broadcast %add3A_579 : i32 to vector<16xi32>
        %add3A_581 = arith.addi %mul3A_11, %add3A_580 : vector<16xi32>
        %gather3A_582 = tpu.vector_load_idx %arg7[%broadcast_in_dim3A_26, %add3A_581] : memref<448x128xf32, #tpu.memory_space<vmem>>[vector<16xi32>, vector<16xi32>], vector<16xf32>,
        %gt3A_583 = arith.cmpf ogt, %gather3A_582, %max3A_576 : vector<16xf32>
        %max3A_584 = arith.maximumf %max3A_576, %gather3A_582 : vector<16xf32>
        %select_n3A_585 = arith.select %gt3A_583, %broadcast_in_dim3A_24, %select_n3A_577 : vector<16xi1>, vector<16xf32>
        %swap3A_586 = arith.index_cast %add3A_416 : i32 to index
        %swap3A_587 = arith.constant 32 : index
        %swap3A_588 = tpu.vector_load %arg8[%swap3A_586, %swap3A_587] {strides = array<i32>} : memref<64x128xf32, #tpu.memory_space<vmem>>, vector<16xf32>,
        tpu.vector_store %arg8[%swap3A_586, %swap3A_587], %max3A_584 {strides = array<i32>} : memref<64x128xf32, #tpu.memory_space<vmem>>, vector<16xf32>,
        %convert_element_type3A_589 = arith.fptosi %select_n3A_585 : vector<16xf32> to vector<16xi32>
        %swap3A_590 = arith.index_cast %add3A_416 : i32 to index
        %swap3A_591 = arith.constant 32 : index
        %swap3A_592 = tpu.vector_load %arg9[%swap3A_590, %swap3A_591] {strides = array<i32>} : memref<64x128xi32, #tpu.memory_space<vmem>>, vector<16xi32>,
        tpu.vector_store %arg9[%swap3A_590, %swap3A_591], %convert_element_type3A_589 {strides = array<i32>} : memref<64x128xi32, #tpu.memory_space<vmem>>, vector<16xi32>,
        %add3A_593 = arith.constant 336 : i32
        %add3A_594 = arith.addi %add3A_415, %add3A_593 : i32
        %add3A_595 = vector.broadcast %add3A_594 : i32 to vector<16xi32>
        %add3A_596 = arith.addi %mul3A_11, %add3A_595 : vector<16xi32>
        %gather3A_597 = tpu.vector_load_idx %arg7[%broadcast_in_dim3A_26, %add3A_596] : memref<448x128xf32, #tpu.memory_space<vmem>>[vector<16xi32>, vector<16xi32>], vector<16xf32>,
        %add3A_598 = arith.constant 337 : i32
        %add3A_599 = arith.addi %add3A_415, %add3A_598 : i32
        %add3A_600 = vector.broadcast %add3A_599 : i32 to vector<16xi32>
        %add3A_601 = arith.addi %mul3A_11, %add3A_600 : vector<16xi32>
        %gather3A_602 = tpu.vector_load_idx %arg7[%broadcast_in_dim3A_26, %add3A_601] : memref<448x128xf32, #tpu.memory_space<vmem>>[vector<16xi32>, vector<16xi32>], vector<16xf32>,
        %gt3A_603 = arith.cmpf ogt, %gather3A_602, %gather3A_597 : vector<16xf32>
        %max3A_604 = arith.maximumf %gather3A_597, %gather3A_602 : vector<16xf32>
        %select_n3A_605 = arith.select %gt3A_603, %broadcast_in_dim3A_14, %broadcast_in_dim3A_12 : vector<16xi1>, vector<16xf32>
        %add3A_606 = arith.constant 338 : i32
        %add3A_607 = arith.addi %add3A_415, %add3A_606 : i32
        %add3A_608 = vector.broadcast %add3A_607 : i32 to vector<16xi32>
        %add3A_609 = arith.addi %mul3A_11, %add3A_608 : vector<16xi32>
        %gather3A_610 = tpu.vector_load_idx %arg7[%broadcast_in_dim3A_26, %add3A_609] : memref<448x128xf32, #tpu.memory_space<vmem>>[vector<16xi32>, vector<16xi32>], vector<16xf32>,
        %gt3A_611 = arith.cmpf ogt, %gather3A_610, %max3A_604 : vector<16xf32>
        %max3A_612 = arith.maximumf %max3A_604, %gather3A_610 : vector<16xf32>
        %select_n3A_613 = arith.select %gt3A_611, %broadcast_in_dim3A_16, %select_n3A_605 : vector<16xi1>, vector<16xf32>
        %add3A_614 = arith.constant 339 : i32
        %add3A_615 = arith.addi %add3A_415, %add3A_614 : i32
        %add3A_616 = vector.broadcast %add3A_615 : i32 to vector<16xi32>
        %add3A_617 = arith.addi %mul3A_11, %add3A_616 : vector<16xi32>
        %gather3A_618 = tpu.vector_load_idx %arg7[%broadcast_in_dim3A_26, %add3A_617] : memref<448x128xf32, #tpu.memory_space<vmem>>[vector<16xi32>, vector<16xi32>], vector<16xf32>,
        %gt3A_619 = arith.cmpf ogt, %gather3A_618, %max3A_612 : vector<16xf32>
        %max3A_620 = arith.maximumf %max3A_612, %gather3A_618 : vector<16xf32>
        %select_n3A_621 = arith.select %gt3A_619, %broadcast_in_dim3A_18, %select_n3A_613 : vector<16xi1>, vector<16xf32>
        %add3A_622 = arith.constant 340 : i32
        %add3A_623 = arith.addi %add3A_415, %add3A_622 : i32
        %add3A_624 = vector.broadcast %add3A_623 : i32 to vector<16xi32>
        %add3A_625 = arith.addi %mul3A_11, %add3A_624 : vector<16xi32>
        %gather3A_626 = tpu.vector_load_idx %arg7[%broadcast_in_dim3A_26, %add3A_625] : memref<448x128xf32, #tpu.memory_space<vmem>>[vector<16xi32>, vector<16xi32>], vector<16xf32>,
        %gt3A_627 = arith.cmpf ogt, %gather3A_626, %max3A_620 : vector<16xf32>
        %max3A_628 = arith.maximumf %max3A_620, %gather3A_626 : vector<16xf32>
        %select_n3A_629 = arith.select %gt3A_627, %broadcast_in_dim3A_20, %select_n3A_621 : vector<16xi1>, vector<16xf32>
        %add3A_630 = arith.constant 341 : i32
        %add3A_631 = arith.addi %add3A_415, %add3A_630 : i32
        %add3A_632 = vector.broadcast %add3A_631 : i32 to vector<16xi32>
        %add3A_633 = arith.addi %mul3A_11, %add3A_632 : vector<16xi32>
        %gather3A_634 = tpu.vector_load_idx %arg7[%broadcast_in_dim3A_26, %add3A_633] : memref<448x128xf32, #tpu.memory_space<vmem>>[vector<16xi32>, vector<16xi32>], vector<16xf32>,
        %gt3A_635 = arith.cmpf ogt, %gather3A_634, %max3A_628 : vector<16xf32>
        %max3A_636 = arith.maximumf %max3A_628, %gather3A_634 : vector<16xf32>
        %select_n3A_637 = arith.select %gt3A_635, %broadcast_in_dim3A_22, %select_n3A_629 : vector<16xi1>, vector<16xf32>
        %add3A_638 = arith.constant 342 : i32
        %add3A_639 = arith.addi %add3A_415, %add3A_638 : i32
        %add3A_640 = vector.broadcast %add3A_639 : i32 to vector<16xi32>
        %add3A_641 = arith.addi %mul3A_11, %add3A_640 : vector<16xi32>
        %gather3A_642 = tpu.vector_load_idx %arg7[%broadcast_in_dim3A_26, %add3A_641] : memref<448x128xf32, #tpu.memory_space<vmem>>[vector<16xi32>, vector<16xi32>], vector<16xf32>,
        %gt3A_643 = arith.cmpf ogt, %gather3A_642, %max3A_636 : vector<16xf32>
        %max3A_644 = arith.maximumf %max3A_636, %gather3A_642 : vector<16xf32>
        %select_n3A_645 = arith.select %gt3A_643, %broadcast_in_dim3A_24, %select_n3A_637 : vector<16xi1>, vector<16xf32>
        %swap3A_646 = arith.index_cast %add3A_416 : i32 to index
        %swap3A_647 = arith.constant 48 : index
        %swap3A_648 = tpu.vector_load %arg8[%swap3A_646, %swap3A_647] {strides = array<i32>} : memref<64x128xf32, #tpu.memory_space<vmem>>, vector<16xf32>,
        tpu.vector_store %arg8[%swap3A_646, %swap3A_647], %max3A_644 {strides = array<i32>} : memref<64x128xf32, #tpu.memory_space<vmem>>, vector<16xf32>,
        %convert_element_type3A_649 = arith.fptosi %select_n3A_645 : vector<16xf32> to vector<16xi32>
        %swap3A_650 = arith.index_cast %add3A_416 : i32 to index
        %swap3A_651 = arith.constant 48 : index
        %swap3A_652 = tpu.vector_load %arg9[%swap3A_650, %swap3A_651] {strides = array<i32>} : memref<64x128xi32, #tpu.memory_space<vmem>>, vector<16xi32>,
        tpu.vector_store %arg9[%swap3A_650, %swap3A_651], %convert_element_type3A_649 {strides = array<i32>} : memref<64x128xi32, #tpu.memory_space<vmem>>, vector<16xi32>,
        %add3A_653 = arith.constant 448 : i32
        %add3A_654 = arith.addi %add3A_415, %add3A_653 : i32
        %add3A_655 = vector.broadcast %add3A_654 : i32 to vector<16xi32>
        %add3A_656 = arith.addi %mul3A_11, %add3A_655 : vector<16xi32>
        %gather3A_657 = tpu.vector_load_idx %arg7[%broadcast_in_dim3A_26, %add3A_656] : memref<448x128xf32, #tpu.memory_space<vmem>>[vector<16xi32>, vector<16xi32>], vector<16xf32>,
        %add3A_658 = arith.constant 449 : i32
        %add3A_659 = arith.addi %add3A_415, %add3A_658 : i32
        %add3A_660 = vector.broadcast %add3A_659 : i32 to vector<16xi32>
        %add3A_661 = arith.addi %mul3A_11, %add3A_660 : vector<16xi32>
        %gather3A_662 = tpu.vector_load_idx %arg7[%broadcast_in_dim3A_26, %add3A_661] : memref<448x128xf32, #tpu.memory_space<vmem>>[vector<16xi32>, vector<16xi32>], vector<16xf32>,
        %gt3A_663 = arith.cmpf ogt, %gather3A_662, %gather3A_657 : vector<16xf32>
        %max3A_664 = arith.maximumf %gather3A_657, %gather3A_662 : vector<16xf32>
        %select_n3A_665 = arith.select %gt3A_663, %broadcast_in_dim3A_14, %broadcast_in_dim3A_12 : vector<16xi1>, vector<16xf32>
        %add3A_666 = arith.constant 450 : i32
        %add3A_667 = arith.addi %add3A_415, %add3A_666 : i32
        %add3A_668 = vector.broadcast %add3A_667 : i32 to vector<16xi32>
        %add3A_669 = arith.addi %mul3A_11, %add3A_668 : vector<16xi32>
        %gather3A_670 = tpu.vector_load_idx %arg7[%broadcast_in_dim3A_26, %add3A_669] : memref<448x128xf32, #tpu.memory_space<vmem>>[vector<16xi32>, vector<16xi32>], vector<16xf32>,
        %gt3A_671 = arith.cmpf ogt, %gather3A_670, %max3A_664 : vector<16xf32>
        %max3A_672 = arith.maximumf %max3A_664, %gather3A_670 : vector<16xf32>
        %select_n3A_673 = arith.select %gt3A_671, %broadcast_in_dim3A_16, %select_n3A_665 : vector<16xi1>, vector<16xf32>
        %add3A_674 = arith.constant 451 : i32
        %add3A_675 = arith.addi %add3A_415, %add3A_674 : i32
        %add3A_676 = vector.broadcast %add3A_675 : i32 to vector<16xi32>
        %add3A_677 = arith.addi %mul3A_11, %add3A_676 : vector<16xi32>
        %gather3A_678 = tpu.vector_load_idx %arg7[%broadcast_in_dim3A_26, %add3A_677] : memref<448x128xf32, #tpu.memory_space<vmem>>[vector<16xi32>, vector<16xi32>], vector<16xf32>,
        %gt3A_679 = arith.cmpf ogt, %gather3A_678, %max3A_672 : vector<16xf32>
        %max3A_680 = arith.maximumf %max3A_672, %gather3A_678 : vector<16xf32>
        %select_n3A_681 = arith.select %gt3A_679, %broadcast_in_dim3A_18, %select_n3A_673 : vector<16xi1>, vector<16xf32>
        %add3A_682 = arith.constant 452 : i32
        %add3A_683 = arith.addi %add3A_415, %add3A_682 : i32
        %add3A_684 = vector.broadcast %add3A_683 : i32 to vector<16xi32>
        %add3A_685 = arith.addi %mul3A_11, %add3A_684 : vector<16xi32>
        %gather3A_686 = tpu.vector_load_idx %arg7[%broadcast_in_dim3A_26, %add3A_685] : memref<448x128xf32, #tpu.memory_space<vmem>>[vector<16xi32>, vector<16xi32>], vector<16xf32>,
        %gt3A_687 = arith.cmpf ogt, %gather3A_686, %max3A_680 : vector<16xf32>
        %max3A_688 = arith.maximumf %max3A_680, %gather3A_686 : vector<16xf32>
        %select_n3A_689 = arith.select %gt3A_687, %broadcast_in_dim3A_20, %select_n3A_681 : vector<16xi1>, vector<16xf32>
        %add3A_690 = arith.constant 453 : i32
        %add3A_691 = arith.addi %add3A_415, %add3A_690 : i32
        %add3A_692 = vector.broadcast %add3A_691 : i32 to vector<16xi32>
        %add3A_693 = arith.addi %mul3A_11, %add3A_692 : vector<16xi32>
        %gather3A_694 = tpu.vector_load_idx %arg7[%broadcast_in_dim3A_26, %add3A_693] : memref<448x128xf32, #tpu.memory_space<vmem>>[vector<16xi32>, vector<16xi32>], vector<16xf32>,
        %gt3A_695 = arith.cmpf ogt, %gather3A_694, %max3A_688 : vector<16xf32>
        %max3A_696 = arith.maximumf %max3A_688, %gather3A_694 : vector<16xf32>
        %select_n3A_697 = arith.select %gt3A_695, %broadcast_in_dim3A_22, %select_n3A_689 : vector<16xi1>, vector<16xf32>
        %add3A_698 = arith.constant 454 : i32
        %add3A_699 = arith.addi %add3A_415, %add3A_698 : i32
        %add3A_700 = vector.broadcast %add3A_699 : i32 to vector<16xi32>
        %add3A_701 = arith.addi %mul3A_11, %add3A_700 : vector<16xi32>
        %gather3A_702 = tpu.vector_load_idx %arg7[%broadcast_in_dim3A_26, %add3A_701] : memref<448x128xf32, #tpu.memory_space<vmem>>[vector<16xi32>, vector<16xi32>], vector<16xf32>,
        %gt3A_703 = arith.cmpf ogt, %gather3A_702, %max3A_696 : vector<16xf32>
        %max3A_704 = arith.maximumf %max3A_696, %gather3A_702 : vector<16xf32>
        %select_n3A_705 = arith.select %gt3A_703, %broadcast_in_dim3A_24, %select_n3A_697 : vector<16xi1>, vector<16xf32>
        %swap3A_706 = arith.index_cast %add3A_416 : i32 to index
        %swap3A_707 = arith.constant 64 : index
        %swap3A_708 = tpu.vector_load %arg8[%swap3A_706, %swap3A_707] {strides = array<i32>} : memref<64x128xf32, #tpu.memory_space<vmem>>, vector<16xf32>,
        tpu.vector_store %arg8[%swap3A_706, %swap3A_707], %max3A_704 {strides = array<i32>} : memref<64x128xf32, #tpu.memory_space<vmem>>, vector<16xf32>,
        %convert_element_type3A_709 = arith.fptosi %select_n3A_705 : vector<16xf32> to vector<16xi32>
        %swap3A_710 = arith.index_cast %add3A_416 : i32 to index
        %swap3A_711 = arith.constant 64 : index
        %swap3A_712 = tpu.vector_load %arg9[%swap3A_710, %swap3A_711] {strides = array<i32>} : memref<64x128xi32, #tpu.memory_space<vmem>>, vector<16xi32>,
        tpu.vector_store %arg9[%swap3A_710, %swap3A_711], %convert_element_type3A_709 {strides = array<i32>} : memref<64x128xi32, #tpu.memory_space<vmem>>, vector<16xi32>,
        %add3A_713 = arith.constant 560 : i32
        %add3A_714 = arith.addi %add3A_415, %add3A_713 : i32
        %add3A_715 = vector.broadcast %add3A_714 : i32 to vector<16xi32>
        %add3A_716 = arith.addi %mul3A_11, %add3A_715 : vector<16xi32>
        %gather3A_717 = tpu.vector_load_idx %arg7[%broadcast_in_dim3A_26, %add3A_716] : memref<448x128xf32, #tpu.memory_space<vmem>>[vector<16xi32>, vector<16xi32>], vector<16xf32>,
        %add3A_718 = arith.constant 561 : i32
        %add3A_719 = arith.addi %add3A_415, %add3A_718 : i32
        %add3A_720 = vector.broadcast %add3A_719 : i32 to vector<16xi32>
        %add3A_721 = arith.addi %mul3A_11, %add3A_720 : vector<16xi32>
        %gather3A_722 = tpu.vector_load_idx %arg7[%broadcast_in_dim3A_26, %add3A_721] : memref<448x128xf32, #tpu.memory_space<vmem>>[vector<16xi32>, vector<16xi32>], vector<16xf32>,
        %gt3A_723 = arith.cmpf ogt, %gather3A_722, %gather3A_717 : vector<16xf32>
        %max3A_724 = arith.maximumf %gather3A_717, %gather3A_722 : vector<16xf32>
        %select_n3A_725 = arith.select %gt3A_723, %broadcast_in_dim3A_14, %broadcast_in_dim3A_12 : vector<16xi1>, vector<16xf32>
        %add3A_726 = arith.constant 562 : i32
        %add3A_727 = arith.addi %add3A_415, %add3A_726 : i32
        %add3A_728 = vector.broadcast %add3A_727 : i32 to vector<16xi32>
        %add3A_729 = arith.addi %mul3A_11, %add3A_728 : vector<16xi32>
        %gather3A_730 = tpu.vector_load_idx %arg7[%broadcast_in_dim3A_26, %add3A_729] : memref<448x128xf32, #tpu.memory_space<vmem>>[vector<16xi32>, vector<16xi32>], vector<16xf32>,
        %gt3A_731 = arith.cmpf ogt, %gather3A_730, %max3A_724 : vector<16xf32>
        %max3A_732 = arith.maximumf %max3A_724, %gather3A_730 : vector<16xf32>
        %select_n3A_733 = arith.select %gt3A_731, %broadcast_in_dim3A_16, %select_n3A_725 : vector<16xi1>, vector<16xf32>
        %add3A_734 = arith.constant 563 : i32
        %add3A_735 = arith.addi %add3A_415, %add3A_734 : i32
        %add3A_736 = vector.broadcast %add3A_735 : i32 to vector<16xi32>
        %add3A_737 = arith.addi %mul3A_11, %add3A_736 : vector<16xi32>
        %gather3A_738 = tpu.vector_load_idx %arg7[%broadcast_in_dim3A_26, %add3A_737] : memref<448x128xf32, #tpu.memory_space<vmem>>[vector<16xi32>, vector<16xi32>], vector<16xf32>,
        %gt3A_739 = arith.cmpf ogt, %gather3A_738, %max3A_732 : vector<16xf32>
        %max3A_740 = arith.maximumf %max3A_732, %gather3A_738 : vector<16xf32>
        %select_n3A_741 = arith.select %gt3A_739, %broadcast_in_dim3A_18, %select_n3A_733 : vector<16xi1>, vector<16xf32>
        %add3A_742 = arith.constant 564 : i32
        %add3A_743 = arith.addi %add3A_415, %add3A_742 : i32
        %add3A_744 = vector.broadcast %add3A_743 : i32 to vector<16xi32>
        %add3A_745 = arith.addi %mul3A_11, %add3A_744 : vector<16xi32>
        %gather3A_746 = tpu.vector_load_idx %arg7[%broadcast_in_dim3A_26, %add3A_745] : memref<448x128xf32, #tpu.memory_space<vmem>>[vector<16xi32>, vector<16xi32>], vector<16xf32>,
        %gt3A_747 = arith.cmpf ogt, %gather3A_746, %max3A_740 : vector<16xf32>
        %max3A_748 = arith.maximumf %max3A_740, %gather3A_746 : vector<16xf32>
        %select_n3A_749 = arith.select %gt3A_747, %broadcast_in_dim3A_20, %select_n3A_741 : vector<16xi1>, vector<16xf32>
        %add3A_750 = arith.constant 565 : i32
        %add3A_751 = arith.addi %add3A_415, %add3A_750 : i32
        %add3A_752 = vector.broadcast %add3A_751 : i32 to vector<16xi32>
        %add3A_753 = arith.addi %mul3A_11, %add3A_752 : vector<16xi32>
        %gather3A_754 = tpu.vector_load_idx %arg7[%broadcast_in_dim3A_26, %add3A_753] : memref<448x128xf32, #tpu.memory_space<vmem>>[vector<16xi32>, vector<16xi32>], vector<16xf32>,
        %gt3A_755 = arith.cmpf ogt, %gather3A_754, %max3A_748 : vector<16xf32>
        %max3A_756 = arith.maximumf %max3A_748, %gather3A_754 : vector<16xf32>
        %select_n3A_757 = arith.select %gt3A_755, %broadcast_in_dim3A_22, %select_n3A_749 : vector<16xi1>, vector<16xf32>
        %add3A_758 = arith.constant 566 : i32
        %add3A_759 = arith.addi %add3A_415, %add3A_758 : i32
        %add3A_760 = vector.broadcast %add3A_759 : i32 to vector<16xi32>
        %add3A_761 = arith.addi %mul3A_11, %add3A_760 : vector<16xi32>
        %gather3A_762 = tpu.vector_load_idx %arg7[%broadcast_in_dim3A_26, %add3A_761] : memref<448x128xf32, #tpu.memory_space<vmem>>[vector<16xi32>, vector<16xi32>], vector<16xf32>,
        %gt3A_763 = arith.cmpf ogt, %gather3A_762, %max3A_756 : vector<16xf32>
        %max3A_764 = arith.maximumf %max3A_756, %gather3A_762 : vector<16xf32>
        %select_n3A_765 = arith.select %gt3A_763, %broadcast_in_dim3A_24, %select_n3A_757 : vector<16xi1>, vector<16xf32>
        %swap3A_766 = arith.index_cast %add3A_416 : i32 to index
        %swap3A_767 = arith.constant 80 : index
        %swap3A_768 = tpu.vector_load %arg8[%swap3A_766, %swap3A_767] {strides = array<i32>} : memref<64x128xf32, #tpu.memory_space<vmem>>, vector<16xf32>,
        tpu.vector_store %arg8[%swap3A_766, %swap3A_767], %max3A_764 {strides = array<i32>} : memref<64x128xf32, #tpu.memory_space<vmem>>, vector<16xf32>,
        %convert_element_type3A_769 = arith.fptosi %select_n3A_765 : vector<16xf32> to vector<16xi32>
        %swap3A_770 = arith.index_cast %add3A_416 : i32 to index
        %swap3A_771 = arith.constant 80 : index
        %swap3A_772 = tpu.vector_load %arg9[%swap3A_770, %swap3A_771] {strides = array<i32>} : memref<64x128xi32, #tpu.memory_space<vmem>>, vector<16xi32>,
        tpu.vector_store %arg9[%swap3A_770, %swap3A_771], %convert_element_type3A_769 {strides = array<i32>} : memref<64x128xi32, #tpu.memory_space<vmem>>, vector<16xi32>,
        %add3A_773 = arith.constant 672 : i32
        %add3A_774 = arith.addi %add3A_415, %add3A_773 : i32
        %add3A_775 = vector.broadcast %add3A_774 : i32 to vector<16xi32>
        %add3A_776 = arith.addi %mul3A_11, %add3A_775 : vector<16xi32>
        %gather3A_777 = tpu.vector_load_idx %arg7[%broadcast_in_dim3A_26, %add3A_776] : memref<448x128xf32, #tpu.memory_space<vmem>>[vector<16xi32>, vector<16xi32>], vector<16xf32>,
        %add3A_778 = arith.constant 673 : i32
        %add3A_779 = arith.addi %add3A_415, %add3A_778 : i32
        %add3A_780 = vector.broadcast %add3A_779 : i32 to vector<16xi32>
        %add3A_781 = arith.addi %mul3A_11, %add3A_780 : vector<16xi32>
        %gather3A_782 = tpu.vector_load_idx %arg7[%broadcast_in_dim3A_26, %add3A_781] : memref<448x128xf32, #tpu.memory_space<vmem>>[vector<16xi32>, vector<16xi32>], vector<16xf32>,
        %gt3A_783 = arith.cmpf ogt, %gather3A_782, %gather3A_777 : vector<16xf32>
        %max3A_784 = arith.maximumf %gather3A_777, %gather3A_782 : vector<16xf32>
        %select_n3A_785 = arith.select %gt3A_783, %broadcast_in_dim3A_14, %broadcast_in_dim3A_12 : vector<16xi1>, vector<16xf32>
        %add3A_786 = arith.constant 674 : i32
        %add3A_787 = arith.addi %add3A_415, %add3A_786 : i32
        %add3A_788 = vector.broadcast %add3A_787 : i32 to vector<16xi32>
        %add3A_789 = arith.addi %mul3A_11, %add3A_788 : vector<16xi32>
        %gather3A_790 = tpu.vector_load_idx %arg7[%broadcast_in_dim3A_26, %add3A_789] : memref<448x128xf32, #tpu.memory_space<vmem>>[vector<16xi32>, vector<16xi32>], vector<16xf32>,
        %gt3A_791 = arith.cmpf ogt, %gather3A_790, %max3A_784 : vector<16xf32>
        %max3A_792 = arith.maximumf %max3A_784, %gather3A_790 : vector<16xf32>
        %select_n3A_793 = arith.select %gt3A_791, %broadcast_in_dim3A_16, %select_n3A_785 : vector<16xi1>, vector<16xf32>
        %add3A_794 = arith.constant 675 : i32
        %add3A_795 = arith.addi %add3A_415, %add3A_794 : i32
        %add3A_796 = vector.broadcast %add3A_795 : i32 to vector<16xi32>
        %add3A_797 = arith.addi %mul3A_11, %add3A_796 : vector<16xi32>
        %gather3A_798 = tpu.vector_load_idx %arg7[%broadcast_in_dim3A_26, %add3A_797] : memref<448x128xf32, #tpu.memory_space<vmem>>[vector<16xi32>, vector<16xi32>], vector<16xf32>,
        %gt3A_799 = arith.cmpf ogt, %gather3A_798, %max3A_792 : vector<16xf32>
        %max3A_800 = arith.maximumf %max3A_792, %gather3A_798 : vector<16xf32>
        %select_n3A_801 = arith.select %gt3A_799, %broadcast_in_dim3A_18, %select_n3A_793 : vector<16xi1>, vector<16xf32>
        %add3A_802 = arith.constant 676 : i32
        %add3A_803 = arith.addi %add3A_415, %add3A_802 : i32
        %add3A_804 = vector.broadcast %add3A_803 : i32 to vector<16xi32>
        %add3A_805 = arith.addi %mul3A_11, %add3A_804 : vector<16xi32>
        %gather3A_806 = tpu.vector_load_idx %arg7[%broadcast_in_dim3A_26, %add3A_805] : memref<448x128xf32, #tpu.memory_space<vmem>>[vector<16xi32>, vector<16xi32>], vector<16xf32>,
        %gt3A_807 = arith.cmpf ogt, %gather3A_806, %max3A_800 : vector<16xf32>
        %max3A_808 = arith.maximumf %max3A_800, %gather3A_806 : vector<16xf32>
        %select_n3A_809 = arith.select %gt3A_807, %broadcast_in_dim3A_20, %select_n3A_801 : vector<16xi1>, vector<16xf32>
        %add3A_810 = arith.constant 677 : i32
        %add3A_811 = arith.addi %add3A_415, %add3A_810 : i32
        %add3A_812 = vector.broadcast %add3A_811 : i32 to vector<16xi32>
        %add3A_813 = arith.addi %mul3A_11, %add3A_812 : vector<16xi32>
        %gather3A_814 = tpu.vector_load_idx %arg7[%broadcast_in_dim3A_26, %add3A_813] : memref<448x128xf32, #tpu.memory_space<vmem>>[vector<16xi32>, vector<16xi32>], vector<16xf32>,
        %gt3A_815 = arith.cmpf ogt, %gather3A_814, %max3A_808 : vector<16xf32>
        %max3A_816 = arith.maximumf %max3A_808, %gather3A_814 : vector<16xf32>
        %select_n3A_817 = arith.select %gt3A_815, %broadcast_in_dim3A_22, %select_n3A_809 : vector<16xi1>, vector<16xf32>
        %add3A_818 = arith.constant 678 : i32
        %add3A_819 = arith.addi %add3A_415, %add3A_818 : i32
        %add3A_820 = vector.broadcast %add3A_819 : i32 to vector<16xi32>
        %add3A_821 = arith.addi %mul3A_11, %add3A_820 : vector<16xi32>
        %gather3A_822 = tpu.vector_load_idx %arg7[%broadcast_in_dim3A_26, %add3A_821] : memref<448x128xf32, #tpu.memory_space<vmem>>[vector<16xi32>, vector<16xi32>], vector<16xf32>,
        %gt3A_823 = arith.cmpf ogt, %gather3A_822, %max3A_816 : vector<16xf32>
        %max3A_824 = arith.maximumf %max3A_816, %gather3A_822 : vector<16xf32>
        %select_n3A_825 = arith.select %gt3A_823, %broadcast_in_dim3A_24, %select_n3A_817 : vector<16xi1>, vector<16xf32>
        %swap3A_826 = arith.index_cast %add3A_416 : i32 to index
        %swap3A_827 = arith.constant 96 : index
        %swap3A_828 = tpu.vector_load %arg8[%swap3A_826, %swap3A_827] {strides = array<i32>} : memref<64x128xf32, #tpu.memory_space<vmem>>, vector<16xf32>,
        tpu.vector_store %arg8[%swap3A_826, %swap3A_827], %max3A_824 {strides = array<i32>} : memref<64x128xf32, #tpu.memory_space<vmem>>, vector<16xf32>,
        %convert_element_type3A_829 = arith.fptosi %select_n3A_825 : vector<16xf32> to vector<16xi32>
        %swap3A_830 = arith.index_cast %add3A_416 : i32 to index
        %swap3A_831 = arith.constant 96 : index
        %swap3A_832 = tpu.vector_load %arg9[%swap3A_830, %swap3A_831] {strides = array<i32>} : memref<64x128xi32, #tpu.memory_space<vmem>>, vector<16xi32>,
        tpu.vector_store %arg9[%swap3A_830, %swap3A_831], %convert_element_type3A_829 {strides = array<i32>} : memref<64x128xi32, #tpu.memory_space<vmem>>, vector<16xi32>,
        %add3A_833 = arith.constant 784 : i32
        %add3A_834 = arith.addi %add3A_415, %add3A_833 : i32
        %add3A_835 = vector.broadcast %add3A_834 : i32 to vector<16xi32>
        %add3A_836 = arith.addi %mul3A_11, %add3A_835 : vector<16xi32>
        %gather3A_837 = tpu.vector_load_idx %arg7[%broadcast_in_dim3A_26, %add3A_836] : memref<448x128xf32, #tpu.memory_space<vmem>>[vector<16xi32>, vector<16xi32>], vector<16xf32>,
        %add3A_838 = arith.constant 785 : i32
        %add3A_839 = arith.addi %add3A_415, %add3A_838 : i32
        %add3A_840 = vector.broadcast %add3A_839 : i32 to vector<16xi32>
        %add3A_841 = arith.addi %mul3A_11, %add3A_840 : vector<16xi32>
        %gather3A_842 = tpu.vector_load_idx %arg7[%broadcast_in_dim3A_26, %add3A_841] : memref<448x128xf32, #tpu.memory_space<vmem>>[vector<16xi32>, vector<16xi32>], vector<16xf32>,
        %gt3A_843 = arith.cmpf ogt, %gather3A_842, %gather3A_837 : vector<16xf32>
        %max3A_844 = arith.maximumf %gather3A_837, %gather3A_842 : vector<16xf32>
        %select_n3A_845 = arith.select %gt3A_843, %broadcast_in_dim3A_14, %broadcast_in_dim3A_12 : vector<16xi1>, vector<16xf32>
        %add3A_846 = arith.constant 786 : i32
        %add3A_847 = arith.addi %add3A_415, %add3A_846 : i32
        %add3A_848 = vector.broadcast %add3A_847 : i32 to vector<16xi32>
        %add3A_849 = arith.addi %mul3A_11, %add3A_848 : vector<16xi32>
        %gather3A_850 = tpu.vector_load_idx %arg7[%broadcast_in_dim3A_26, %add3A_849] : memref<448x128xf32, #tpu.memory_space<vmem>>[vector<16xi32>, vector<16xi32>], vector<16xf32>,
        %gt3A_851 = arith.cmpf ogt, %gather3A_850, %max3A_844 : vector<16xf32>
        %max3A_852 = arith.maximumf %max3A_844, %gather3A_850 : vector<16xf32>
        %select_n3A_853 = arith.select %gt3A_851, %broadcast_in_dim3A_16, %select_n3A_845 : vector<16xi1>, vector<16xf32>
        %add3A_854 = arith.constant 787 : i32
        %add3A_855 = arith.addi %add3A_415, %add3A_854 : i32
        %add3A_856 = vector.broadcast %add3A_855 : i32 to vector<16xi32>
        %add3A_857 = arith.addi %mul3A_11, %add3A_856 : vector<16xi32>
        %gather3A_858 = tpu.vector_load_idx %arg7[%broadcast_in_dim3A_26, %add3A_857] : memref<448x128xf32, #tpu.memory_space<vmem>>[vector<16xi32>, vector<16xi32>], vector<16xf32>,
        %gt3A_859 = arith.cmpf ogt, %gather3A_858, %max3A_852 : vector<16xf32>
        %max3A_860 = arith.maximumf %max3A_852, %gather3A_858 : vector<16xf32>
        %select_n3A_861 = arith.select %gt3A_859, %broadcast_in_dim3A_18, %select_n3A_853 : vector<16xi1>, vector<16xf32>
        %add3A_862 = arith.constant 788 : i32
        %add3A_863 = arith.addi %add3A_415, %add3A_862 : i32
        %add3A_864 = vector.broadcast %add3A_863 : i32 to vector<16xi32>
        %add3A_865 = arith.addi %mul3A_11, %add3A_864 : vector<16xi32>
        %gather3A_866 = tpu.vector_load_idx %arg7[%broadcast_in_dim3A_26, %add3A_865] : memref<448x128xf32, #tpu.memory_space<vmem>>[vector<16xi32>, vector<16xi32>], vector<16xf32>,
        %gt3A_867 = arith.cmpf ogt, %gather3A_866, %max3A_860 : vector<16xf32>
        %max3A_868 = arith.maximumf %max3A_860, %gather3A_866 : vector<16xf32>
        %select_n3A_869 = arith.select %gt3A_867, %broadcast_in_dim3A_20, %select_n3A_861 : vector<16xi1>, vector<16xf32>
        %add3A_870 = arith.constant 789 : i32
        %add3A_871 = arith.addi %add3A_415, %add3A_870 : i32
        %add3A_872 = vector.broadcast %add3A_871 : i32 to vector<16xi32>
        %add3A_873 = arith.addi %mul3A_11, %add3A_872 : vector<16xi32>
        %gather3A_874 = tpu.vector_load_idx %arg7[%broadcast_in_dim3A_26, %add3A_873] : memref<448x128xf32, #tpu.memory_space<vmem>>[vector<16xi32>, vector<16xi32>], vector<16xf32>,
        %gt3A_875 = arith.cmpf ogt, %gather3A_874, %max3A_868 : vector<16xf32>
        %max3A_876 = arith.maximumf %max3A_868, %gather3A_874 : vector<16xf32>
        %select_n3A_877 = arith.select %gt3A_875, %broadcast_in_dim3A_22, %select_n3A_869 : vector<16xi1>, vector<16xf32>
        %add3A_878 = arith.constant 790 : i32
        %add3A_879 = arith.addi %add3A_415, %add3A_878 : i32
        %add3A_880 = vector.broadcast %add3A_879 : i32 to vector<16xi32>
        %add3A_881 = arith.addi %mul3A_11, %add3A_880 : vector<16xi32>
        %gather3A_882 = tpu.vector_load_idx %arg7[%broadcast_in_dim3A_26, %add3A_881] : memref<448x128xf32, #tpu.memory_space<vmem>>[vector<16xi32>, vector<16xi32>], vector<16xf32>,
        %gt3A_883 = arith.cmpf ogt, %gather3A_882, %max3A_876 : vector<16xf32>
        %max3A_884 = arith.maximumf %max3A_876, %gather3A_882 : vector<16xf32>
        %select_n3A_885 = arith.select %gt3A_883, %broadcast_in_dim3A_24, %select_n3A_877 : vector<16xi1>, vector<16xf32>
        %swap3A_886 = arith.index_cast %add3A_416 : i32 to index
        %swap3A_887 = arith.constant 112 : index
        %swap3A_888 = tpu.vector_load %arg8[%swap3A_886, %swap3A_887] {strides = array<i32>} : memref<64x128xf32, #tpu.memory_space<vmem>>, vector<16xf32>,
        tpu.vector_store %arg8[%swap3A_886, %swap3A_887], %max3A_884 {strides = array<i32>} : memref<64x128xf32, #tpu.memory_space<vmem>>, vector<16xf32>,
        %convert_element_type3A_889 = arith.fptosi %select_n3A_885 : vector<16xf32> to vector<16xi32>
        %swap3A_890 = arith.index_cast %add3A_416 : i32 to index
        %swap3A_891 = arith.constant 112 : index
        %swap3A_892 = tpu.vector_load %arg9[%swap3A_890, %swap3A_891] {strides = array<i32>} : memref<64x128xi32, #tpu.memory_space<vmem>>, vector<16xi32>,
        tpu.vector_store %arg9[%swap3A_890, %swap3A_891], %convert_element_type3A_889 {strides = array<i32>} : memref<64x128xi32, #tpu.memory_space<vmem>>, vector<16xi32>,
        %scan3A_893 = arith.constant 0 : i32
        scf.yield %scan3A_893 : i32
      }
      %scan3A_328 = arith.constant 32 : i32
      %mul3A_329 = arith.constant 32 : i32
      %mul3A_330 = arith.muli %while3A_274, %mul3A_329 : i32
      %add3A_331 = arith.addi %add3A_6, %mul3A_330 : i32
      %mul3A_332 = arith.constant 32 : i32
      %mul3A_333 = arith.muli %and3A_276, %mul3A_332 : i32
      %dma_start3A_334 = arith.constant 0 : i32
      %dma_start3A_335 = tpu.memref_slice %arg8[%mul3A_333, %dma_start3A_334] : memref<64x128xf32, #tpu.memory_space<vmem>> -> memref<32x128xf32, #tpu.memory_space<vmem>>
      %dma_start3A_336 = arith.constant 0 : i32
      %dma_start3A_337 = tpu.memref_slice %arg4[%add3A_331, %dma_start3A_336] : memref<100000x128xf32, #tpu.memory_space<hbm>> -> memref<32x128xf32, #tpu.memory_space<hbm>>
      %dma_start3A_338 = tpu.memref_slice %arg11[%and3A_276] : memref<2x!tpu.dma_semaphore, #tpu.memory_space<semaphore_mem>> -> memref<1x!tpu.dma_semaphore, #tpu.memory_space<semaphore_mem>>
      %dma_start3A_339 = tpu.memref_squeeze %dma_start3A_338 : memref<1x!tpu.dma_semaphore, #tpu.memory_space<semaphore_mem>> -> memref<!tpu.dma_semaphore, #tpu.memory_space<semaphore_mem>>
      %dma_start3A_340 = arith.constant 0 : i32
      %dma_start3A_341 = tpu.memref_slice %arg4[%add3A_331, %dma_start3A_340] : memref<100000x128xf32, #tpu.memory_space<hbm>> -> memref<32x128xf32, #tpu.memory_space<hbm>>
      %dma_start3A_342 = arith.constant 0 : i32
      %dma_start3A_343 = tpu.memref_slice %arg8[%mul3A_333, %dma_start3A_342] : memref<64x128xf32, #tpu.memory_space<vmem>> -> memref<32x128xf32, #tpu.memory_space<vmem>>
      tpu.enqueue_dma source(%dma_start3A_343 : memref<32x128xf32, #tpu.memory_space<vmem>>) target(%dma_start3A_341 : memref<32x128xf32, #tpu.memory_space<hbm>>) target_semaphore(%dma_start3A_339 : memref<!tpu.dma_semaphore, #tpu.memory_space<semaphore_mem>>)
      %dma_start3A_344 = arith.constant 0 : i32
      %dma_start3A_345 = tpu.memref_slice %arg9[%mul3A_333, %dma_start3A_344] : memref<64x128xi32, #tpu.memory_space<vmem>> -> memref<32x128xi32, #tpu.memory_space<vmem>>
      %dma_start3A_346 = arith.constant 0 : i32
      %dma_start3A_347 = tpu.memref_slice %arg5[%add3A_331, %dma_start3A_346] : memref<100000x128xi32, #tpu.memory_space<hbm>> -> memref<32x128xi32, #tpu.memory_space<hbm>>
      %dma_start3A_348 = tpu.memref_slice %arg11[%and3A_276] : memref<2x!tpu.dma_semaphore, #tpu.memory_space<semaphore_mem>> -> memref<1x!tpu.dma_semaphore, #tpu.memory_space<semaphore_mem>>
      %dma_start3A_349 = tpu.memref_squeeze %dma_start3A_348 : memref<1x!tpu.dma_semaphore, #tpu.memory_space<semaphore_mem>> -> memref<!tpu.dma_semaphore, #tpu.memory_space<semaphore_mem>>
      %dma_start3A_350 = arith.constant 0 : i32
      %dma_start3A_351 = tpu.memref_slice %arg5[%add3A_331, %dma_start3A_350] : memref<100000x128xi32, #tpu.memory_space<hbm>> -> memref<32x128xi32, #tpu.memory_space<hbm>>
      %dma_start3A_352 = arith.constant 0 : i32
      %dma_start3A_353 = tpu.memref_slice %arg9[%mul3A_333, %dma_start3A_352] : memref<64x128xi32, #tpu.memory_space<vmem>> -> memref<32x128xi32, #tpu.memory_space<vmem>>
      tpu.enqueue_dma source(%dma_start3A_353 : memref<32x128xi32, #tpu.memory_space<vmem>>) target(%dma_start3A_351 : memref<32x128xi32, #tpu.memory_space<hbm>>) target_semaphore(%dma_start3A_349 : memref<!tpu.dma_semaphore, #tpu.memory_space<semaphore_mem>>)
      %add3A_354 = arith.constant 2 : i32
      %add3A_355 = arith.addi %while3A_274, %add3A_354 : i32
      %mul3A_356 = arith.constant 224 : i32
      %mul3A_357 = arith.muli %add3A_355, %mul3A_356 : i32
      %mul3A_358 = arith.constant 224 : i32
      %mul3A_359 = arith.muli %and3A_276, %mul3A_358 : i32
      %add3A_360 = arith.constant 0 : i32
      %add3A_361 = arith.addi %mul3A_357, %add3A_360 : i32
      %add3A_362 = arith.constant 0 : i32
      %add3A_363 = arith.addi %mul3A_359, %add3A_362 : i32
      %dma_start3A_364 = arith.constant 0 : i32
      %dma_start3A_365 = tpu.memref_slice %arg7[%add3A_363, %dma_start3A_364] : memref<448x128xf32, #tpu.memory_space<vmem>> -> memref<56x128xf32, #tpu.memory_space<vmem>>
      %dma_start3A_366 = tpu.memref_slice %arg6[%add3A_361] : memref<22400xi32, #tpu.memory_space<vmem>> -> memref<56xi32, #tpu.memory_space<vmem>>
      %dma_start3A_367 = arith.constant 0 : i32
      %dma_start3A_368 = arith.constant 0 : i32
      %dma_start3A_369 = tpu.memref_slice %arg2[%dma_start3A_367, %dma_start3A_368] : memref<700000x128xf32, #tpu.memory_space<hbm>> -> memref<700000x128xf32, #tpu.memory_space<hbm>>
      %dma_start3A_370 = tpu.memref_slice %arg10[%and3A_276] : memref<2x!tpu.dma_semaphore, #tpu.memory_space<semaphore_mem>> -> memref<1x!tpu.dma_semaphore, #tpu.memory_space<semaphore_mem>>
      %dma_start3A_371 = tpu.memref_squeeze %dma_start3A_370 : memref<1x!tpu.dma_semaphore, #tpu.memory_space<semaphore_mem>> -> memref<!tpu.dma_semaphore, #tpu.memory_space<semaphore_mem>>
      tpu.enqueue_indirect_dma source(%dma_start3A_369 : memref<700000x128xf32, #tpu.memory_space<hbm>>) target(%dma_start3A_365 : memref<56x128xf32, #tpu.memory_space<vmem>>) offsets(%dma_start3A_366 : memref<56xi32, #tpu.memory_space<vmem>>) semaphore(%dma_start3A_371 : memref<!tpu.dma_semaphore, #tpu.memory_space<semaphore_mem>>)
      %add3A_372 = arith.constant 56 : i32
      %add3A_373 = arith.addi %mul3A_357, %add3A_372 : i32
      %add3A_374 = arith.constant 56 : i32
      %add3A_375 = arith.addi %mul3A_359, %add3A_374 : i32
      %dma_start3A_376 = arith.constant 0 : i32
      %dma_start3A_377 = tpu.memref_slice %arg7[%add3A_375, %dma_start3A_376] : memref<448x128xf32, #tpu.memory_space<vmem>> -> memref<56x128xf32, #tpu.memory_space<vmem>>
      %dma_start3A_378 = tpu.memref_slice %arg6[%add3A_373] : memref<22400xi32, #tpu.memory_space<vmem>> -> memref<56xi32, #tpu.memory_space<vmem>>
      %dma_start3A_379 = arith.constant 0 : i32
      %dma_start3A_380 = arith.constant 0 : i32
      %dma_start3A_381 = tpu.memref_slice %arg2[%dma_start3A_379, %dma_start3A_380] : memref<700000x128xf32, #tpu.memory_space<hbm>> -> memref<700000x128xf32, #tpu.memory_space<hbm>>
      %dma_start3A_382 = tpu.memref_slice %arg10[%and3A_276] : memref<2x!tpu.dma_semaphore, #tpu.memory_space<semaphore_mem>> -> memref<1x!tpu.dma_semaphore, #tpu.memory_space<semaphore_mem>>
      %dma_start3A_383 = tpu.memref_squeeze %dma_start3A_382 : memref<1x!tpu.dma_semaphore, #tpu.memory_space<semaphore_mem>> -> memref<!tpu.dma_semaphore, #tpu.memory_space<semaphore_mem>>
      tpu.enqueue_indirect_dma source(%dma_start3A_381 : memref<700000x128xf32, #tpu.memory_space<hbm>>) target(%dma_start3A_377 : memref<56x128xf32, #tpu.memory_space<vmem>>) offsets(%dma_start3A_378 : memref<56xi32, #tpu.memory_space<vmem>>) semaphore(%dma_start3A_383 : memref<!tpu.dma_semaphore, #tpu.memory_space<semaphore_mem>>)
      %add3A_384 = arith.constant 112 : i32
      %add3A_385 = arith.addi %mul3A_357, %add3A_384 : i32
      %add3A_386 = arith.constant 112 : i32
      %add3A_387 = arith.addi %mul3A_359, %add3A_386 : i32
      %dma_start3A_388 = arith.constant 0 : i32
      %dma_start3A_389 = tpu.memref_slice %arg7[%add3A_387, %dma_start3A_388] : memref<448x128xf32, #tpu.memory_space<vmem>> -> memref<56x128xf32, #tpu.memory_space<vmem>>
      %dma_start3A_390 = tpu.memref_slice %arg6[%add3A_385] : memref<22400xi32, #tpu.memory_space<vmem>> -> memref<56xi32, #tpu.memory_space<vmem>>
      %dma_start3A_391 = arith.constant 0 : i32
      %dma_start3A_392 = arith.constant 0 : i32
      %dma_start3A_393 = tpu.memref_slice %arg2[%dma_start3A_391, %dma_start3A_392] : memref<700000x128xf32, #tpu.memory_space<hbm>> -> memref<700000x128xf32, #tpu.memory_space<hbm>>
      %dma_start3A_394 = tpu.memref_slice %arg10[%and3A_276] : memref<2x!tpu.dma_semaphore, #tpu.memory_space<semaphore_mem>> -> memref<1x!tpu.dma_semaphore, #tpu.memory_space<semaphore_mem>>
      %dma_start3A_395 = tpu.memref_squeeze %dma_start3A_394 : memref<1x!tpu.dma_semaphore, #tpu.memory_space<semaphore_mem>> -> memref<!tpu.dma_semaphore, #tpu.memory_space<semaphore_mem>>
      tpu.enqueue_indirect_dma source(%dma_start3A_393 : memref<700000x128xf32, #tpu.memory_space<hbm>>) target(%dma_start3A_389 : memref<56x128xf32, #tpu.memory_space<vmem>>) offsets(%dma_start3A_390 : memref<56xi32, #tpu.memory_space<vmem>>) semaphore(%dma_start3A_395 : memref<!tpu.dma_semaphore, #tpu.memory_space<semaphore_mem>>)
      %add3A_396 = arith.constant 168 : i32
      %add3A_397 = arith.addi %mul3A_357, %add3A_396 : i32
      %add3A_398 = arith.constant 168 : i32
      %add3A_399 = arith.addi %mul3A_359, %add3A_398 : i32
      %dma_start3A_400 = arith.constant 0 : i32
      %dma_start3A_401 = tpu.memref_slice %arg7[%add3A_399, %dma_start3A_400] : memref<448x128xf32, #tpu.memory_space<vmem>> -> memref<56x128xf32, #tpu.memory_space<vmem>>
      %dma_start3A_402 = tpu.memref_slice %arg6[%add3A_397] : memref<22400xi32, #tpu.memory_space<vmem>> -> memref<56xi32, #tpu.memory_space<vmem>>
      %dma_start3A_403 = arith.constant 0 : i32
      %dma_start3A_404 = arith.constant 0 : i32
      %dma_start3A_405 = tpu.memref_slice %arg2[%dma_start3A_403, %dma_start3A_404] : memref<700000x128xf32, #tpu.memory_space<hbm>> -> memref<700000x128xf32, #tpu.memory_space<hbm>>
      %dma_start3A_406 = tpu.memref_slice %arg10[%and3A_276] : memref<2x!tpu.dma_semaphore, #tpu.memory_space<semaphore_mem>> -> memref<1x!tpu.dma_semaphore, #tpu.memory_space<semaphore_mem>>
      %dma_start3A_407 = tpu.memref_squeeze %dma_start3A_406 : memref<1x!tpu.dma_semaphore, #tpu.memory_space<semaphore_mem>> -> memref<!tpu.dma_semaphore, #tpu.memory_space<semaphore_mem>>
      tpu.enqueue_indirect_dma source(%dma_start3A_405 : memref<700000x128xf32, #tpu.memory_space<hbm>>) target(%dma_start3A_401 : memref<56x128xf32, #tpu.memory_space<vmem>>) offsets(%dma_start3A_402 : memref<56xi32, #tpu.memory_space<vmem>>) semaphore(%dma_start3A_407 : memref<!tpu.dma_semaphore, #tpu.memory_space<semaphore_mem>>)
      %while3A_408 = arith.constant 0 : i32
      scf.yield %while3A_408 : i32
    }
    %while3A_125 = arith.constant 1 : i32
    %while3A_126 = scf.for %while3A_274 = %while3A_122 to %while3A_118 step %while3A_125 iter_args(%while3A_275 = %while3A_124) -> (i32)  : i32 {
      %and3A = arith.constant 1 : i32
      %and3A_276 = arith.andi %while3A_274, %and3A : i32
      %dma_wait3A_277 = arith.constant 0 : i32
      %dma_wait3A_278 = arith.constant 0 : i32
      %dma_wait3A_279 = tpu.memref_slice %arg7[%dma_wait3A_277, %dma_wait3A_278] : memref<448x128xf32, #tpu.memory_space<vmem>> -> memref<56x128xf32, #tpu.memory_space<vmem>>
      %dma_wait3A_280 = arith.constant 0 : i32
      %dma_wait3A_281 = tpu.memref_slice %arg6[%dma_wait3A_280] : memref<22400xi32, #tpu.memory_space<vmem>> -> memref<56xi32, #tpu.memory_space<vmem>>
      %dma_wait3A_282 = arith.constant 0 : i32
      %dma_wait3A_283 = arith.constant 0 : i32
      %dma_wait3A_284 = tpu.memref_slice %arg2[%dma_wait3A_282, %dma_wait3A_283] : memref<700000x128xf32, #tpu.memory_space<hbm>> -> memref<700000x128xf32, #tpu.memory_space<hbm>>
      %dma_wait3A_285 = tpu.memref_slice %arg10[%and3A_276] : memref<2x!tpu.dma_semaphore, #tpu.memory_space<semaphore_mem>> -> memref<1x!tpu.dma_semaphore, #tpu.memory_space<semaphore_mem>>
      %dma_wait3A_286 = tpu.memref_squeeze %dma_wait3A_285 : memref<1x!tpu.dma_semaphore, #tpu.memory_space<semaphore_mem>> -> memref<!tpu.dma_semaphore, #tpu.memory_space<semaphore_mem>>
      tpu.wait_indirect_dma semaphore(%dma_wait3A_286 : memref<!tpu.dma_semaphore, #tpu.memory_space<semaphore_mem>>) src(%dma_wait3A_284 : memref<700000x128xf32, #tpu.memory_space<hbm>>) dst(%dma_wait3A_279 : memref<56x128xf32, #tpu.memory_space<vmem>>)
      %dma_wait3A_287 = arith.constant 56 : i32
      %dma_wait3A_288 = arith.constant 0 : i32
      %dma_wait3A_289 = tpu.memref_slice %arg7[%dma_wait3A_287, %dma_wait3A_288] : memref<448x128xf32, #tpu.memory_space<vmem>> -> memref<56x128xf32, #tpu.memory_space<vmem>>
      %dma_wait3A_290 = arith.constant 0 : i32
      %dma_wait3A_291 = tpu.memref_slice %arg6[%dma_wait3A_290] : memref<22400xi32, #tpu.memory_space<vmem>> -> memref<56xi32, #tpu.memory_space<vmem>>
      %dma_wait3A_292 = arith.constant 0 : i32
      %dma_wait3A_293 = arith.constant 0 : i32
      %dma_wait3A_294 = tpu.memref_slice %arg2[%dma_wait3A_292, %dma_wait3A_293] : memref<700000x128xf32, #tpu.memory_space<hbm>> -> memref<700000x128xf32, #tpu.memory_space<hbm>>
      %dma_wait3A_295 = tpu.memref_slice %arg10[%and3A_276] : memref<2x!tpu.dma_semaphore, #tpu.memory_space<semaphore_mem>> -> memref<1x!tpu.dma_semaphore, #tpu.memory_space<semaphore_mem>>
      %dma_wait3A_296 = tpu.memref_squeeze %dma_wait3A_295 : memref<1x!tpu.dma_semaphore, #tpu.memory_space<semaphore_mem>> -> memref<!tpu.dma_semaphore, #tpu.memory_space<semaphore_mem>>
      tpu.wait_indirect_dma semaphore(%dma_wait3A_296 : memref<!tpu.dma_semaphore, #tpu.memory_space<semaphore_mem>>) src(%dma_wait3A_294 : memref<700000x128xf32, #tpu.memory_space<hbm>>) dst(%dma_wait3A_289 : memref<56x128xf32, #tpu.memory_space<vmem>>)
      %dma_wait3A_297 = arith.constant 112 : i32
      %dma_wait3A_298 = arith.constant 0 : i32
      %dma_wait3A_299 = tpu.memref_slice %arg7[%dma_wait3A_297, %dma_wait3A_298] : memref<448x128xf32, #tpu.memory_space<vmem>> -> memref<56x128xf32, #tpu.memory_space<vmem>>
      %dma_wait3A_300 = arith.constant 0 : i32
      %dma_wait3A_301 = tpu.memref_slice %arg6[%dma_wait3A_300] : memref<22400xi32, #tpu.memory_space<vmem>> -> memref<56xi32, #tpu.memory_space<vmem>>
      %dma_wait3A_302 = arith.constant 0 : i32
      %dma_wait3A_303 = arith.constant 0 : i32
      %dma_wait3A_304 = tpu.memref_slice %arg2[%dma_wait3A_302, %dma_wait3A_303] : memref<700000x128xf32, #tpu.memory_space<hbm>> -> memref<700000x128xf32, #tpu.memory_space<hbm>>
      %dma_wait3A_305 = tpu.memref_slice %arg10[%and3A_276] : memref<2x!tpu.dma_semaphore, #tpu.memory_space<semaphore_mem>> -> memref<1x!tpu.dma_semaphore, #tpu.memory_space<semaphore_mem>>
      %dma_wait3A_306 = tpu.memref_squeeze %dma_wait3A_305 : memref<1x!tpu.dma_semaphore, #tpu.memory_space<semaphore_mem>> -> memref<!tpu.dma_semaphore, #tpu.memory_space<semaphore_mem>>
      tpu.wait_indirect_dma semaphore(%dma_wait3A_306 : memref<!tpu.dma_semaphore, #tpu.memory_space<semaphore_mem>>) src(%dma_wait3A_304 : memref<700000x128xf32, #tpu.memory_space<hbm>>) dst(%dma_wait3A_299 : memref<56x128xf32, #tpu.memory_space<vmem>>)
      %dma_wait3A_307 = arith.constant 168 : i32
      %dma_wait3A_308 = arith.constant 0 : i32
      %dma_wait3A_309 = tpu.memref_slice %arg7[%dma_wait3A_307, %dma_wait3A_308] : memref<448x128xf32, #tpu.memory_space<vmem>> -> memref<56x128xf32, #tpu.memory_space<vmem>>
      %dma_wait3A_310 = arith.constant 0 : i32
      %dma_wait3A_311 = tpu.memref_slice %arg6[%dma_wait3A_310] : memref<22400xi32, #tpu.memory_space<vmem>> -> memref<56xi32, #tpu.memory_space<vmem>>
      %dma_wait3A_312 = arith.constant 0 : i32
      %dma_wait3A_313 = arith.constant 0 : i32
      %dma_wait3A_314 = tpu.memref_slice %arg2[%dma_wait3A_312, %dma_wait3A_313] : memref<700000x128xf32, #tpu.memory_space<hbm>> -> memref<700000x128xf32, #tpu.memory_space<hbm>>
      %dma_wait3A_315 = tpu.memref_slice %arg10[%and3A_276] : memref<2x!tpu.dma_semaphore, #tpu.memory_space<semaphore_mem>> -> memref<1x!tpu.dma_semaphore, #tpu.memory_space<semaphore_mem>>
      %dma_wait3A_316 = tpu.memref_squeeze %dma_wait3A_315 : memref<1x!tpu.dma_semaphore, #tpu.memory_space<semaphore_mem>> -> memref<!tpu.dma_semaphore, #tpu.memory_space<semaphore_mem>>
      tpu.wait_indirect_dma semaphore(%dma_wait3A_316 : memref<!tpu.dma_semaphore, #tpu.memory_space<semaphore_mem>>) src(%dma_wait3A_314 : memref<700000x128xf32, #tpu.memory_space<hbm>>) dst(%dma_wait3A_309 : memref<56x128xf32, #tpu.memory_space<vmem>>)
      %ge3A = arith.constant 2 : i32
      %ge3A_317 = arith.cmpi sge, %while3A_274, %ge3A : i32
      %convert_element_type3A = arith.extui %ge3A_317 : i1 to i32
      %cond3A = arith.constant 0 : i32
      %cond3A_318 = arith.cmpi ne, %convert_element_type3A, %cond3A : i32
      scf.if %cond3A_318 {
        %dma_wait3A_409 = arith.constant 0 : i32
        %dma_wait3A_410 = arith.constant 0 : i32
        %dma_wait3A_411 = tpu.memref_slice %arg8[%dma_wait3A_409, %dma_wait3A_410] : memref<64x128xf32, #tpu.memory_space<vmem>> -> memref<32x128xf32, #tpu.memory_space<vmem>>
        %dma_wait3A_412 = arith.constant 0 : i32
        %dma_wait3A_413 = arith.constant 0 : i32
        %dma_wait3A_414 = tpu.memref_slice %arg4[%dma_wait3A_412, %dma_wait3A_413] : memref<100000x128xf32, #tpu.memory_space<hbm>> -> memref<32x128xf32, #tpu.memory_space<hbm>>
        %dma_wait3A_415 = tpu.memref_slice %arg11[%and3A_276] : memref<2x!tpu.dma_semaphore, #tpu.memory_space<semaphore_mem>> -> memref<1x!tpu.dma_semaphore, #tpu.memory_space<semaphore_mem>>
        %dma_wait3A_416 = tpu.memref_squeeze %dma_wait3A_415 : memref<1x!tpu.dma_semaphore, #tpu.memory_space<semaphore_mem>> -> memref<!tpu.dma_semaphore, #tpu.memory_space<semaphore_mem>>
        %dma_wait3A_417 = arith.constant 0 : i32
        %dma_wait3A_418 = arith.constant 0 : i32
        %dma_wait3A_419 = tpu.memref_slice %arg4[%dma_wait3A_417, %dma_wait3A_418] : memref<100000x128xf32, #tpu.memory_space<hbm>> -> memref<32x128xf32, #tpu.memory_space<hbm>>
        %dma_wait3A_420 = arith.constant 0 : i32
        %dma_wait3A_421 = arith.constant 0 : i32
        %dma_wait3A_422 = tpu.memref_slice %arg8[%dma_wait3A_420, %dma_wait3A_421] : memref<64x128xf32, #tpu.memory_space<vmem>> -> memref<32x128xf32, #tpu.memory_space<vmem>>
        tpu.wait_dma2 semaphore(%dma_wait3A_416 : memref<!tpu.dma_semaphore, #tpu.memory_space<semaphore_mem>>) src(%dma_wait3A_422 : memref<32x128xf32, #tpu.memory_space<vmem>>) dst(%dma_wait3A_419 : memref<32x128xf32, #tpu.memory_space<hbm>>)
        %dma_wait3A_423 = arith.constant 0 : i32
        %dma_wait3A_424 = arith.constant 0 : i32
        %dma_wait3A_425 = tpu.memref_slice %arg9[%dma_wait3A_423, %dma_wait3A_424] : memref<64x128xi32, #tpu.memory_space<vmem>> -> memref<32x128xi32, #tpu.memory_space<vmem>>
        %dma_wait3A_426 = arith.constant 0 : i32
        %dma_wait3A_427 = arith.constant 0 : i32
        %dma_wait3A_428 = tpu.memref_slice %arg5[%dma_wait3A_426, %dma_wait3A_427] : memref<100000x128xi32, #tpu.memory_space<hbm>> -> memref<32x128xi32, #tpu.memory_space<hbm>>
        %dma_wait3A_429 = tpu.memref_slice %arg11[%and3A_276] : memref<2x!tpu.dma_semaphore, #tpu.memory_space<semaphore_mem>> -> memref<1x!tpu.dma_semaphore, #tpu.memory_space<semaphore_mem>>
        %dma_wait3A_430 = tpu.memref_squeeze %dma_wait3A_429 : memref<1x!tpu.dma_semaphore, #tpu.memory_space<semaphore_mem>> -> memref<!tpu.dma_semaphore, #tpu.memory_space<semaphore_mem>>
        %dma_wait3A_431 = arith.constant 0 : i32
        %dma_wait3A_432 = arith.constant 0 : i32
        %dma_wait3A_433 = tpu.memref_slice %arg5[%dma_wait3A_431, %dma_wait3A_432] : memref<100000x128xi32, #tpu.memory_space<hbm>> -> memref<32x128xi32, #tpu.memory_space<hbm>>
        %dma_wait3A_434 = arith.constant 0 : i32
        %dma_wait3A_435 = arith.constant 0 : i32
        %dma_wait3A_436 = tpu.memref_slice %arg9[%dma_wait3A_434, %dma_wait3A_435] : memref<64x128xi32, #tpu.memory_space<vmem>> -> memref<32x128xi32, #tpu.memory_space<vmem>>
        tpu.wait_dma2 semaphore(%dma_wait3A_430 : memref<!tpu.dma_semaphore, #tpu.memory_space<semaphore_mem>>) src(%dma_wait3A_436 : memref<32x128xi32, #tpu.memory_space<vmem>>) dst(%dma_wait3A_433 : memref<32x128xi32, #tpu.memory_space<hbm>>)
      } else {
      }
      %mul3A_319 = arith.constant 224 : i32
      %mul3A_320 = arith.muli %and3A_276, %mul3A_319 : i32
      %mul3A_321 = arith.constant 32 : i32
      %mul3A_322 = arith.muli %and3A_276, %mul3A_321 : i32
      %scan3A = arith.constant 0 : i32
      %scan3A_323 = arith.constant 0 : i32
      %scan3A_324 = arith.constant 32 : i32
      %scan3A_325 = arith.addi %scan3A_323, %scan3A_324 : i32
      %scan3A_326 = arith.constant 1 : i32
      %scan3A_327 = scf.for %scan3A_409 = %scan3A_323 to %scan3A_325 step %scan3A_326 iter_args(%scan3A_410 = %scan3A) -> (i32)  : i32 {
        %mul3A_411 = arith.constant 896 : i32
        %mul3A_412 = arith.muli %scan3A_409, %mul3A_411 : i32
        %mul3A_413 = arith.constant 128 : i32
        %mul3A_414 = arith.muli %mul3A_320, %mul3A_413 : i32
        %add3A_415 = arith.addi %mul3A_412, %mul3A_414 : i32
        %add3A_416 = arith.addi %scan3A_409, %mul3A_322 : i32
        %add3A_417 = arith.constant 0 : i32
        %add3A_418 = arith.addi %add3A_415, %add3A_417 : i32
        %add3A_419 = vector.broadcast %add3A_418 : i32 to vector<16xi32>
        %add3A_420 = arith.addi %mul3A_11, %add3A_419 : vector<16xi32>
        %gather3A = tpu.vector_load_idx %arg7[%broadcast_in_dim3A_26, %add3A_420] : memref<448x128xf32, #tpu.memory_space<vmem>>[vector<16xi32>, vector<16xi32>], vector<16xf32>,
        %add3A_421 = arith.constant 1 : i32
        %add3A_422 = arith.addi %add3A_415, %add3A_421 : i32
        %add3A_423 = vector.broadcast %add3A_422 : i32 to vector<16xi32>
        %add3A_424 = arith.addi %mul3A_11, %add3A_423 : vector<16xi32>
        %gather3A_425 = tpu.vector_load_idx %arg7[%broadcast_in_dim3A_26, %add3A_424] : memref<448x128xf32, #tpu.memory_space<vmem>>[vector<16xi32>, vector<16xi32>], vector<16xf32>,
        %gt3A = arith.cmpf ogt, %gather3A_425, %gather3A : vector<16xf32>
        %max3A = arith.maximumf %gather3A, %gather3A_425 : vector<16xf32>
        %select_n3A_426 = arith.select %gt3A, %broadcast_in_dim3A_14, %broadcast_in_dim3A_12 : vector<16xi1>, vector<16xf32>
        %add3A_427 = arith.constant 2 : i32
        %add3A_428 = arith.addi %add3A_415, %add3A_427 : i32
        %add3A_429 = vector.broadcast %add3A_428 : i32 to vector<16xi32>
        %add3A_430 = arith.addi %mul3A_11, %add3A_429 : vector<16xi32>
        %gather3A_431 = tpu.vector_load_idx %arg7[%broadcast_in_dim3A_26, %add3A_430] : memref<448x128xf32, #tpu.memory_space<vmem>>[vector<16xi32>, vector<16xi32>], vector<16xf32>,
        %gt3A_432 = arith.cmpf ogt, %gather3A_431, %max3A : vector<16xf32>
        %max3A_433 = arith.maximumf %max3A, %gather3A_431 : vector<16xf32>
        %select_n3A_434 = arith.select %gt3A_432, %broadcast_in_dim3A_16, %select_n3A_426 : vector<16xi1>, vector<16xf32>
        %add3A_435 = arith.constant 3 : i32
        %add3A_436 = arith.addi %add3A_415, %add3A_435 : i32
        %add3A_437 = vector.broadcast %add3A_436 : i32 to vector<16xi32>
        %add3A_438 = arith.addi %mul3A_11, %add3A_437 : vector<16xi32>
        %gather3A_439 = tpu.vector_load_idx %arg7[%broadcast_in_dim3A_26, %add3A_438] : memref<448x128xf32, #tpu.memory_space<vmem>>[vector<16xi32>, vector<16xi32>], vector<16xf32>,
        %gt3A_440 = arith.cmpf ogt, %gather3A_439, %max3A_433 : vector<16xf32>
        %max3A_441 = arith.maximumf %max3A_433, %gather3A_439 : vector<16xf32>
        %select_n3A_442 = arith.select %gt3A_440, %broadcast_in_dim3A_18, %select_n3A_434 : vector<16xi1>, vector<16xf32>
        %add3A_443 = arith.constant 4 : i32
        %add3A_444 = arith.addi %add3A_415, %add3A_443 : i32
        %add3A_445 = vector.broadcast %add3A_444 : i32 to vector<16xi32>
        %add3A_446 = arith.addi %mul3A_11, %add3A_445 : vector<16xi32>
        %gather3A_447 = tpu.vector_load_idx %arg7[%broadcast_in_dim3A_26, %add3A_446] : memref<448x128xf32, #tpu.memory_space<vmem>>[vector<16xi32>, vector<16xi32>], vector<16xf32>,
        %gt3A_448 = arith.cmpf ogt, %gather3A_447, %max3A_441 : vector<16xf32>
        %max3A_449 = arith.maximumf %max3A_441, %gather3A_447 : vector<16xf32>
        %select_n3A_450 = arith.select %gt3A_448, %broadcast_in_dim3A_20, %select_n3A_442 : vector<16xi1>, vector<16xf32>
        %add3A_451 = arith.constant 5 : i32
        %add3A_452 = arith.addi %add3A_415, %add3A_451 : i32
        %add3A_453 = vector.broadcast %add3A_452 : i32 to vector<16xi32>
        %add3A_454 = arith.addi %mul3A_11, %add3A_453 : vector<16xi32>
        %gather3A_455 = tpu.vector_load_idx %arg7[%broadcast_in_dim3A_26, %add3A_454] : memref<448x128xf32, #tpu.memory_space<vmem>>[vector<16xi32>, vector<16xi32>], vector<16xf32>,
        %gt3A_456 = arith.cmpf ogt, %gather3A_455, %max3A_449 : vector<16xf32>
        %max3A_457 = arith.maximumf %max3A_449, %gather3A_455 : vector<16xf32>
        %select_n3A_458 = arith.select %gt3A_456, %broadcast_in_dim3A_22, %select_n3A_450 : vector<16xi1>, vector<16xf32>
        %add3A_459 = arith.constant 6 : i32
        %add3A_460 = arith.addi %add3A_415, %add3A_459 : i32
        %add3A_461 = vector.broadcast %add3A_460 : i32 to vector<16xi32>
        %add3A_462 = arith.addi %mul3A_11, %add3A_461 : vector<16xi32>
        %gather3A_463 = tpu.vector_load_idx %arg7[%broadcast_in_dim3A_26, %add3A_462] : memref<448x128xf32, #tpu.memory_space<vmem>>[vector<16xi32>, vector<16xi32>], vector<16xf32>,
        %gt3A_464 = arith.cmpf ogt, %gather3A_463, %max3A_457 : vector<16xf32>
        %max3A_465 = arith.maximumf %max3A_457, %gather3A_463 : vector<16xf32>
        %select_n3A_466 = arith.select %gt3A_464, %broadcast_in_dim3A_24, %select_n3A_458 : vector<16xi1>, vector<16xf32>
        %swap3A = arith.index_cast %add3A_416 : i32 to index
        %swap3A_467 = arith.constant 0 : index
        %swap3A_468 = tpu.vector_load %arg8[%swap3A, %swap3A_467] {strides = array<i32>} : memref<64x128xf32, #tpu.memory_space<vmem>>, vector<16xf32>,
        tpu.vector_store %arg8[%swap3A, %swap3A_467], %max3A_465 {strides = array<i32>} : memref<64x128xf32, #tpu.memory_space<vmem>>, vector<16xf32>,
        %convert_element_type3A_469 = arith.fptosi %select_n3A_466 : vector<16xf32> to vector<16xi32>
        %swap3A_470 = arith.index_cast %add3A_416 : i32 to index
        %swap3A_471 = arith.constant 0 : index
        %swap3A_472 = tpu.vector_load %arg9[%swap3A_470, %swap3A_471] {strides = array<i32>} : memref<64x128xi32, #tpu.memory_space<vmem>>, vector<16xi32>,
        tpu.vector_store %arg9[%swap3A_470, %swap3A_471], %convert_element_type3A_469 {strides = array<i32>} : memref<64x128xi32, #tpu.memory_space<vmem>>, vector<16xi32>,
        %add3A_473 = arith.constant 112 : i32
        %add3A_474 = arith.addi %add3A_415, %add3A_473 : i32
        %add3A_475 = vector.broadcast %add3A_474 : i32 to vector<16xi32>
        %add3A_476 = arith.addi %mul3A_11, %add3A_475 : vector<16xi32>
        %gather3A_477 = tpu.vector_load_idx %arg7[%broadcast_in_dim3A_26, %add3A_476] : memref<448x128xf32, #tpu.memory_space<vmem>>[vector<16xi32>, vector<16xi32>], vector<16xf32>,
        %add3A_478 = arith.constant 113 : i32
        %add3A_479 = arith.addi %add3A_415, %add3A_478 : i32
        %add3A_480 = vector.broadcast %add3A_479 : i32 to vector<16xi32>
        %add3A_481 = arith.addi %mul3A_11, %add3A_480 : vector<16xi32>
        %gather3A_482 = tpu.vector_load_idx %arg7[%broadcast_in_dim3A_26, %add3A_481] : memref<448x128xf32, #tpu.memory_space<vmem>>[vector<16xi32>, vector<16xi32>], vector<16xf32>,
        %gt3A_483 = arith.cmpf ogt, %gather3A_482, %gather3A_477 : vector<16xf32>
        %max3A_484 = arith.maximumf %gather3A_477, %gather3A_482 : vector<16xf32>
        %select_n3A_485 = arith.select %gt3A_483, %broadcast_in_dim3A_14, %broadcast_in_dim3A_12 : vector<16xi1>, vector<16xf32>
        %add3A_486 = arith.constant 114 : i32
        %add3A_487 = arith.addi %add3A_415, %add3A_486 : i32
        %add3A_488 = vector.broadcast %add3A_487 : i32 to vector<16xi32>
        %add3A_489 = arith.addi %mul3A_11, %add3A_488 : vector<16xi32>
        %gather3A_490 = tpu.vector_load_idx %arg7[%broadcast_in_dim3A_26, %add3A_489] : memref<448x128xf32, #tpu.memory_space<vmem>>[vector<16xi32>, vector<16xi32>], vector<16xf32>,
        %gt3A_491 = arith.cmpf ogt, %gather3A_490, %max3A_484 : vector<16xf32>
        %max3A_492 = arith.maximumf %max3A_484, %gather3A_490 : vector<16xf32>
        %select_n3A_493 = arith.select %gt3A_491, %broadcast_in_dim3A_16, %select_n3A_485 : vector<16xi1>, vector<16xf32>
        %add3A_494 = arith.constant 115 : i32
        %add3A_495 = arith.addi %add3A_415, %add3A_494 : i32
        %add3A_496 = vector.broadcast %add3A_495 : i32 to vector<16xi32>
        %add3A_497 = arith.addi %mul3A_11, %add3A_496 : vector<16xi32>
        %gather3A_498 = tpu.vector_load_idx %arg7[%broadcast_in_dim3A_26, %add3A_497] : memref<448x128xf32, #tpu.memory_space<vmem>>[vector<16xi32>, vector<16xi32>], vector<16xf32>,
        %gt3A_499 = arith.cmpf ogt, %gather3A_498, %max3A_492 : vector<16xf32>
        %max3A_500 = arith.maximumf %max3A_492, %gather3A_498 : vector<16xf32>
        %select_n3A_501 = arith.select %gt3A_499, %broadcast_in_dim3A_18, %select_n3A_493 : vector<16xi1>, vector<16xf32>
        %add3A_502 = arith.constant 116 : i32
        %add3A_503 = arith.addi %add3A_415, %add3A_502 : i32
        %add3A_504 = vector.broadcast %add3A_503 : i32 to vector<16xi32>
        %add3A_505 = arith.addi %mul3A_11, %add3A_504 : vector<16xi32>
        %gather3A_506 = tpu.vector_load_idx %arg7[%broadcast_in_dim3A_26, %add3A_505] : memref<448x128xf32, #tpu.memory_space<vmem>>[vector<16xi32>, vector<16xi32>], vector<16xf32>,
        %gt3A_507 = arith.cmpf ogt, %gather3A_506, %max3A_500 : vector<16xf32>
        %max3A_508 = arith.maximumf %max3A_500, %gather3A_506 : vector<16xf32>
        %select_n3A_509 = arith.select %gt3A_507, %broadcast_in_dim3A_20, %select_n3A_501 : vector<16xi1>, vector<16xf32>
        %add3A_510 = arith.constant 117 : i32
        %add3A_511 = arith.addi %add3A_415, %add3A_510 : i32
        %add3A_512 = vector.broadcast %add3A_511 : i32 to vector<16xi32>
        %add3A_513 = arith.addi %mul3A_11, %add3A_512 : vector<16xi32>
        %gather3A_514 = tpu.vector_load_idx %arg7[%broadcast_in_dim3A_26, %add3A_513] : memref<448x128xf32, #tpu.memory_space<vmem>>[vector<16xi32>, vector<16xi32>], vector<16xf32>,
        %gt3A_515 = arith.cmpf ogt, %gather3A_514, %max3A_508 : vector<16xf32>
        %max3A_516 = arith.maximumf %max3A_508, %gather3A_514 : vector<16xf32>
        %select_n3A_517 = arith.select %gt3A_515, %broadcast_in_dim3A_22, %select_n3A_509 : vector<16xi1>, vector<16xf32>
        %add3A_518 = arith.constant 118 : i32
        %add3A_519 = arith.addi %add3A_415, %add3A_518 : i32
        %add3A_520 = vector.broadcast %add3A_519 : i32 to vector<16xi32>
        %add3A_521 = arith.addi %mul3A_11, %add3A_520 : vector<16xi32>
        %gather3A_522 = tpu.vector_load_idx %arg7[%broadcast_in_dim3A_26, %add3A_521] : memref<448x128xf32, #tpu.memory_space<vmem>>[vector<16xi32>, vector<16xi32>], vector<16xf32>,
        %gt3A_523 = arith.cmpf ogt, %gather3A_522, %max3A_516 : vector<16xf32>
        %max3A_524 = arith.maximumf %max3A_516, %gather3A_522 : vector<16xf32>
        %select_n3A_525 = arith.select %gt3A_523, %broadcast_in_dim3A_24, %select_n3A_517 : vector<16xi1>, vector<16xf32>
        %swap3A_526 = arith.index_cast %add3A_416 : i32 to index
        %swap3A_527 = arith.constant 16 : index
        %swap3A_528 = tpu.vector_load %arg8[%swap3A_526, %swap3A_527] {strides = array<i32>} : memref<64x128xf32, #tpu.memory_space<vmem>>, vector<16xf32>,
        tpu.vector_store %arg8[%swap3A_526, %swap3A_527], %max3A_524 {strides = array<i32>} : memref<64x128xf32, #tpu.memory_space<vmem>>, vector<16xf32>,
        %convert_element_type3A_529 = arith.fptosi %select_n3A_525 : vector<16xf32> to vector<16xi32>
        %swap3A_530 = arith.index_cast %add3A_416 : i32 to index
        %swap3A_531 = arith.constant 16 : index
        %swap3A_532 = tpu.vector_load %arg9[%swap3A_530, %swap3A_531] {strides = array<i32>} : memref<64x128xi32, #tpu.memory_space<vmem>>, vector<16xi32>,
        tpu.vector_store %arg9[%swap3A_530, %swap3A_531], %convert_element_type3A_529 {strides = array<i32>} : memref<64x128xi32, #tpu.memory_space<vmem>>, vector<16xi32>,
        %add3A_533 = arith.constant 224 : i32
        %add3A_534 = arith.addi %add3A_415, %add3A_533 : i32
        %add3A_535 = vector.broadcast %add3A_534 : i32 to vector<16xi32>
        %add3A_536 = arith.addi %mul3A_11, %add3A_535 : vector<16xi32>
        %gather3A_537 = tpu.vector_load_idx %arg7[%broadcast_in_dim3A_26, %add3A_536] : memref<448x128xf32, #tpu.memory_space<vmem>>[vector<16xi32>, vector<16xi32>], vector<16xf32>,
        %add3A_538 = arith.constant 225 : i32
        %add3A_539 = arith.addi %add3A_415, %add3A_538 : i32
        %add3A_540 = vector.broadcast %add3A_539 : i32 to vector<16xi32>
        %add3A_541 = arith.addi %mul3A_11, %add3A_540 : vector<16xi32>
        %gather3A_542 = tpu.vector_load_idx %arg7[%broadcast_in_dim3A_26, %add3A_541] : memref<448x128xf32, #tpu.memory_space<vmem>>[vector<16xi32>, vector<16xi32>], vector<16xf32>,
        %gt3A_543 = arith.cmpf ogt, %gather3A_542, %gather3A_537 : vector<16xf32>
        %max3A_544 = arith.maximumf %gather3A_537, %gather3A_542 : vector<16xf32>
        %select_n3A_545 = arith.select %gt3A_543, %broadcast_in_dim3A_14, %broadcast_in_dim3A_12 : vector<16xi1>, vector<16xf32>
        %add3A_546 = arith.constant 226 : i32
        %add3A_547 = arith.addi %add3A_415, %add3A_546 : i32
        %add3A_548 = vector.broadcast %add3A_547 : i32 to vector<16xi32>
        %add3A_549 = arith.addi %mul3A_11, %add3A_548 : vector<16xi32>
        %gather3A_550 = tpu.vector_load_idx %arg7[%broadcast_in_dim3A_26, %add3A_549] : memref<448x128xf32, #tpu.memory_space<vmem>>[vector<16xi32>, vector<16xi32>], vector<16xf32>,
        %gt3A_551 = arith.cmpf ogt, %gather3A_550, %max3A_544 : vector<16xf32>
        %max3A_552 = arith.maximumf %max3A_544, %gather3A_550 : vector<16xf32>
        %select_n3A_553 = arith.select %gt3A_551, %broadcast_in_dim3A_16, %select_n3A_545 : vector<16xi1>, vector<16xf32>
        %add3A_554 = arith.constant 227 : i32
        %add3A_555 = arith.addi %add3A_415, %add3A_554 : i32
        %add3A_556 = vector.broadcast %add3A_555 : i32 to vector<16xi32>
        %add3A_557 = arith.addi %mul3A_11, %add3A_556 : vector<16xi32>
        %gather3A_558 = tpu.vector_load_idx %arg7[%broadcast_in_dim3A_26, %add3A_557] : memref<448x128xf32, #tpu.memory_space<vmem>>[vector<16xi32>, vector<16xi32>], vector<16xf32>,
        %gt3A_559 = arith.cmpf ogt, %gather3A_558, %max3A_552 : vector<16xf32>
        %max3A_560 = arith.maximumf %max3A_552, %gather3A_558 : vector<16xf32>
        %select_n3A_561 = arith.select %gt3A_559, %broadcast_in_dim3A_18, %select_n3A_553 : vector<16xi1>, vector<16xf32>
        %add3A_562 = arith.constant 228 : i32
        %add3A_563 = arith.addi %add3A_415, %add3A_562 : i32
        %add3A_564 = vector.broadcast %add3A_563 : i32 to vector<16xi32>
        %add3A_565 = arith.addi %mul3A_11, %add3A_564 : vector<16xi32>
        %gather3A_566 = tpu.vector_load_idx %arg7[%broadcast_in_dim3A_26, %add3A_565] : memref<448x128xf32, #tpu.memory_space<vmem>>[vector<16xi32>, vector<16xi32>], vector<16xf32>,
        %gt3A_567 = arith.cmpf ogt, %gather3A_566, %max3A_560 : vector<16xf32>
        %max3A_568 = arith.maximumf %max3A_560, %gather3A_566 : vector<16xf32>
        %select_n3A_569 = arith.select %gt3A_567, %broadcast_in_dim3A_20, %select_n3A_561 : vector<16xi1>, vector<16xf32>
        %add3A_570 = arith.constant 229 : i32
        %add3A_571 = arith.addi %add3A_415, %add3A_570 : i32
        %add3A_572 = vector.broadcast %add3A_571 : i32 to vector<16xi32>
        %add3A_573 = arith.addi %mul3A_11, %add3A_572 : vector<16xi32>
        %gather3A_574 = tpu.vector_load_idx %arg7[%broadcast_in_dim3A_26, %add3A_573] : memref<448x128xf32, #tpu.memory_space<vmem>>[vector<16xi32>, vector<16xi32>], vector<16xf32>,
        %gt3A_575 = arith.cmpf ogt, %gather3A_574, %max3A_568 : vector<16xf32>
        %max3A_576 = arith.maximumf %max3A_568, %gather3A_574 : vector<16xf32>
        %select_n3A_577 = arith.select %gt3A_575, %broadcast_in_dim3A_22, %select_n3A_569 : vector<16xi1>, vector<16xf32>
        %add3A_578 = arith.constant 230 : i32
        %add3A_579 = arith.addi %add3A_415, %add3A_578 : i32
        %add3A_580 = vector.broadcast %add3A_579 : i32 to vector<16xi32>
        %add3A_581 = arith.addi %mul3A_11, %add3A_580 : vector<16xi32>
        %gather3A_582 = tpu.vector_load_idx %arg7[%broadcast_in_dim3A_26, %add3A_581] : memref<448x128xf32, #tpu.memory_space<vmem>>[vector<16xi32>, vector<16xi32>], vector<16xf32>,
        %gt3A_583 = arith.cmpf ogt, %gather3A_582, %max3A_576 : vector<16xf32>
        %max3A_584 = arith.maximumf %max3A_576, %gather3A_582 : vector<16xf32>
        %select_n3A_585 = arith.select %gt3A_583, %broadcast_in_dim3A_24, %select_n3A_577 : vector<16xi1>, vector<16xf32>
        %swap3A_586 = arith.index_cast %add3A_416 : i32 to index
        %swap3A_587 = arith.constant 32 : index
        %swap3A_588 = tpu.vector_load %arg8[%swap3A_586, %swap3A_587] {strides = array<i32>} : memref<64x128xf32, #tpu.memory_space<vmem>>, vector<16xf32>,
        tpu.vector_store %arg8[%swap3A_586, %swap3A_587], %max3A_584 {strides = array<i32>} : memref<64x128xf32, #tpu.memory_space<vmem>>, vector<16xf32>,
        %convert_element_type3A_589 = arith.fptosi %select_n3A_585 : vector<16xf32> to vector<16xi32>
        %swap3A_590 = arith.index_cast %add3A_416 : i32 to index
        %swap3A_591 = arith.constant 32 : index
        %swap3A_592 = tpu.vector_load %arg9[%swap3A_590, %swap3A_591] {strides = array<i32>} : memref<64x128xi32, #tpu.memory_space<vmem>>, vector<16xi32>,
        tpu.vector_store %arg9[%swap3A_590, %swap3A_591], %convert_element_type3A_589 {strides = array<i32>} : memref<64x128xi32, #tpu.memory_space<vmem>>, vector<16xi32>,
        %add3A_593 = arith.constant 336 : i32
        %add3A_594 = arith.addi %add3A_415, %add3A_593 : i32
        %add3A_595 = vector.broadcast %add3A_594 : i32 to vector<16xi32>
        %add3A_596 = arith.addi %mul3A_11, %add3A_595 : vector<16xi32>
        %gather3A_597 = tpu.vector_load_idx %arg7[%broadcast_in_dim3A_26, %add3A_596] : memref<448x128xf32, #tpu.memory_space<vmem>>[vector<16xi32>, vector<16xi32>], vector<16xf32>,
        %add3A_598 = arith.constant 337 : i32
        %add3A_599 = arith.addi %add3A_415, %add3A_598 : i32
        %add3A_600 = vector.broadcast %add3A_599 : i32 to vector<16xi32>
        %add3A_601 = arith.addi %mul3A_11, %add3A_600 : vector<16xi32>
        %gather3A_602 = tpu.vector_load_idx %arg7[%broadcast_in_dim3A_26, %add3A_601] : memref<448x128xf32, #tpu.memory_space<vmem>>[vector<16xi32>, vector<16xi32>], vector<16xf32>,
        %gt3A_603 = arith.cmpf ogt, %gather3A_602, %gather3A_597 : vector<16xf32>
        %max3A_604 = arith.maximumf %gather3A_597, %gather3A_602 : vector<16xf32>
        %select_n3A_605 = arith.select %gt3A_603, %broadcast_in_dim3A_14, %broadcast_in_dim3A_12 : vector<16xi1>, vector<16xf32>
        %add3A_606 = arith.constant 338 : i32
        %add3A_607 = arith.addi %add3A_415, %add3A_606 : i32
        %add3A_608 = vector.broadcast %add3A_607 : i32 to vector<16xi32>
        %add3A_609 = arith.addi %mul3A_11, %add3A_608 : vector<16xi32>
        %gather3A_610 = tpu.vector_load_idx %arg7[%broadcast_in_dim3A_26, %add3A_609] : memref<448x128xf32, #tpu.memory_space<vmem>>[vector<16xi32>, vector<16xi32>], vector<16xf32>,
        %gt3A_611 = arith.cmpf ogt, %gather3A_610, %max3A_604 : vector<16xf32>
        %max3A_612 = arith.maximumf %max3A_604, %gather3A_610 : vector<16xf32>
        %select_n3A_613 = arith.select %gt3A_611, %broadcast_in_dim3A_16, %select_n3A_605 : vector<16xi1>, vector<16xf32>
        %add3A_614 = arith.constant 339 : i32
        %add3A_615 = arith.addi %add3A_415, %add3A_614 : i32
        %add3A_616 = vector.broadcast %add3A_615 : i32 to vector<16xi32>
        %add3A_617 = arith.addi %mul3A_11, %add3A_616 : vector<16xi32>
        %gather3A_618 = tpu.vector_load_idx %arg7[%broadcast_in_dim3A_26, %add3A_617] : memref<448x128xf32, #tpu.memory_space<vmem>>[vector<16xi32>, vector<16xi32>], vector<16xf32>,
        %gt3A_619 = arith.cmpf ogt, %gather3A_618, %max3A_612 : vector<16xf32>
        %max3A_620 = arith.maximumf %max3A_612, %gather3A_618 : vector<16xf32>
        %select_n3A_621 = arith.select %gt3A_619, %broadcast_in_dim3A_18, %select_n3A_613 : vector<16xi1>, vector<16xf32>
        %add3A_622 = arith.constant 340 : i32
        %add3A_623 = arith.addi %add3A_415, %add3A_622 : i32
        %add3A_624 = vector.broadcast %add3A_623 : i32 to vector<16xi32>
        %add3A_625 = arith.addi %mul3A_11, %add3A_624 : vector<16xi32>
        %gather3A_626 = tpu.vector_load_idx %arg7[%broadcast_in_dim3A_26, %add3A_625] : memref<448x128xf32, #tpu.memory_space<vmem>>[vector<16xi32>, vector<16xi32>], vector<16xf32>,
        %gt3A_627 = arith.cmpf ogt, %gather3A_626, %max3A_620 : vector<16xf32>
        %max3A_628 = arith.maximumf %max3A_620, %gather3A_626 : vector<16xf32>
        %select_n3A_629 = arith.select %gt3A_627, %broadcast_in_dim3A_20, %select_n3A_621 : vector<16xi1>, vector<16xf32>
        %add3A_630 = arith.constant 341 : i32
        %add3A_631 = arith.addi %add3A_415, %add3A_630 : i32
        %add3A_632 = vector.broadcast %add3A_631 : i32 to vector<16xi32>
        %add3A_633 = arith.addi %mul3A_11, %add3A_632 : vector<16xi32>
        %gather3A_634 = tpu.vector_load_idx %arg7[%broadcast_in_dim3A_26, %add3A_633] : memref<448x128xf32, #tpu.memory_space<vmem>>[vector<16xi32>, vector<16xi32>], vector<16xf32>,
        %gt3A_635 = arith.cmpf ogt, %gather3A_634, %max3A_628 : vector<16xf32>
        %max3A_636 = arith.maximumf %max3A_628, %gather3A_634 : vector<16xf32>
        %select_n3A_637 = arith.select %gt3A_635, %broadcast_in_dim3A_22, %select_n3A_629 : vector<16xi1>, vector<16xf32>
        %add3A_638 = arith.constant 342 : i32
        %add3A_639 = arith.addi %add3A_415, %add3A_638 : i32
        %add3A_640 = vector.broadcast %add3A_639 : i32 to vector<16xi32>
        %add3A_641 = arith.addi %mul3A_11, %add3A_640 : vector<16xi32>
        %gather3A_642 = tpu.vector_load_idx %arg7[%broadcast_in_dim3A_26, %add3A_641] : memref<448x128xf32, #tpu.memory_space<vmem>>[vector<16xi32>, vector<16xi32>], vector<16xf32>,
        %gt3A_643 = arith.cmpf ogt, %gather3A_642, %max3A_636 : vector<16xf32>
        %max3A_644 = arith.maximumf %max3A_636, %gather3A_642 : vector<16xf32>
        %select_n3A_645 = arith.select %gt3A_643, %broadcast_in_dim3A_24, %select_n3A_637 : vector<16xi1>, vector<16xf32>
        %swap3A_646 = arith.index_cast %add3A_416 : i32 to index
        %swap3A_647 = arith.constant 48 : index
        %swap3A_648 = tpu.vector_load %arg8[%swap3A_646, %swap3A_647] {strides = array<i32>} : memref<64x128xf32, #tpu.memory_space<vmem>>, vector<16xf32>,
        tpu.vector_store %arg8[%swap3A_646, %swap3A_647], %max3A_644 {strides = array<i32>} : memref<64x128xf32, #tpu.memory_space<vmem>>, vector<16xf32>,
        %convert_element_type3A_649 = arith.fptosi %select_n3A_645 : vector<16xf32> to vector<16xi32>
        %swap3A_650 = arith.index_cast %add3A_416 : i32 to index
        %swap3A_651 = arith.constant 48 : index
        %swap3A_652 = tpu.vector_load %arg9[%swap3A_650, %swap3A_651] {strides = array<i32>} : memref<64x128xi32, #tpu.memory_space<vmem>>, vector<16xi32>,
        tpu.vector_store %arg9[%swap3A_650, %swap3A_651], %convert_element_type3A_649 {strides = array<i32>} : memref<64x128xi32, #tpu.memory_space<vmem>>, vector<16xi32>,
        %add3A_653 = arith.constant 448 : i32
        %add3A_654 = arith.addi %add3A_415, %add3A_653 : i32
        %add3A_655 = vector.broadcast %add3A_654 : i32 to vector<16xi32>
        %add3A_656 = arith.addi %mul3A_11, %add3A_655 : vector<16xi32>
        %gather3A_657 = tpu.vector_load_idx %arg7[%broadcast_in_dim3A_26, %add3A_656] : memref<448x128xf32, #tpu.memory_space<vmem>>[vector<16xi32>, vector<16xi32>], vector<16xf32>,
        %add3A_658 = arith.constant 449 : i32
        %add3A_659 = arith.addi %add3A_415, %add3A_658 : i32
        %add3A_660 = vector.broadcast %add3A_659 : i32 to vector<16xi32>
        %add3A_661 = arith.addi %mul3A_11, %add3A_660 : vector<16xi32>
        %gather3A_662 = tpu.vector_load_idx %arg7[%broadcast_in_dim3A_26, %add3A_661] : memref<448x128xf32, #tpu.memory_space<vmem>>[vector<16xi32>, vector<16xi32>], vector<16xf32>,
        %gt3A_663 = arith.cmpf ogt, %gather3A_662, %gather3A_657 : vector<16xf32>
        %max3A_664 = arith.maximumf %gather3A_657, %gather3A_662 : vector<16xf32>
        %select_n3A_665 = arith.select %gt3A_663, %broadcast_in_dim3A_14, %broadcast_in_dim3A_12 : vector<16xi1>, vector<16xf32>
        %add3A_666 = arith.constant 450 : i32
        %add3A_667 = arith.addi %add3A_415, %add3A_666 : i32
        %add3A_668 = vector.broadcast %add3A_667 : i32 to vector<16xi32>
        %add3A_669 = arith.addi %mul3A_11, %add3A_668 : vector<16xi32>
        %gather3A_670 = tpu.vector_load_idx %arg7[%broadcast_in_dim3A_26, %add3A_669] : memref<448x128xf32, #tpu.memory_space<vmem>>[vector<16xi32>, vector<16xi32>], vector<16xf32>,
        %gt3A_671 = arith.cmpf ogt, %gather3A_670, %max3A_664 : vector<16xf32>
        %max3A_672 = arith.maximumf %max3A_664, %gather3A_670 : vector<16xf32>
        %select_n3A_673 = arith.select %gt3A_671, %broadcast_in_dim3A_16, %select_n3A_665 : vector<16xi1>, vector<16xf32>
        %add3A_674 = arith.constant 451 : i32
        %add3A_675 = arith.addi %add3A_415, %add3A_674 : i32
        %add3A_676 = vector.broadcast %add3A_675 : i32 to vector<16xi32>
        %add3A_677 = arith.addi %mul3A_11, %add3A_676 : vector<16xi32>
        %gather3A_678 = tpu.vector_load_idx %arg7[%broadcast_in_dim3A_26, %add3A_677] : memref<448x128xf32, #tpu.memory_space<vmem>>[vector<16xi32>, vector<16xi32>], vector<16xf32>,
        %gt3A_679 = arith.cmpf ogt, %gather3A_678, %max3A_672 : vector<16xf32>
        %max3A_680 = arith.maximumf %max3A_672, %gather3A_678 : vector<16xf32>
        %select_n3A_681 = arith.select %gt3A_679, %broadcast_in_dim3A_18, %select_n3A_673 : vector<16xi1>, vector<16xf32>
        %add3A_682 = arith.constant 452 : i32
        %add3A_683 = arith.addi %add3A_415, %add3A_682 : i32
        %add3A_684 = vector.broadcast %add3A_683 : i32 to vector<16xi32>
        %add3A_685 = arith.addi %mul3A_11, %add3A_684 : vector<16xi32>
        %gather3A_686 = tpu.vector_load_idx %arg7[%broadcast_in_dim3A_26, %add3A_685] : memref<448x128xf32, #tpu.memory_space<vmem>>[vector<16xi32>, vector<16xi32>], vector<16xf32>,
        %gt3A_687 = arith.cmpf ogt, %gather3A_686, %max3A_680 : vector<16xf32>
        %max3A_688 = arith.maximumf %max3A_680, %gather3A_686 : vector<16xf32>
        %select_n3A_689 = arith.select %gt3A_687, %broadcast_in_dim3A_20, %select_n3A_681 : vector<16xi1>, vector<16xf32>
        %add3A_690 = arith.constant 453 : i32
        %add3A_691 = arith.addi %add3A_415, %add3A_690 : i32
        %add3A_692 = vector.broadcast %add3A_691 : i32 to vector<16xi32>
        %add3A_693 = arith.addi %mul3A_11, %add3A_692 : vector<16xi32>
        %gather3A_694 = tpu.vector_load_idx %arg7[%broadcast_in_dim3A_26, %add3A_693] : memref<448x128xf32, #tpu.memory_space<vmem>>[vector<16xi32>, vector<16xi32>], vector<16xf32>,
        %gt3A_695 = arith.cmpf ogt, %gather3A_694, %max3A_688 : vector<16xf32>
        %max3A_696 = arith.maximumf %max3A_688, %gather3A_694 : vector<16xf32>
        %select_n3A_697 = arith.select %gt3A_695, %broadcast_in_dim3A_22, %select_n3A_689 : vector<16xi1>, vector<16xf32>
        %add3A_698 = arith.constant 454 : i32
        %add3A_699 = arith.addi %add3A_415, %add3A_698 : i32
        %add3A_700 = vector.broadcast %add3A_699 : i32 to vector<16xi32>
        %add3A_701 = arith.addi %mul3A_11, %add3A_700 : vector<16xi32>
        %gather3A_702 = tpu.vector_load_idx %arg7[%broadcast_in_dim3A_26, %add3A_701] : memref<448x128xf32, #tpu.memory_space<vmem>>[vector<16xi32>, vector<16xi32>], vector<16xf32>,
        %gt3A_703 = arith.cmpf ogt, %gather3A_702, %max3A_696 : vector<16xf32>
        %max3A_704 = arith.maximumf %max3A_696, %gather3A_702 : vector<16xf32>
        %select_n3A_705 = arith.select %gt3A_703, %broadcast_in_dim3A_24, %select_n3A_697 : vector<16xi1>, vector<16xf32>
        %swap3A_706 = arith.index_cast %add3A_416 : i32 to index
        %swap3A_707 = arith.constant 64 : index
        %swap3A_708 = tpu.vector_load %arg8[%swap3A_706, %swap3A_707] {strides = array<i32>} : memref<64x128xf32, #tpu.memory_space<vmem>>, vector<16xf32>,
        tpu.vector_store %arg8[%swap3A_706, %swap3A_707], %max3A_704 {strides = array<i32>} : memref<64x128xf32, #tpu.memory_space<vmem>>, vector<16xf32>,
        %convert_element_type3A_709 = arith.fptosi %select_n3A_705 : vector<16xf32> to vector<16xi32>
        %swap3A_710 = arith.index_cast %add3A_416 : i32 to index
        %swap3A_711 = arith.constant 64 : index
        %swap3A_712 = tpu.vector_load %arg9[%swap3A_710, %swap3A_711] {strides = array<i32>} : memref<64x128xi32, #tpu.memory_space<vmem>>, vector<16xi32>,
        tpu.vector_store %arg9[%swap3A_710, %swap3A_711], %convert_element_type3A_709 {strides = array<i32>} : memref<64x128xi32, #tpu.memory_space<vmem>>, vector<16xi32>,
        %add3A_713 = arith.constant 560 : i32
        %add3A_714 = arith.addi %add3A_415, %add3A_713 : i32
        %add3A_715 = vector.broadcast %add3A_714 : i32 to vector<16xi32>
        %add3A_716 = arith.addi %mul3A_11, %add3A_715 : vector<16xi32>
        %gather3A_717 = tpu.vector_load_idx %arg7[%broadcast_in_dim3A_26, %add3A_716] : memref<448x128xf32, #tpu.memory_space<vmem>>[vector<16xi32>, vector<16xi32>], vector<16xf32>,
        %add3A_718 = arith.constant 561 : i32
        %add3A_719 = arith.addi %add3A_415, %add3A_718 : i32
        %add3A_720 = vector.broadcast %add3A_719 : i32 to vector<16xi32>
        %add3A_721 = arith.addi %mul3A_11, %add3A_720 : vector<16xi32>
        %gather3A_722 = tpu.vector_load_idx %arg7[%broadcast_in_dim3A_26, %add3A_721] : memref<448x128xf32, #tpu.memory_space<vmem>>[vector<16xi32>, vector<16xi32>], vector<16xf32>,
        %gt3A_723 = arith.cmpf ogt, %gather3A_722, %gather3A_717 : vector<16xf32>
        %max3A_724 = arith.maximumf %gather3A_717, %gather3A_722 : vector<16xf32>
        %select_n3A_725 = arith.select %gt3A_723, %broadcast_in_dim3A_14, %broadcast_in_dim3A_12 : vector<16xi1>, vector<16xf32>
        %add3A_726 = arith.constant 562 : i32
        %add3A_727 = arith.addi %add3A_415, %add3A_726 : i32
        %add3A_728 = vector.broadcast %add3A_727 : i32 to vector<16xi32>
        %add3A_729 = arith.addi %mul3A_11, %add3A_728 : vector<16xi32>
        %gather3A_730 = tpu.vector_load_idx %arg7[%broadcast_in_dim3A_26, %add3A_729] : memref<448x128xf32, #tpu.memory_space<vmem>>[vector<16xi32>, vector<16xi32>], vector<16xf32>,
        %gt3A_731 = arith.cmpf ogt, %gather3A_730, %max3A_724 : vector<16xf32>
        %max3A_732 = arith.maximumf %max3A_724, %gather3A_730 : vector<16xf32>
        %select_n3A_733 = arith.select %gt3A_731, %broadcast_in_dim3A_16, %select_n3A_725 : vector<16xi1>, vector<16xf32>
        %add3A_734 = arith.constant 563 : i32
        %add3A_735 = arith.addi %add3A_415, %add3A_734 : i32
        %add3A_736 = vector.broadcast %add3A_735 : i32 to vector<16xi32>
        %add3A_737 = arith.addi %mul3A_11, %add3A_736 : vector<16xi32>
        %gather3A_738 = tpu.vector_load_idx %arg7[%broadcast_in_dim3A_26, %add3A_737] : memref<448x128xf32, #tpu.memory_space<vmem>>[vector<16xi32>, vector<16xi32>], vector<16xf32>,
        %gt3A_739 = arith.cmpf ogt, %gather3A_738, %max3A_732 : vector<16xf32>
        %max3A_740 = arith.maximumf %max3A_732, %gather3A_738 : vector<16xf32>
        %select_n3A_741 = arith.select %gt3A_739, %broadcast_in_dim3A_18, %select_n3A_733 : vector<16xi1>, vector<16xf32>
        %add3A_742 = arith.constant 564 : i32
        %add3A_743 = arith.addi %add3A_415, %add3A_742 : i32
        %add3A_744 = vector.broadcast %add3A_743 : i32 to vector<16xi32>
        %add3A_745 = arith.addi %mul3A_11, %add3A_744 : vector<16xi32>
        %gather3A_746 = tpu.vector_load_idx %arg7[%broadcast_in_dim3A_26, %add3A_745] : memref<448x128xf32, #tpu.memory_space<vmem>>[vector<16xi32>, vector<16xi32>], vector<16xf32>,
        %gt3A_747 = arith.cmpf ogt, %gather3A_746, %max3A_740 : vector<16xf32>
        %max3A_748 = arith.maximumf %max3A_740, %gather3A_746 : vector<16xf32>
        %select_n3A_749 = arith.select %gt3A_747, %broadcast_in_dim3A_20, %select_n3A_741 : vector<16xi1>, vector<16xf32>
        %add3A_750 = arith.constant 565 : i32
        %add3A_751 = arith.addi %add3A_415, %add3A_750 : i32
        %add3A_752 = vector.broadcast %add3A_751 : i32 to vector<16xi32>
        %add3A_753 = arith.addi %mul3A_11, %add3A_752 : vector<16xi32>
        %gather3A_754 = tpu.vector_load_idx %arg7[%broadcast_in_dim3A_26, %add3A_753] : memref<448x128xf32, #tpu.memory_space<vmem>>[vector<16xi32>, vector<16xi32>], vector<16xf32>,
        %gt3A_755 = arith.cmpf ogt, %gather3A_754, %max3A_748 : vector<16xf32>
        %max3A_756 = arith.maximumf %max3A_748, %gather3A_754 : vector<16xf32>
        %select_n3A_757 = arith.select %gt3A_755, %broadcast_in_dim3A_22, %select_n3A_749 : vector<16xi1>, vector<16xf32>
        %add3A_758 = arith.constant 566 : i32
        %add3A_759 = arith.addi %add3A_415, %add3A_758 : i32
        %add3A_760 = vector.broadcast %add3A_759 : i32 to vector<16xi32>
        %add3A_761 = arith.addi %mul3A_11, %add3A_760 : vector<16xi32>
        %gather3A_762 = tpu.vector_load_idx %arg7[%broadcast_in_dim3A_26, %add3A_761] : memref<448x128xf32, #tpu.memory_space<vmem>>[vector<16xi32>, vector<16xi32>], vector<16xf32>,
        %gt3A_763 = arith.cmpf ogt, %gather3A_762, %max3A_756 : vector<16xf32>
        %max3A_764 = arith.maximumf %max3A_756, %gather3A_762 : vector<16xf32>
        %select_n3A_765 = arith.select %gt3A_763, %broadcast_in_dim3A_24, %select_n3A_757 : vector<16xi1>, vector<16xf32>
        %swap3A_766 = arith.index_cast %add3A_416 : i32 to index
        %swap3A_767 = arith.constant 80 : index
        %swap3A_768 = tpu.vector_load %arg8[%swap3A_766, %swap3A_767] {strides = array<i32>} : memref<64x128xf32, #tpu.memory_space<vmem>>, vector<16xf32>,
        tpu.vector_store %arg8[%swap3A_766, %swap3A_767], %max3A_764 {strides = array<i32>} : memref<64x128xf32, #tpu.memory_space<vmem>>, vector<16xf32>,
        %convert_element_type3A_769 = arith.fptosi %select_n3A_765 : vector<16xf32> to vector<16xi32>
        %swap3A_770 = arith.index_cast %add3A_416 : i32 to index
        %swap3A_771 = arith.constant 80 : index
        %swap3A_772 = tpu.vector_load %arg9[%swap3A_770, %swap3A_771] {strides = array<i32>} : memref<64x128xi32, #tpu.memory_space<vmem>>, vector<16xi32>,
        tpu.vector_store %arg9[%swap3A_770, %swap3A_771], %convert_element_type3A_769 {strides = array<i32>} : memref<64x128xi32, #tpu.memory_space<vmem>>, vector<16xi32>,
        %add3A_773 = arith.constant 672 : i32
        %add3A_774 = arith.addi %add3A_415, %add3A_773 : i32
        %add3A_775 = vector.broadcast %add3A_774 : i32 to vector<16xi32>
        %add3A_776 = arith.addi %mul3A_11, %add3A_775 : vector<16xi32>
        %gather3A_777 = tpu.vector_load_idx %arg7[%broadcast_in_dim3A_26, %add3A_776] : memref<448x128xf32, #tpu.memory_space<vmem>>[vector<16xi32>, vector<16xi32>], vector<16xf32>,
        %add3A_778 = arith.constant 673 : i32
        %add3A_779 = arith.addi %add3A_415, %add3A_778 : i32
        %add3A_780 = vector.broadcast %add3A_779 : i32 to vector<16xi32>
        %add3A_781 = arith.addi %mul3A_11, %add3A_780 : vector<16xi32>
        %gather3A_782 = tpu.vector_load_idx %arg7[%broadcast_in_dim3A_26, %add3A_781] : memref<448x128xf32, #tpu.memory_space<vmem>>[vector<16xi32>, vector<16xi32>], vector<16xf32>,
        %gt3A_783 = arith.cmpf ogt, %gather3A_782, %gather3A_777 : vector<16xf32>
        %max3A_784 = arith.maximumf %gather3A_777, %gather3A_782 : vector<16xf32>
        %select_n3A_785 = arith.select %gt3A_783, %broadcast_in_dim3A_14, %broadcast_in_dim3A_12 : vector<16xi1>, vector<16xf32>
        %add3A_786 = arith.constant 674 : i32
        %add3A_787 = arith.addi %add3A_415, %add3A_786 : i32
        %add3A_788 = vector.broadcast %add3A_787 : i32 to vector<16xi32>
        %add3A_789 = arith.addi %mul3A_11, %add3A_788 : vector<16xi32>
        %gather3A_790 = tpu.vector_load_idx %arg7[%broadcast_in_dim3A_26, %add3A_789] : memref<448x128xf32, #tpu.memory_space<vmem>>[vector<16xi32>, vector<16xi32>], vector<16xf32>,
        %gt3A_791 = arith.cmpf ogt, %gather3A_790, %max3A_784 : vector<16xf32>
        %max3A_792 = arith.maximumf %max3A_784, %gather3A_790 : vector<16xf32>
        %select_n3A_793 = arith.select %gt3A_791, %broadcast_in_dim3A_16, %select_n3A_785 : vector<16xi1>, vector<16xf32>
        %add3A_794 = arith.constant 675 : i32
        %add3A_795 = arith.addi %add3A_415, %add3A_794 : i32
        %add3A_796 = vector.broadcast %add3A_795 : i32 to vector<16xi32>
        %add3A_797 = arith.addi %mul3A_11, %add3A_796 : vector<16xi32>
        %gather3A_798 = tpu.vector_load_idx %arg7[%broadcast_in_dim3A_26, %add3A_797] : memref<448x128xf32, #tpu.memory_space<vmem>>[vector<16xi32>, vector<16xi32>], vector<16xf32>,
        %gt3A_799 = arith.cmpf ogt, %gather3A_798, %max3A_792 : vector<16xf32>
        %max3A_800 = arith.maximumf %max3A_792, %gather3A_798 : vector<16xf32>
        %select_n3A_801 = arith.select %gt3A_799, %broadcast_in_dim3A_18, %select_n3A_793 : vector<16xi1>, vector<16xf32>
        %add3A_802 = arith.constant 676 : i32
        %add3A_803 = arith.addi %add3A_415, %add3A_802 : i32
        %add3A_804 = vector.broadcast %add3A_803 : i32 to vector<16xi32>
        %add3A_805 = arith.addi %mul3A_11, %add3A_804 : vector<16xi32>
        %gather3A_806 = tpu.vector_load_idx %arg7[%broadcast_in_dim3A_26, %add3A_805] : memref<448x128xf32, #tpu.memory_space<vmem>>[vector<16xi32>, vector<16xi32>], vector<16xf32>,
        %gt3A_807 = arith.cmpf ogt, %gather3A_806, %max3A_800 : vector<16xf32>
        %max3A_808 = arith.maximumf %max3A_800, %gather3A_806 : vector<16xf32>
        %select_n3A_809 = arith.select %gt3A_807, %broadcast_in_dim3A_20, %select_n3A_801 : vector<16xi1>, vector<16xf32>
        %add3A_810 = arith.constant 677 : i32
        %add3A_811 = arith.addi %add3A_415, %add3A_810 : i32
        %add3A_812 = vector.broadcast %add3A_811 : i32 to vector<16xi32>
        %add3A_813 = arith.addi %mul3A_11, %add3A_812 : vector<16xi32>
        %gather3A_814 = tpu.vector_load_idx %arg7[%broadcast_in_dim3A_26, %add3A_813] : memref<448x128xf32, #tpu.memory_space<vmem>>[vector<16xi32>, vector<16xi32>], vector<16xf32>,
        %gt3A_815 = arith.cmpf ogt, %gather3A_814, %max3A_808 : vector<16xf32>
        %max3A_816 = arith.maximumf %max3A_808, %gather3A_814 : vector<16xf32>
        %select_n3A_817 = arith.select %gt3A_815, %broadcast_in_dim3A_22, %select_n3A_809 : vector<16xi1>, vector<16xf32>
        %add3A_818 = arith.constant 678 : i32
        %add3A_819 = arith.addi %add3A_415, %add3A_818 : i32
        %add3A_820 = vector.broadcast %add3A_819 : i32 to vector<16xi32>
        %add3A_821 = arith.addi %mul3A_11, %add3A_820 : vector<16xi32>
        %gather3A_822 = tpu.vector_load_idx %arg7[%broadcast_in_dim3A_26, %add3A_821] : memref<448x128xf32, #tpu.memory_space<vmem>>[vector<16xi32>, vector<16xi32>], vector<16xf32>,
        %gt3A_823 = arith.cmpf ogt, %gather3A_822, %max3A_816 : vector<16xf32>
        %max3A_824 = arith.maximumf %max3A_816, %gather3A_822 : vector<16xf32>
        %select_n3A_825 = arith.select %gt3A_823, %broadcast_in_dim3A_24, %select_n3A_817 : vector<16xi1>, vector<16xf32>
        %swap3A_826 = arith.index_cast %add3A_416 : i32 to index
        %swap3A_827 = arith.constant 96 : index
        %swap3A_828 = tpu.vector_load %arg8[%swap3A_826, %swap3A_827] {strides = array<i32>} : memref<64x128xf32, #tpu.memory_space<vmem>>, vector<16xf32>,
        tpu.vector_store %arg8[%swap3A_826, %swap3A_827], %max3A_824 {strides = array<i32>} : memref<64x128xf32, #tpu.memory_space<vmem>>, vector<16xf32>,
        %convert_element_type3A_829 = arith.fptosi %select_n3A_825 : vector<16xf32> to vector<16xi32>
        %swap3A_830 = arith.index_cast %add3A_416 : i32 to index
        %swap3A_831 = arith.constant 96 : index
        %swap3A_832 = tpu.vector_load %arg9[%swap3A_830, %swap3A_831] {strides = array<i32>} : memref<64x128xi32, #tpu.memory_space<vmem>>, vector<16xi32>,
        tpu.vector_store %arg9[%swap3A_830, %swap3A_831], %convert_element_type3A_829 {strides = array<i32>} : memref<64x128xi32, #tpu.memory_space<vmem>>, vector<16xi32>,
        %add3A_833 = arith.constant 784 : i32
        %add3A_834 = arith.addi %add3A_415, %add3A_833 : i32
        %add3A_835 = vector.broadcast %add3A_834 : i32 to vector<16xi32>
        %add3A_836 = arith.addi %mul3A_11, %add3A_835 : vector<16xi32>
        %gather3A_837 = tpu.vector_load_idx %arg7[%broadcast_in_dim3A_26, %add3A_836] : memref<448x128xf32, #tpu.memory_space<vmem>>[vector<16xi32>, vector<16xi32>], vector<16xf32>,
        %add3A_838 = arith.constant 785 : i32
        %add3A_839 = arith.addi %add3A_415, %add3A_838 : i32
        %add3A_840 = vector.broadcast %add3A_839 : i32 to vector<16xi32>
        %add3A_841 = arith.addi %mul3A_11, %add3A_840 : vector<16xi32>
        %gather3A_842 = tpu.vector_load_idx %arg7[%broadcast_in_dim3A_26, %add3A_841] : memref<448x128xf32, #tpu.memory_space<vmem>>[vector<16xi32>, vector<16xi32>], vector<16xf32>,
        %gt3A_843 = arith.cmpf ogt, %gather3A_842, %gather3A_837 : vector<16xf32>
        %max3A_844 = arith.maximumf %gather3A_837, %gather3A_842 : vector<16xf32>
        %select_n3A_845 = arith.select %gt3A_843, %broadcast_in_dim3A_14, %broadcast_in_dim3A_12 : vector<16xi1>, vector<16xf32>
        %add3A_846 = arith.constant 786 : i32
        %add3A_847 = arith.addi %add3A_415, %add3A_846 : i32
        %add3A_848 = vector.broadcast %add3A_847 : i32 to vector<16xi32>
        %add3A_849 = arith.addi %mul3A_11, %add3A_848 : vector<16xi32>
        %gather3A_850 = tpu.vector_load_idx %arg7[%broadcast_in_dim3A_26, %add3A_849] : memref<448x128xf32, #tpu.memory_space<vmem>>[vector<16xi32>, vector<16xi32>], vector<16xf32>,
        %gt3A_851 = arith.cmpf ogt, %gather3A_850, %max3A_844 : vector<16xf32>
        %max3A_852 = arith.maximumf %max3A_844, %gather3A_850 : vector<16xf32>
        %select_n3A_853 = arith.select %gt3A_851, %broadcast_in_dim3A_16, %select_n3A_845 : vector<16xi1>, vector<16xf32>
        %add3A_854 = arith.constant 787 : i32
        %add3A_855 = arith.addi %add3A_415, %add3A_854 : i32
        %add3A_856 = vector.broadcast %add3A_855 : i32 to vector<16xi32>
        %add3A_857 = arith.addi %mul3A_11, %add3A_856 : vector<16xi32>
        %gather3A_858 = tpu.vector_load_idx %arg7[%broadcast_in_dim3A_26, %add3A_857] : memref<448x128xf32, #tpu.memory_space<vmem>>[vector<16xi32>, vector<16xi32>], vector<16xf32>,
        %gt3A_859 = arith.cmpf ogt, %gather3A_858, %max3A_852 : vector<16xf32>
        %max3A_860 = arith.maximumf %max3A_852, %gather3A_858 : vector<16xf32>
        %select_n3A_861 = arith.select %gt3A_859, %broadcast_in_dim3A_18, %select_n3A_853 : vector<16xi1>, vector<16xf32>
        %add3A_862 = arith.constant 788 : i32
        %add3A_863 = arith.addi %add3A_415, %add3A_862 : i32
        %add3A_864 = vector.broadcast %add3A_863 : i32 to vector<16xi32>
        %add3A_865 = arith.addi %mul3A_11, %add3A_864 : vector<16xi32>
        %gather3A_866 = tpu.vector_load_idx %arg7[%broadcast_in_dim3A_26, %add3A_865] : memref<448x128xf32, #tpu.memory_space<vmem>>[vector<16xi32>, vector<16xi32>], vector<16xf32>,
        %gt3A_867 = arith.cmpf ogt, %gather3A_866, %max3A_860 : vector<16xf32>
        %max3A_868 = arith.maximumf %max3A_860, %gather3A_866 : vector<16xf32>
        %select_n3A_869 = arith.select %gt3A_867, %broadcast_in_dim3A_20, %select_n3A_861 : vector<16xi1>, vector<16xf32>
        %add3A_870 = arith.constant 789 : i32
        %add3A_871 = arith.addi %add3A_415, %add3A_870 : i32
        %add3A_872 = vector.broadcast %add3A_871 : i32 to vector<16xi32>
        %add3A_873 = arith.addi %mul3A_11, %add3A_872 : vector<16xi32>
        %gather3A_874 = tpu.vector_load_idx %arg7[%broadcast_in_dim3A_26, %add3A_873] : memref<448x128xf32, #tpu.memory_space<vmem>>[vector<16xi32>, vector<16xi32>], vector<16xf32>,
        %gt3A_875 = arith.cmpf ogt, %gather3A_874, %max3A_868 : vector<16xf32>
        %max3A_876 = arith.maximumf %max3A_868, %gather3A_874 : vector<16xf32>
        %select_n3A_877 = arith.select %gt3A_875, %broadcast_in_dim3A_22, %select_n3A_869 : vector<16xi1>, vector<16xf32>
        %add3A_878 = arith.constant 790 : i32
        %add3A_879 = arith.addi %add3A_415, %add3A_878 : i32
        %add3A_880 = vector.broadcast %add3A_879 : i32 to vector<16xi32>
        %add3A_881 = arith.addi %mul3A_11, %add3A_880 : vector<16xi32>
        %gather3A_882 = tpu.vector_load_idx %arg7[%broadcast_in_dim3A_26, %add3A_881] : memref<448x128xf32, #tpu.memory_space<vmem>>[vector<16xi32>, vector<16xi32>], vector<16xf32>,
        %gt3A_883 = arith.cmpf ogt, %gather3A_882, %max3A_876 : vector<16xf32>
        %max3A_884 = arith.maximumf %max3A_876, %gather3A_882 : vector<16xf32>
        %select_n3A_885 = arith.select %gt3A_883, %broadcast_in_dim3A_24, %select_n3A_877 : vector<16xi1>, vector<16xf32>
        %swap3A_886 = arith.index_cast %add3A_416 : i32 to index
        %swap3A_887 = arith.constant 112 : index
        %swap3A_888 = tpu.vector_load %arg8[%swap3A_886, %swap3A_887] {strides = array<i32>} : memref<64x128xf32, #tpu.memory_space<vmem>>, vector<16xf32>,
        tpu.vector_store %arg8[%swap3A_886, %swap3A_887], %max3A_884 {strides = array<i32>} : memref<64x128xf32, #tpu.memory_space<vmem>>, vector<16xf32>,
        %convert_element_type3A_889 = arith.fptosi %select_n3A_885 : vector<16xf32> to vector<16xi32>
        %swap3A_890 = arith.index_cast %add3A_416 : i32 to index
        %swap3A_891 = arith.constant 112 : index
        %swap3A_892 = tpu.vector_load %arg9[%swap3A_890, %swap3A_891] {strides = array<i32>} : memref<64x128xi32, #tpu.memory_space<vmem>>, vector<16xi32>,
        tpu.vector_store %arg9[%swap3A_890, %swap3A_891], %convert_element_type3A_889 {strides = array<i32>} : memref<64x128xi32, #tpu.memory_space<vmem>>, vector<16xi32>,
        %scan3A_893 = arith.constant 0 : i32
        scf.yield %scan3A_893 : i32
      }
      %scan3A_328 = arith.constant 32 : i32
      %mul3A_329 = arith.constant 32 : i32
      %mul3A_330 = arith.muli %while3A_274, %mul3A_329 : i32
      %add3A_331 = arith.addi %add3A_6, %mul3A_330 : i32
      %mul3A_332 = arith.constant 32 : i32
      %mul3A_333 = arith.muli %and3A_276, %mul3A_332 : i32
      %dma_start3A_334 = arith.constant 0 : i32
      %dma_start3A_335 = tpu.memref_slice %arg8[%mul3A_333, %dma_start3A_334] : memref<64x128xf32, #tpu.memory_space<vmem>> -> memref<32x128xf32, #tpu.memory_space<vmem>>
      %dma_start3A_336 = arith.constant 0 : i32
      %dma_start3A_337 = tpu.memref_slice %arg4[%add3A_331, %dma_start3A_336] : memref<100000x128xf32, #tpu.memory_space<hbm>> -> memref<32x128xf32, #tpu.memory_space<hbm>>
      %dma_start3A_338 = tpu.memref_slice %arg11[%and3A_276] : memref<2x!tpu.dma_semaphore, #tpu.memory_space<semaphore_mem>> -> memref<1x!tpu.dma_semaphore, #tpu.memory_space<semaphore_mem>>
      %dma_start3A_339 = tpu.memref_squeeze %dma_start3A_338 : memref<1x!tpu.dma_semaphore, #tpu.memory_space<semaphore_mem>> -> memref<!tpu.dma_semaphore, #tpu.memory_space<semaphore_mem>>
      %dma_start3A_340 = arith.constant 0 : i32
      %dma_start3A_341 = tpu.memref_slice %arg4[%add3A_331, %dma_start3A_340] : memref<100000x128xf32, #tpu.memory_space<hbm>> -> memref<32x128xf32, #tpu.memory_space<hbm>>
      %dma_start3A_342 = arith.constant 0 : i32
      %dma_start3A_343 = tpu.memref_slice %arg8[%mul3A_333, %dma_start3A_342] : memref<64x128xf32, #tpu.memory_space<vmem>> -> memref<32x128xf32, #tpu.memory_space<vmem>>
      tpu.enqueue_dma source(%dma_start3A_343 : memref<32x128xf32, #tpu.memory_space<vmem>>) target(%dma_start3A_341 : memref<32x128xf32, #tpu.memory_space<hbm>>) target_semaphore(%dma_start3A_339 : memref<!tpu.dma_semaphore, #tpu.memory_space<semaphore_mem>>)
      %dma_start3A_344 = arith.constant 0 : i32
      %dma_start3A_345 = tpu.memref_slice %arg9[%mul3A_333, %dma_start3A_344] : memref<64x128xi32, #tpu.memory_space<vmem>> -> memref<32x128xi32, #tpu.memory_space<vmem>>
      %dma_start3A_346 = arith.constant 0 : i32
      %dma_start3A_347 = tpu.memref_slice %arg5[%add3A_331, %dma_start3A_346] : memref<100000x128xi32, #tpu.memory_space<hbm>> -> memref<32x128xi32, #tpu.memory_space<hbm>>
      %dma_start3A_348 = tpu.memref_slice %arg11[%and3A_276] : memref<2x!tpu.dma_semaphore, #tpu.memory_space<semaphore_mem>> -> memref<1x!tpu.dma_semaphore, #tpu.memory_space<semaphore_mem>>
      %dma_start3A_349 = tpu.memref_squeeze %dma_start3A_348 : memref<1x!tpu.dma_semaphore, #tpu.memory_space<semaphore_mem>> -> memref<!tpu.dma_semaphore, #tpu.memory_space<semaphore_mem>>
      %dma_start3A_350 = arith.constant 0 : i32
      %dma_start3A_351 = tpu.memref_slice %arg5[%add3A_331, %dma_start3A_350] : memref<100000x128xi32, #tpu.memory_space<hbm>> -> memref<32x128xi32, #tpu.memory_space<hbm>>
      %dma_start3A_352 = arith.constant 0 : i32
      %dma_start3A_353 = tpu.memref_slice %arg9[%mul3A_333, %dma_start3A_352] : memref<64x128xi32, #tpu.memory_space<vmem>> -> memref<32x128xi32, #tpu.memory_space<vmem>>
      tpu.enqueue_dma source(%dma_start3A_353 : memref<32x128xi32, #tpu.memory_space<vmem>>) target(%dma_start3A_351 : memref<32x128xi32, #tpu.memory_space<hbm>>) target_semaphore(%dma_start3A_349 : memref<!tpu.dma_semaphore, #tpu.memory_space<semaphore_mem>>)
      %add3A_354 = arith.constant 2 : i32
      %add3A_355 = arith.addi %while3A_274, %add3A_354 : i32
      %mul3A_356 = arith.constant 224 : i32
      %mul3A_357 = arith.muli %add3A_355, %mul3A_356 : i32
      %mul3A_358 = arith.constant 224 : i32
      %mul3A_359 = arith.muli %and3A_276, %mul3A_358 : i32
      %add3A_360 = arith.constant 0 : i32
      %add3A_361 = arith.addi %mul3A_357, %add3A_360 : i32
      %add3A_362 = arith.constant 0 : i32
      %add3A_363 = arith.addi %mul3A_359, %add3A_362 : i32
      %dma_start3A_364 = arith.constant 0 : i32
      %dma_start3A_365 = tpu.memref_slice %arg7[%add3A_363, %dma_start3A_364] : memref<448x128xf32, #tpu.memory_space<vmem>> -> memref<56x128xf32, #tpu.memory_space<vmem>>
      %dma_start3A_366 = tpu.memref_slice %arg6[%add3A_361] : memref<22400xi32, #tpu.memory_space<vmem>> -> memref<56xi32, #tpu.memory_space<vmem>>
      %dma_start3A_367 = arith.constant 0 : i32
      %dma_start3A_368 = arith.constant 0 : i32
      %dma_start3A_369 = tpu.memref_slice %arg2[%dma_start3A_367, %dma_start3A_368] : memref<700000x128xf32, #tpu.memory_space<hbm>> -> memref<700000x128xf32, #tpu.memory_space<hbm>>
      %dma_start3A_370 = tpu.memref_slice %arg10[%and3A_276] : memref<2x!tpu.dma_semaphore, #tpu.memory_space<semaphore_mem>> -> memref<1x!tpu.dma_semaphore, #tpu.memory_space<semaphore_mem>>
      %dma_start3A_371 = tpu.memref_squeeze %dma_start3A_370 : memref<1x!tpu.dma_semaphore, #tpu.memory_space<semaphore_mem>> -> memref<!tpu.dma_semaphore, #tpu.memory_space<semaphore_mem>>
      tpu.enqueue_indirect_dma source(%dma_start3A_369 : memref<700000x128xf32, #tpu.memory_space<hbm>>) target(%dma_start3A_365 : memref<56x128xf32, #tpu.memory_space<vmem>>) offsets(%dma_start3A_366 : memref<56xi32, #tpu.memory_space<vmem>>) semaphore(%dma_start3A_371 : memref<!tpu.dma_semaphore, #tpu.memory_space<semaphore_mem>>)
      %add3A_372 = arith.constant 56 : i32
      %add3A_373 = arith.addi %mul3A_357, %add3A_372 : i32
      %add3A_374 = arith.constant 56 : i32
      %add3A_375 = arith.addi %mul3A_359, %add3A_374 : i32
      %dma_start3A_376 = arith.constant 0 : i32
      %dma_start3A_377 = tpu.memref_slice %arg7[%add3A_375, %dma_start3A_376] : memref<448x128xf32, #tpu.memory_space<vmem>> -> memref<56x128xf32, #tpu.memory_space<vmem>>
      %dma_start3A_378 = tpu.memref_slice %arg6[%add3A_373] : memref<22400xi32, #tpu.memory_space<vmem>> -> memref<56xi32, #tpu.memory_space<vmem>>
      %dma_start3A_379 = arith.constant 0 : i32
      %dma_start3A_380 = arith.constant 0 : i32
      %dma_start3A_381 = tpu.memref_slice %arg2[%dma_start3A_379, %dma_start3A_380] : memref<700000x128xf32, #tpu.memory_space<hbm>> -> memref<700000x128xf32, #tpu.memory_space<hbm>>
      %dma_start3A_382 = tpu.memref_slice %arg10[%and3A_276] : memref<2x!tpu.dma_semaphore, #tpu.memory_space<semaphore_mem>> -> memref<1x!tpu.dma_semaphore, #tpu.memory_space<semaphore_mem>>
      %dma_start3A_383 = tpu.memref_squeeze %dma_start3A_382 : memref<1x!tpu.dma_semaphore, #tpu.memory_space<semaphore_mem>> -> memref<!tpu.dma_semaphore, #tpu.memory_space<semaphore_mem>>
      tpu.enqueue_indirect_dma source(%dma_start3A_381 : memref<700000x128xf32, #tpu.memory_space<hbm>>) target(%dma_start3A_377 : memref<56x128xf32, #tpu.memory_space<vmem>>) offsets(%dma_start3A_378 : memref<56xi32, #tpu.memory_space<vmem>>) semaphore(%dma_start3A_383 : memref<!tpu.dma_semaphore, #tpu.memory_space<semaphore_mem>>)
      %add3A_384 = arith.constant 112 : i32
      %add3A_385 = arith.addi %mul3A_357, %add3A_384 : i32
      %add3A_386 = arith.constant 112 : i32
      %add3A_387 = arith.addi %mul3A_359, %add3A_386 : i32
      %dma_start3A_388 = arith.constant 0 : i32
      %dma_start3A_389 = tpu.memref_slice %arg7[%add3A_387, %dma_start3A_388] : memref<448x128xf32, #tpu.memory_space<vmem>> -> memref<56x128xf32, #tpu.memory_space<vmem>>
      %dma_start3A_390 = tpu.memref_slice %arg6[%add3A_385] : memref<22400xi32, #tpu.memory_space<vmem>> -> memref<56xi32, #tpu.memory_space<vmem>>
      %dma_start3A_391 = arith.constant 0 : i32
      %dma_start3A_392 = arith.constant 0 : i32
      %dma_start3A_393 = tpu.memref_slice %arg2[%dma_start3A_391, %dma_start3A_392] : memref<700000x128xf32, #tpu.memory_space<hbm>> -> memref<700000x128xf32, #tpu.memory_space<hbm>>
      %dma_start3A_394 = tpu.memref_slice %arg10[%and3A_276] : memref<2x!tpu.dma_semaphore, #tpu.memory_space<semaphore_mem>> -> memref<1x!tpu.dma_semaphore, #tpu.memory_space<semaphore_mem>>
      %dma_start3A_395 = tpu.memref_squeeze %dma_start3A_394 : memref<1x!tpu.dma_semaphore, #tpu.memory_space<semaphore_mem>> -> memref<!tpu.dma_semaphore, #tpu.memory_space<semaphore_mem>>
      tpu.enqueue_indirect_dma source(%dma_start3A_393 : memref<700000x128xf32, #tpu.memory_space<hbm>>) target(%dma_start3A_389 : memref<56x128xf32, #tpu.memory_space<vmem>>) offsets(%dma_start3A_390 : memref<56xi32, #tpu.memory_space<vmem>>) semaphore(%dma_start3A_395 : memref<!tpu.dma_semaphore, #tpu.memory_space<semaphore_mem>>)
      %add3A_396 = arith.constant 168 : i32
      %add3A_397 = arith.addi %mul3A_357, %add3A_396 : i32
      %add3A_398 = arith.constant 168 : i32
      %add3A_399 = arith.addi %mul3A_359, %add3A_398 : i32
      %dma_start3A_400 = arith.constant 0 : i32
      %dma_start3A_401 = tpu.memref_slice %arg7[%add3A_399, %dma_start3A_400] : memref<448x128xf32, #tpu.memory_space<vmem>> -> memref<56x128xf32, #tpu.memory_space<vmem>>
      %dma_start3A_402 = tpu.memref_slice %arg6[%add3A_397] : memref<22400xi32, #tpu.memory_space<vmem>> -> memref<56xi32, #tpu.memory_space<vmem>>
      %dma_start3A_403 = arith.constant 0 : i32
      %dma_start3A_404 = arith.constant 0 : i32
      %dma_start3A_405 = tpu.memref_slice %arg2[%dma_start3A_403, %dma_start3A_404] : memref<700000x128xf32, #tpu.memory_space<hbm>> -> memref<700000x128xf32, #tpu.memory_space<hbm>>
      %dma_start3A_406 = tpu.memref_slice %arg10[%and3A_276] : memref<2x!tpu.dma_semaphore, #tpu.memory_space<semaphore_mem>> -> memref<1x!tpu.dma_semaphore, #tpu.memory_space<semaphore_mem>>
      %dma_start3A_407 = tpu.memref_squeeze %dma_start3A_406 : memref<1x!tpu.dma_semaphore, #tpu.memory_space<semaphore_mem>> -> memref<!tpu.dma_semaphore, #tpu.memory_space<semaphore_mem>>
      tpu.enqueue_indirect_dma source(%dma_start3A_405 : memref<700000x128xf32, #tpu.memory_space<hbm>>) target(%dma_start3A_401 : memref<56x128xf32, #tpu.memory_space<vmem>>) offsets(%dma_start3A_402 : memref<56xi32, #tpu.memory_space<vmem>>) semaphore(%dma_start3A_407 : memref<!tpu.dma_semaphore, #tpu.memory_space<semaphore_mem>>)
      %while3A_408 = arith.constant 0 : i32
      scf.yield %while3A_408 : i32
    }
    %dma_wait3A = arith.constant 0 : i32
    %dma_wait3A_127 = arith.constant 0 : i32
    %dma_wait3A_128 = arith.constant 0 : i32
    %dma_wait3A_129 = tpu.memref_slice %arg7[%dma_wait3A_127, %dma_wait3A_128] : memref<448x128xf32, #tpu.memory_space<vmem>> -> memref<56x128xf32, #tpu.memory_space<vmem>>
    %dma_wait3A_130 = arith.constant 0 : i32
    %dma_wait3A_131 = tpu.memref_slice %arg6[%dma_wait3A_130] : memref<22400xi32, #tpu.memory_space<vmem>> -> memref<56xi32, #tpu.memory_space<vmem>>
    %dma_wait3A_132 = arith.constant 0 : i32
    %dma_wait3A_133 = arith.constant 0 : i32
    %dma_wait3A_134 = tpu.memref_slice %arg2[%dma_wait3A_132, %dma_wait3A_133] : memref<700000x128xf32, #tpu.memory_space<hbm>> -> memref<700000x128xf32, #tpu.memory_space<hbm>>
    %dma_wait3A_135 = tpu.memref_slice %arg10[%dma_wait3A] : memref<2x!tpu.dma_semaphore, #tpu.memory_space<semaphore_mem>> -> memref<1x!tpu.dma_semaphore, #tpu.memory_space<semaphore_mem>>
    %dma_wait3A_136 = tpu.memref_squeeze %dma_wait3A_135 : memref<1x!tpu.dma_semaphore, #tpu.memory_space<semaphore_mem>> -> memref<!tpu.dma_semaphore, #tpu.memory_space<semaphore_mem>>
    tpu.wait_indirect_dma semaphore(%dma_wait3A_136 : memref<!tpu.dma_semaphore, #tpu.memory_space<semaphore_mem>>) src(%dma_wait3A_134 : memref<700000x128xf32, #tpu.memory_space<hbm>>) dst(%dma_wait3A_129 : memref<56x128xf32, #tpu.memory_space<vmem>>)
    %dma_wait3A_137 = arith.constant 0 : i32
    %dma_wait3A_138 = arith.constant 56 : i32
    %dma_wait3A_139 = arith.constant 0 : i32
    %dma_wait3A_140 = tpu.memref_slice %arg7[%dma_wait3A_138, %dma_wait3A_139] : memref<448x128xf32, #tpu.memory_space<vmem>> -> memref<56x128xf32, #tpu.memory_space<vmem>>
    %dma_wait3A_141 = arith.constant 0 : i32
    %dma_wait3A_142 = tpu.memref_slice %arg6[%dma_wait3A_141] : memref<22400xi32, #tpu.memory_space<vmem>> -> memref<56xi32, #tpu.memory_space<vmem>>
    %dma_wait3A_143 = arith.constant 0 : i32
    %dma_wait3A_144 = arith.constant 0 : i32
    %dma_wait3A_145 = tpu.memref_slice %arg2[%dma_wait3A_143, %dma_wait3A_144] : memref<700000x128xf32, #tpu.memory_space<hbm>> -> memref<700000x128xf32, #tpu.memory_space<hbm>>
    %dma_wait3A_146 = tpu.memref_slice %arg10[%dma_wait3A_137] : memref<2x!tpu.dma_semaphore, #tpu.memory_space<semaphore_mem>> -> memref<1x!tpu.dma_semaphore, #tpu.memory_space<semaphore_mem>>
    %dma_wait3A_147 = tpu.memref_squeeze %dma_wait3A_146 : memref<1x!tpu.dma_semaphore, #tpu.memory_space<semaphore_mem>> -> memref<!tpu.dma_semaphore, #tpu.memory_space<semaphore_mem>>
    tpu.wait_indirect_dma semaphore(%dma_wait3A_147 : memref<!tpu.dma_semaphore, #tpu.memory_space<semaphore_mem>>) src(%dma_wait3A_145 : memref<700000x128xf32, #tpu.memory_space<hbm>>) dst(%dma_wait3A_140 : memref<56x128xf32, #tpu.memory_space<vmem>>)
    %dma_wait3A_148 = arith.constant 0 : i32
    %dma_wait3A_149 = arith.constant 112 : i32
    %dma_wait3A_150 = arith.constant 0 : i32
    %dma_wait3A_151 = tpu.memref_slice %arg7[%dma_wait3A_149, %dma_wait3A_150] : memref<448x128xf32, #tpu.memory_space<vmem>> -> memref<56x128xf32, #tpu.memory_space<vmem>>
    %dma_wait3A_152 = arith.constant 0 : i32
    %dma_wait3A_153 = tpu.memref_slice %arg6[%dma_wait3A_152] : memref<22400xi32, #tpu.memory_space<vmem>> -> memref<56xi32, #tpu.memory_space<vmem>>
    %dma_wait3A_154 = arith.constant 0 : i32
    %dma_wait3A_155 = arith.constant 0 : i32
    %dma_wait3A_156 = tpu.memref_slice %arg2[%dma_wait3A_154, %dma_wait3A_155] : memref<700000x128xf32, #tpu.memory_space<hbm>> -> memref<700000x128xf32, #tpu.memory_space<hbm>>
    %dma_wait3A_157 = tpu.memref_slice %arg10[%dma_wait3A_148] : memref<2x!tpu.dma_semaphore, #tpu.memory_space<semaphore_mem>> -> memref<1x!tpu.dma_semaphore, #tpu.memory_space<semaphore_mem>>
    %dma_wait3A_158 = tpu.memref_squeeze %dma_wait3A_157 : memref<1x!tpu.dma_semaphore, #tpu.memory_space<semaphore_mem>> -> memref<!tpu.dma_semaphore, #tpu.memory_space<semaphore_mem>>
    tpu.wait_indirect_dma semaphore(%dma_wait3A_158 : memref<!tpu.dma_semaphore, #tpu.memory_space<semaphore_mem>>) src(%dma_wait3A_156 : memref<700000x128xf32, #tpu.memory_space<hbm>>) dst(%dma_wait3A_151 : memref<56x128xf32, #tpu.memory_space<vmem>>)
    %dma_wait3A_159 = arith.constant 0 : i32
    %dma_wait3A_160 = arith.constant 168 : i32
    %dma_wait3A_161 = arith.constant 0 : i32
    %dma_wait3A_162 = tpu.memref_slice %arg7[%dma_wait3A_160, %dma_wait3A_161] : memref<448x128xf32, #tpu.memory_space<vmem>> -> memref<56x128xf32, #tpu.memory_space<vmem>>
    %dma_wait3A_163 = arith.constant 0 : i32
    %dma_wait3A_164 = tpu.memref_slice %arg6[%dma_wait3A_163] : memref<22400xi32, #tpu.memory_space<vmem>> -> memref<56xi32, #tpu.memory_space<vmem>>
    %dma_wait3A_165 = arith.constant 0 : i32
    %dma_wait3A_166 = arith.constant 0 : i32
    %dma_wait3A_167 = tpu.memref_slice %arg2[%dma_wait3A_165, %dma_wait3A_166] : memref<700000x128xf32, #tpu.memory_space<hbm>> -> memref<700000x128xf32, #tpu.memory_space<hbm>>
    %dma_wait3A_168 = tpu.memref_slice %arg10[%dma_wait3A_159] : memref<2x!tpu.dma_semaphore, #tpu.memory_space<semaphore_mem>> -> memref<1x!tpu.dma_semaphore, #tpu.memory_space<semaphore_mem>>
    %dma_wait3A_169 = tpu.memref_squeeze %dma_wait3A_168 : memref<1x!tpu.dma_semaphore, #tpu.memory_space<semaphore_mem>> -> memref<!tpu.dma_semaphore, #tpu.memory_space<semaphore_mem>>
    tpu.wait_indirect_dma semaphore(%dma_wait3A_169 : memref<!tpu.dma_semaphore, #tpu.memory_space<semaphore_mem>>) src(%dma_wait3A_167 : memref<700000x128xf32, #tpu.memory_space<hbm>>) dst(%dma_wait3A_162 : memref<56x128xf32, #tpu.memory_space<vmem>>)
    %dma_wait3A_170 = arith.constant 0 : i32
    %dma_wait3A_171 = arith.constant 0 : i32
    %dma_wait3A_172 = arith.constant 0 : i32
    %dma_wait3A_173 = tpu.memref_slice %arg8[%dma_wait3A_171, %dma_wait3A_172] : memref<64x128xf32, #tpu.memory_space<vmem>> -> memref<32x128xf32, #tpu.memory_space<vmem>>
    %dma_wait3A_174 = arith.constant 0 : i32
    %dma_wait3A_175 = arith.constant 0 : i32
    %dma_wait3A_176 = tpu.memref_slice %arg4[%dma_wait3A_174, %dma_wait3A_175] : memref<100000x128xf32, #tpu.memory_space<hbm>> -> memref<32x128xf32, #tpu.memory_space<hbm>>
    %dma_wait3A_177 = tpu.memref_slice %arg11[%dma_wait3A_170] : memref<2x!tpu.dma_semaphore, #tpu.memory_space<semaphore_mem>> -> memref<1x!tpu.dma_semaphore, #tpu.memory_space<semaphore_mem>>
    %dma_wait3A_178 = tpu.memref_squeeze %dma_wait3A_177 : memref<1x!tpu.dma_semaphore, #tpu.memory_space<semaphore_mem>> -> memref<!tpu.dma_semaphore, #tpu.memory_space<semaphore_mem>>
    %dma_wait3A_179 = arith.constant 0 : i32
    %dma_wait3A_180 = arith.constant 0 : i32
    %dma_wait3A_181 = tpu.memref_slice %arg4[%dma_wait3A_179, %dma_wait3A_180] : memref<100000x128xf32, #tpu.memory_space<hbm>> -> memref<32x128xf32, #tpu.memory_space<hbm>>
    %dma_wait3A_182 = arith.constant 0 : i32
    %dma_wait3A_183 = arith.constant 0 : i32
    %dma_wait3A_184 = tpu.memref_slice %arg8[%dma_wait3A_182, %dma_wait3A_183] : memref<64x128xf32, #tpu.memory_space<vmem>> -> memref<32x128xf32, #tpu.memory_space<vmem>>
    tpu.wait_dma2 semaphore(%dma_wait3A_178 : memref<!tpu.dma_semaphore, #tpu.memory_space<semaphore_mem>>) src(%dma_wait3A_184 : memref<32x128xf32, #tpu.memory_space<vmem>>) dst(%dma_wait3A_181 : memref<32x128xf32, #tpu.memory_space<hbm>>)
    %dma_wait3A_185 = arith.constant 0 : i32
    %dma_wait3A_186 = arith.constant 0 : i32
    %dma_wait3A_187 = arith.constant 0 : i32
    %dma_wait3A_188 = tpu.memref_slice %arg9[%dma_wait3A_186, %dma_wait3A_187] : memref<64x128xi32, #tpu.memory_space<vmem>> -> memref<32x128xi32, #tpu.memory_space<vmem>>
    %dma_wait3A_189 = arith.constant 0 : i32
    %dma_wait3A_190 = arith.constant 0 : i32
    %dma_wait3A_191 = tpu.memref_slice %arg5[%dma_wait3A_189, %dma_wait3A_190] : memref<100000x128xi32, #tpu.memory_space<hbm>> -> memref<32x128xi32, #tpu.memory_space<hbm>>
    %dma_wait3A_192 = tpu.memref_slice %arg11[%dma_wait3A_185] : memref<2x!tpu.dma_semaphore, #tpu.memory_space<semaphore_mem>> -> memref<1x!tpu.dma_semaphore, #tpu.memory_space<semaphore_mem>>
    %dma_wait3A_193 = tpu.memref_squeeze %dma_wait3A_192 : memref<1x!tpu.dma_semaphore, #tpu.memory_space<semaphore_mem>> -> memref<!tpu.dma_semaphore, #tpu.memory_space<semaphore_mem>>
    %dma_wait3A_194 = arith.constant 0 : i32
    %dma_wait3A_195 = arith.constant 0 : i32
    %dma_wait3A_196 = tpu.memref_slice %arg5[%dma_wait3A_194, %dma_wait3A_195] : memref<100000x128xi32, #tpu.memory_space<hbm>> -> memref<32x128xi32, #tpu.memory_space<hbm>>
    %dma_wait3A_197 = arith.constant 0 : i32
    %dma_wait3A_198 = arith.constant 0 : i32
    %dma_wait3A_199 = tpu.memref_slice %arg9[%dma_wait3A_197, %dma_wait3A_198] : memref<64x128xi32, #tpu.memory_space<vmem>> -> memref<32x128xi32, #tpu.memory_space<vmem>>
    tpu.wait_dma2 semaphore(%dma_wait3A_193 : memref<!tpu.dma_semaphore, #tpu.memory_space<semaphore_mem>>) src(%dma_wait3A_199 : memref<32x128xi32, #tpu.memory_space<vmem>>) dst(%dma_wait3A_196 : memref<32x128xi32, #tpu.memory_space<hbm>>)
    %dma_wait3A_200 = arith.constant 1 : i32
    %dma_wait3A_201 = arith.constant 0 : i32
    %dma_wait3A_202 = arith.constant 0 : i32
    %dma_wait3A_203 = tpu.memref_slice %arg7[%dma_wait3A_201, %dma_wait3A_202] : memref<448x128xf32, #tpu.memory_space<vmem>> -> memref<56x128xf32, #tpu.memory_space<vmem>>
    %dma_wait3A_204 = arith.constant 0 : i32
    %dma_wait3A_205 = tpu.memref_slice %arg6[%dma_wait3A_204] : memref<22400xi32, #tpu.memory_space<vmem>> -> memref<56xi32, #tpu.memory_space<vmem>>
    %dma_wait3A_206 = arith.constant 0 : i32
    %dma_wait3A_207 = arith.constant 0 : i32
    %dma_wait3A_208 = tpu.memref_slice %arg2[%dma_wait3A_206, %dma_wait3A_207] : memref<700000x128xf32, #tpu.memory_space<hbm>> -> memref<700000x128xf32, #tpu.memory_space<hbm>>
    %dma_wait3A_209 = tpu.memref_slice %arg10[%dma_wait3A_200] : memref<2x!tpu.dma_semaphore, #tpu.memory_space<semaphore_mem>> -> memref<1x!tpu.dma_semaphore, #tpu.memory_space<semaphore_mem>>
    %dma_wait3A_210 = tpu.memref_squeeze %dma_wait3A_209 : memref<1x!tpu.dma_semaphore, #tpu.memory_space<semaphore_mem>> -> memref<!tpu.dma_semaphore, #tpu.memory_space<semaphore_mem>>
    tpu.wait_indirect_dma semaphore(%dma_wait3A_210 : memref<!tpu.dma_semaphore, #tpu.memory_space<semaphore_mem>>) src(%dma_wait3A_208 : memref<700000x128xf32, #tpu.memory_space<hbm>>) dst(%dma_wait3A_203 : memref<56x128xf32, #tpu.memory_space<vmem>>)
    %dma_wait3A_211 = arith.constant 1 : i32
    %dma_wait3A_212 = arith.constant 56 : i32
    %dma_wait3A_213 = arith.constant 0 : i32
    %dma_wait3A_214 = tpu.memref_slice %arg7[%dma_wait3A_212, %dma_wait3A_213] : memref<448x128xf32, #tpu.memory_space<vmem>> -> memref<56x128xf32, #tpu.memory_space<vmem>>
    %dma_wait3A_215 = arith.constant 0 : i32
    %dma_wait3A_216 = tpu.memref_slice %arg6[%dma_wait3A_215] : memref<22400xi32, #tpu.memory_space<vmem>> -> memref<56xi32, #tpu.memory_space<vmem>>
    %dma_wait3A_217 = arith.constant 0 : i32
    %dma_wait3A_218 = arith.constant 0 : i32
    %dma_wait3A_219 = tpu.memref_slice %arg2[%dma_wait3A_217, %dma_wait3A_218] : memref<700000x128xf32, #tpu.memory_space<hbm>> -> memref<700000x128xf32, #tpu.memory_space<hbm>>
    %dma_wait3A_220 = tpu.memref_slice %arg10[%dma_wait3A_211] : memref<2x!tpu.dma_semaphore, #tpu.memory_space<semaphore_mem>> -> memref<1x!tpu.dma_semaphore, #tpu.memory_space<semaphore_mem>>
    %dma_wait3A_221 = tpu.memref_squeeze %dma_wait3A_220 : memref<1x!tpu.dma_semaphore, #tpu.memory_space<semaphore_mem>> -> memref<!tpu.dma_semaphore, #tpu.memory_space<semaphore_mem>>
    tpu.wait_indirect_dma semaphore(%dma_wait3A_221 : memref<!tpu.dma_semaphore, #tpu.memory_space<semaphore_mem>>) src(%dma_wait3A_219 : memref<700000x128xf32, #tpu.memory_space<hbm>>) dst(%dma_wait3A_214 : memref<56x128xf32, #tpu.memory_space<vmem>>)
    %dma_wait3A_222 = arith.constant 1 : i32
    %dma_wait3A_223 = arith.constant 112 : i32
    %dma_wait3A_224 = arith.constant 0 : i32
    %dma_wait3A_225 = tpu.memref_slice %arg7[%dma_wait3A_223, %dma_wait3A_224] : memref<448x128xf32, #tpu.memory_space<vmem>> -> memref<56x128xf32, #tpu.memory_space<vmem>>
    %dma_wait3A_226 = arith.constant 0 : i32
    %dma_wait3A_227 = tpu.memref_slice %arg6[%dma_wait3A_226] : memref<22400xi32, #tpu.memory_space<vmem>> -> memref<56xi32, #tpu.memory_space<vmem>>
    %dma_wait3A_228 = arith.constant 0 : i32
    %dma_wait3A_229 = arith.constant 0 : i32
    %dma_wait3A_230 = tpu.memref_slice %arg2[%dma_wait3A_228, %dma_wait3A_229] : memref<700000x128xf32, #tpu.memory_space<hbm>> -> memref<700000x128xf32, #tpu.memory_space<hbm>>
    %dma_wait3A_231 = tpu.memref_slice %arg10[%dma_wait3A_222] : memref<2x!tpu.dma_semaphore, #tpu.memory_space<semaphore_mem>> -> memref<1x!tpu.dma_semaphore, #tpu.memory_space<semaphore_mem>>
    %dma_wait3A_232 = tpu.memref_squeeze %dma_wait3A_231 : memref<1x!tpu.dma_semaphore, #tpu.memory_space<semaphore_mem>> -> memref<!tpu.dma_semaphore, #tpu.memory_space<semaphore_mem>>
    tpu.wait_indirect_dma semaphore(%dma_wait3A_232 : memref<!tpu.dma_semaphore, #tpu.memory_space<semaphore_mem>>) src(%dma_wait3A_230 : memref<700000x128xf32, #tpu.memory_space<hbm>>) dst(%dma_wait3A_225 : memref<56x128xf32, #tpu.memory_space<vmem>>)
    %dma_wait3A_233 = arith.constant 1 : i32
    %dma_wait3A_234 = arith.constant 168 : i32
    %dma_wait3A_235 = arith.constant 0 : i32
    %dma_wait3A_236 = tpu.memref_slice %arg7[%dma_wait3A_234, %dma_wait3A_235] : memref<448x128xf32, #tpu.memory_space<vmem>> -> memref<56x128xf32, #tpu.memory_space<vmem>>
    %dma_wait3A_237 = arith.constant 0 : i32
    %dma_wait3A_238 = tpu.memref_slice %arg6[%dma_wait3A_237] : memref<22400xi32, #tpu.memory_space<vmem>> -> memref<56xi32, #tpu.memory_space<vmem>>
    %dma_wait3A_239 = arith.constant 0 : i32
    %dma_wait3A_240 = arith.constant 0 : i32
    %dma_wait3A_241 = tpu.memref_slice %arg2[%dma_wait3A_239, %dma_wait3A_240] : memref<700000x128xf32, #tpu.memory_space<hbm>> -> memref<700000x128xf32, #tpu.memory_space<hbm>>
    %dma_wait3A_242 = tpu.memref_slice %arg10[%dma_wait3A_233] : memref<2x!tpu.dma_semaphore, #tpu.memory_space<semaphore_mem>> -> memref<1x!tpu.dma_semaphore, #tpu.memory_space<semaphore_mem>>
    %dma_wait3A_243 = tpu.memref_squeeze %dma_wait3A_242 : memref<1x!tpu.dma_semaphore, #tpu.memory_space<semaphore_mem>> -> memref<!tpu.dma_semaphore, #tpu.memory_space<semaphore_mem>>
    tpu.wait_indirect_dma semaphore(%dma_wait3A_243 : memref<!tpu.dma_semaphore, #tpu.memory_space<semaphore_mem>>) src(%dma_wait3A_241 : memref<700000x128xf32, #tpu.memory_space<hbm>>) dst(%dma_wait3A_236 : memref<56x128xf32, #tpu.memory_space<vmem>>)
    %dma_wait3A_244 = arith.constant 1 : i32
    %dma_wait3A_245 = arith.constant 0 : i32
    %dma_wait3A_246 = arith.constant 0 : i32
    %dma_wait3A_247 = tpu.memref_slice %arg8[%dma_wait3A_245, %dma_wait3A_246] : memref<64x128xf32, #tpu.memory_space<vmem>> -> memref<32x128xf32, #tpu.memory_space<vmem>>
    %dma_wait3A_248 = arith.constant 0 : i32
    %dma_wait3A_249 = arith.constant 0 : i32
    %dma_wait3A_250 = tpu.memref_slice %arg4[%dma_wait3A_248, %dma_wait3A_249] : memref<100000x128xf32, #tpu.memory_space<hbm>> -> memref<32x128xf32, #tpu.memory_space<hbm>>
    %dma_wait3A_251 = tpu.memref_slice %arg11[%dma_wait3A_244] : memref<2x!tpu.dma_semaphore, #tpu.memory_space<semaphore_mem>> -> memref<1x!tpu.dma_semaphore, #tpu.memory_space<semaphore_mem>>
    %dma_wait3A_252 = tpu.memref_squeeze %dma_wait3A_251 : memref<1x!tpu.dma_semaphore, #tpu.memory_space<semaphore_mem>> -> memref<!tpu.dma_semaphore, #tpu.memory_space<semaphore_mem>>
    %dma_wait3A_253 = arith.constant 0 : i32
    %dma_wait3A_254 = arith.constant 0 : i32
    %dma_wait3A_255 = tpu.memref_slice %arg4[%dma_wait3A_253, %dma_wait3A_254] : memref<100000x128xf32, #tpu.memory_space<hbm>> -> memref<32x128xf32, #tpu.memory_space<hbm>>
    %dma_wait3A_256 = arith.constant 0 : i32
    %dma_wait3A_257 = arith.constant 0 : i32
    %dma_wait3A_258 = tpu.memref_slice %arg8[%dma_wait3A_256, %dma_wait3A_257] : memref<64x128xf32, #tpu.memory_space<vmem>> -> memref<32x128xf32, #tpu.memory_space<vmem>>
    tpu.wait_dma2 semaphore(%dma_wait3A_252 : memref<!tpu.dma_semaphore, #tpu.memory_space<semaphore_mem>>) src(%dma_wait3A_258 : memref<32x128xf32, #tpu.memory_space<vmem>>) dst(%dma_wait3A_255 : memref<32x128xf32, #tpu.memory_space<hbm>>)
    %dma_wait3A_259 = arith.constant 1 : i32
    %dma_wait3A_260 = arith.constant 0 : i32
    %dma_wait3A_261 = arith.constant 0 : i32
    %dma_wait3A_262 = tpu.memref_slice %arg9[%dma_wait3A_260, %dma_wait3A_261] : memref<64x128xi32, #tpu.memory_space<vmem>> -> memref<32x128xi32, #tpu.memory_space<vmem>>
    %dma_wait3A_263 = arith.constant 0 : i32
    %dma_wait3A_264 = arith.constant 0 : i32
    %dma_wait3A_265 = tpu.memref_slice %arg5[%dma_wait3A_263, %dma_wait3A_264] : memref<100000x128xi32, #tpu.memory_space<hbm>> -> memref<32x128xi32, #tpu.memory_space<hbm>>
    %dma_wait3A_266 = tpu.memref_slice %arg11[%dma_wait3A_259] : memref<2x!tpu.dma_semaphore, #tpu.memory_space<semaphore_mem>> -> memref<1x!tpu.dma_semaphore, #tpu.memory_space<semaphore_mem>>
    %dma_wait3A_267 = tpu.memref_squeeze %dma_wait3A_266 : memref<1x!tpu.dma_semaphore, #tpu.memory_space<semaphore_mem>> -> memref<!tpu.dma_semaphore, #tpu.memory_space<semaphore_mem>>
    %dma_wait3A_268 = arith.constant 0 : i32
    %dma_wait3A_269 = arith.constant 0 : i32
    %dma_wait3A_270 = tpu.memref_slice %arg5[%dma_wait3A_268, %dma_wait3A_269] : memref<100000x128xi32, #tpu.memory_space<hbm>> -> memref<32x128xi32, #tpu.memory_space<hbm>>
    %dma_wait3A_271 = arith.constant 0 : i32
    %dma_wait3A_272 = arith.constant 0 : i32
    %dma_wait3A_273 = tpu.memref_slice %arg9[%dma_wait3A_271, %dma_wait3A_272] : memref<64x128xi32, #tpu.memory_space<vmem>> -> memref<32x128xi32, #tpu.memory_space<vmem>>
    tpu.wait_dma2 semaphore(%dma_wait3A_267 : memref<!tpu.dma_semaphore, #tpu.memory_space<semaphore_mem>>) src(%dma_wait3A_273 : memref<32x128xi32, #tpu.memory_space<vmem>>) dst(%dma_wait3A_270 : memref<32x128xi32, #tpu.memory_space<hbm>>)
    return
  }
}

</mosaic_0001>

<sc_bundles>
// kernel: kernel.3.cloned.1.call-start
scs
__scs_entry_jumppad:
0x0: {  	(pc) =	sbr.rel $0x88, $3  }
0x1: {  	(tag) =	ssettag $0x0;
	lr =	simm.s32 $0x1  }
0x2: {  	[smem:$0x3F9F] =	sst lr;
	_ =	strace $0xD0000000  }
0x3: {  	_ = 	snop  }
0x4: {  	_ = 	snop  }
0x5: {  	_ = 	snop  }
0x6: {  	_ = 	snop  }
0x7: {  	_ = 	snop  }
__scs_overlays_trampoline_lowered:
0x8: {  	[smem:$0x3FAE] =	sst s0  }
0x9: {  	[smem:$0x3FAF] =	sst s1  }
0xa: {  	[smem:$0x3FB0] =	sst s2  }
0xb: {  	[smem:$0x3FB1] =	sst s3  }
0xc: {  	[smem:$0x3FB2] =	sst s4  }
0xd: {  	[smem:$0x3FB3] =	sst s5  }
0xe: {  	[smem:$0x3FB4] =	sst s6  }
0xf: {  	[smem:$0x3FB5] =	sst s7  }
0x10: {  	[smem:$0x3FB6] =	sst s8  }
0x11: {  	[smem:$0x3FB7] =	sst s9;
	s0 =	simm.s32 @!p0 $0x0  }
0x12: {  	s1 =	sld [smem:$0x3F9D];
	s0 =	simm.s32 @p0 $0x1  }
0x13: {  	[smem:$0x3FB8] =	sst s0;
	s0 =	simm.s32 @!p1 $0x0  }
0x14: {  	s2 =	sld [smem:$0x3F9C];
	s0 =	simm.s32 @p1 $0x1  }
0x15: {  	[smem:$0x3FB9] =	sst s0;
	s0 =	simm.s32 @!p2 $0x0  }
0x16: {  	s3 =	sld [smem:$0x3FDB];
	s0 =	simm.s32 @p2 $0x1  }
0x17: {  	s4 =	simm.s32 $0x1BF5;
	[smem:$0x3FBB] =	sst s0  }
0x18: {  	s0 =	sld [smem:$0x3F9E];
	_ =	swait.ge [sflag:s4], $0x0  }
0x19: {  	s7 =	sld [smem:$0x3F9F]  }
0x1a: {  	s8 =	sadd.s32 $0xFFFFE003, lr  }
0x1b: {  	s9 =	sadd.s32 $0xFFFFFEF7, lr;
	s5 =	simm.s32 $0xFFFFFFFF;
	p2 =	slt.u32 s8, $0xFFFFF086  }
0x1c: {  	p1 =	slt.u32 s9, $0xF7A;
	s5 =	simm.s32 @!p2 $0x0  }
0x1d: {  	s5 =	simm.s32 @p1 $0x1;
	p0 =	seq.s32 s7, s2  }
0x1e: {  	s7 =	smul.u32 @!p0 $0xF7A, s2;
	p2 =	seq.s32 @!p0 s5, $0x0  }
0x1f: {  	s9 =	smul.u32 $0xF7A, s1;
	s8 =	simm.s32 @!p0 $0x1BF5;
	p2 =	por !p2, p0  }
0x20: {  	[sflag:s8] =	ssyncset.s32 @!p0 $0xFFFFF086;
	s6 =	sadd.s32 @!p0 s3, s7;
	s7 =	simm.s32 @!p0 $0x108  }
0x21: {  	s3 =	sadd.s32 s3, s9;
	s6 =	sadd.s32 @!p0 $0x88, s6;
	s7 =	simm.s32 @p2 $0x1082  }
0x22: {  	[simem:s7], [sflag:s8] =	dma.local @!p0 [hbm:s6], $0xF7A  }
0x23: {  	s9 =	sor.u32 $0xD0000000, s2;
	s6 =	simm.s32 $0x108;
	_ =	swait.ge @!p0 [sflag:s8], $0x0  }
0x24: {  	s3 =	sadd.s32 $0x88, s3;
	s6 =	simm.s32 @!p1 $0x1082;
	[sflag:s4] =	ssyncset.s32 $0xFFFFF086  }
0x25: {  	[simem:s6], [sflag:s4] =	dma.local [hbm:s3], $0xF7A  }
0x26: {  	[smem:$0x3F9F] =	sst s1;
	(tag) =	ssettag s2;
	_ =	strace s9  }
0x27: {  	s1 =	sld [smem:$0x3FAF]  }
0x28: {  	s2 =	sld [smem:$0x3FB0]  }
0x29: {  	s4 =	sld [smem:$0x3FB2]  }
0x2a: {  	p0 =	seq.s32 s5, $0x0;
	s5 =	sld [smem:$0x3FB3]  }
0x2b: {  	s6 =	sld [smem:$0x3FB4]  }
0x2c: {  	s7 =	sld [smem:$0x3FB5]  }
0x2d: {  	s3 =	simm.s32 $0x108;
	s8 =	sld [smem:$0x3FB6]  }
0x2e: {  	s3 =	simm.s32 @!p0 $0x1082;
	s9 =	sld [smem:$0x3FB7]  }
0x2f: {  	lr =	sadd.s32 s0, s3;
	s0 =	sld [smem:$0x3FAE]  }
0x30: {  	s3 =	sld [smem:$0x3FB1]  }
0x31: {  	[smem:$0x3FBA] =	sst s10  }
0x32: {  	s10 =	sld [smem:$0x3FB8];
	_ =	sdelay $0x3  }
0x33: {  	p0 =	seq.s32 s10, $0x1;
	s10 =	sld [smem:$0x3FBA];
	_ =	sdelay $0x3  }
0x34: {  	[smem:$0x3FBA] =	sst s10  }
0x35: {  	s10 =	sld [smem:$0x3FB9];
	_ =	sdelay $0x3  }
0x36: {  	p1 =	seq.s32 s10, $0x1;
	s10 =	sld [smem:$0x3FBA];
	_ =	sdelay $0x3  }
0x37: {  	[smem:$0x3FBA] =	sst s10  }
0x38: {  	s10 =	sld [smem:$0x3FBB]  }
0x39: {  	_ = 	snop;
	(pc) =	sbr.ind lr, $3  }
0x3a: {  	_ = 	snop  }
0x3b: {  	_ = 	snop  }
0x3c: {  	p2 =	seq.s32 s10, $0x1;
	s10 =	sld [smem:$0x3FBA]  }
0x3d: {  	_ =	shalt  }
0x3e: {  	_ =	shalt  }
0x3f: {  	_ =	shalt  }
0x40: {  	_ =	shalt  }
0x41: {  	_ =	shalt  }
0x42: {  	_ =	shalt  }
0x43: {  	_ =	shalt  }
0x44: {  	_ =	shalt  }
0x45: {  	_ =	shalt  }
0x46: {  	_ =	shalt  }
0x47: {  	_ =	shalt  }
0x48: {  	_ =	shalt  }
0x49: {  	_ =	shalt  }
0x4a: {  	_ =	shalt  }
0x4b: {  	_ =	shalt  }
0x4c: {  	_ =	shalt  }
0x4d: {  	_ =	shalt  }
0x4e: {  	_ =	shalt  }
0x4f: {  	_ =	shalt  }
0x50: {  	_ =	shalt  }
0x51: {  	_ =	shalt  }
0x52: {  	_ =	shalt  }
0x53: {  	_ =	shalt  }
0x54: {  	_ =	shalt  }
0x55: {  	_ =	shalt  }
0x56: {  	_ =	shalt  }
0x57: {  	_ =	shalt  }
0x58: {  	_ =	shalt  }
0x59: {  	_ =	shalt  }
0x5a: {  	_ =	shalt  }
0x5b: {  	_ =	shalt  }
0x5c: {  	_ =	shalt  }
0x5d: {  	_ =	shalt  }
0x5e: {  	_ =	shalt  }
0x5f: {  	_ =	shalt  }
0x60: {  	_ =	shalt  }
0x61: {  	_ =	shalt  }
0x62: {  	_ =	shalt  }
0x63: {  	_ =	shalt  }
0x64: {  	_ =	shalt  }
0x65: {  	_ =	shalt  }
0x66: {  	_ =	shalt  }
0x67: {  	_ =	shalt  }
0x68: {  	_ =	shalt  }
0x69: {  	_ =	shalt  }
0x6a: {  	_ =	shalt  }
0x6b: {  	_ =	shalt  }
0x6c: {  	_ =	shalt  }
0x6d: {  	_ =	shalt  }
0x6e: {  	_ =	shalt  }
0x6f: {  	_ =	shalt  }
0x70: {  	_ =	shalt  }
0x71: {  	_ =	shalt  }
0x72: {  	_ =	shalt  }
0x73: {  	_ =	shalt  }
0x74: {  	_ =	shalt  }
0x75: {  	_ =	shalt  }
0x76: {  	_ =	shalt  }
0x77: {  	_ =	shalt  }
0x78: {  	_ =	shalt  }
0x79: {  	_ =	shalt  }
0x7a: {  	_ =	shalt  }
0x7b: {  	_ =	shalt  }
0x7c: {  	_ =	shalt  }
0x7d: {  	_ =	shalt  }
0x7e: {  	_ =	shalt  }
0x7f: {  	_ =	shalt  }
0x80: {  	_ =	shalt  }
0x81: {  	_ =	shalt  }
0x82: {  	_ =	shalt  }
0x83: {  	_ =	shalt  }
0x84: {  	_ =	shalt  }
0x85: {  	_ =	shalt  }
0x86: {  	_ =	shalt  }
0x87: {  	_ =	shalt  }
.Lfunc_end0:
.L_simem_size_0:
called_computation_lowered:
.L_overlay_start_0:
0x88: {  	s2 =	sld [smem:$0x3FD9]  }
0x89: {  	s3 =	sld [smem:$0x3FFE];
	_ =	sdelay $0x1  }
0x8a: {  	s1 =	srdreg.scid  }
0x8b: {  	s0 =	sand.u32 $0x1, s1  }
0x8c: {  	s14 =	sshll.u32 s0, $0xA;
	s2 =	sadd.s32 s3, s2  }
0x8d: {  	s2 =	sadd.s32 s2, s14  }
0x8e: {  	[smem:$0x3FC6] =	sst s2  }
0x8f: {  	_ = 	snop  }
0x90: {  	s2 =	sld [smem:$0x3FD0];
	_ =	sdelay $0x2  }
0x91: {  	s4 =	simm.s32 $0xA;
	s5 =	simm.s32 $0x10;
	s15 =	sld [smem:$0x3FC9]  }
0x92: {  	[smem:s5], [sflag:s4] =	dma.local [hbm:s2], $0x1  }
0x93: {  	_ =	swait.eq [sflag:s4], $0x1  }
0x94: {  	[sflag:s4] =	ssyncset.done $0x0  }
0x95: {  	s16 =	sld [smem:$0x10];
	[sflag:s4] =	ssyncadd.s32 $0xFFFFFFFF  }
0x96: {  	s17 =	sld [smem:$0x11];
	(tm) =	ssettm $0x1  }
0x97: {  	s18 =	sld [smem:$0x3FFB];
	_ =	sdelay $0x3  }
0x98: {  	_ =	strace s18  }
0x99: {  	s5 =	sld [smem:$0x3FFC];
	_ =	sdelay $0x3  }
0x9a: {  	_ =	strace s5  }
0x9b: {  	s5 =	sld [smem:$0x3FFD];
	_ =	sdelay $0x3  }
0x9c: {  	_ =	strace s5  }
0x9d: {  	_ =	strace $0x8FFFFFFF  }
0x9e: {  	s19 =	sld [smem:$0x3FDB];
	_ =	sdelay $0x1  }
0x9f: {  	s6 =	simm.s32 $_scs_section_size  }
0xa0: {  	s7 =	simm.s32 $_size__tile_overlayer_lowered;
	s8 =	simm.s32 $_tile_overlayer_lowered  }
0xa1: {  	s22 =	simm.s32 $0x1BFF;
	s21 =	sshll.u32 s8, $0x1;
	s5 =	sadd.s32 s6, s19  }
0xa2: {  	s9 =	simm.s32 $0x0;
	s20 =	sshll.u32 s7, $0x1;
	s7 =	sadd.s32 s21, s5  }
0xa3: {  	[timem:s9], [sflag:s22] =	dma.local [hbm:s7], s20  }
0xa4: {  	_ =	swait.ge [sflag:s22], s20  }
0xa5: {  	s6 =	ssub.s32 $0x0, s20;
	[sflag:s22] =	ssyncset.done $0x0  }
0xa6: {  	[sflag:s22] =	ssyncadd.s32 s6;
	_ =	sdelay $0x1  }
0xa7: {  	s23 =	simm.s32 $0x1B8B  }
0xa8: {  	_ =	swait.ge [sflag:s23], $0x1  }
0xa9: {  	[sflag:s23] =	ssyncset.done $0x0  }
0xaa: {  	s25 =	simm.s32 $0x1B8E;
	s24 =	sld [smem:$0x3FFE];
	[sflag:s23] =	ssyncadd.s32 $0xFFFFFFFF  }
0xab: {  	s26 =	simm.s32 $execute0_lowered;
	[smem:$0x3FD2] =	sst s25  }
0xac: {  	s7 =	sshll.u32 s26, $0x1;
	_ =	strace $0x80000046;
	[dreg:$0x1] =	wrdreg $0xFFFFFFFF  }
0xad: {  	s28 =	simm.s32 $_size_execute0_lowered;
	s5 =	sadd.s32 s5, s7;
	[dreg:$0x0] =	wrdreg $0x0  }
0xae: {  	s7 =	sshll.u32 s28, $0x1;
	[dreg:$0x2] =	wrdreg s5  }
0xaf: {  	[dreg:$0x3] =	wrdreg s7  }
0xb0: {  	[dreg:$0x4] =	wrdreg $0xC0  }
0xb1: {  	_ =	task [dreg:s9], $0x5FFFF  }
0xb2: {  	[dreg:$0x1] =	wrdreg $0xFFFFFFFF  }
0xb3: {  	[dreg:$0x0] =	wrdreg $0x60  }
0xb4: {  	[dreg:$0x2] =	wrdreg s15  }
0xb5: {  	[dreg:$0x3] =	wrdreg s24  }
0xb6: {  	[dreg:$0x4] =	wrdreg s16  }
0xb7: {  	[dreg:$0x5] =	wrdreg s17  }
0xb8: {  	[dreg:$0x6] =	wrdreg $0x9  }
0xb9: {  	_ =	task.clear_ibuf [dreg:s9], $0x7FFFF;
	_ =	strace $0x90000046  }
0xba: {  	s29 =	simm.s32 $0x9;
	_ =	strace $0x80000048  }
0xbb: {  	_ =	swait.ge [sflag:s29], $0x1  }
0xbc: {  	[sflag:s29] =	ssyncadd.s32 $0xFFFFFFFF  }
0xbd: {  	_ =	strace $0x90000048  }
0xbe: {  	_ =	sfence  }
0xbf: {  	s30 =	sld [smem:$0x0];
	_ =	sdelay $0x2  }
0xc0: {  	s31 =	sshll.u32 s1, $0xD;
	s1 =	sshrl.u32 s1, $0x2  }
0xc1: {  	s3 =	sand.u32 $0x4000, s31;
	s1 =	sadd.s32 s1, s30  }
0xc2: {  	s0 =	sor.u32 s3, s0;
	s1 =	sshll.u32 s1, $0x11  }
0xc3: {  	s0 =	sor.u32 s1, s0  }
0xc4: {  	s0 =	sadd.s32 $0x8F2B, s0  }
0xc5: {  	[sflag:s0] =	ssyncadd.remote.s32 $0x1  }
0xc6: {  	_ =	sfence.sel $0xFFFF  }
0xc7: {  	[dreg:$0x0] =	wrdreg $0xFFFFFFFF;
	(pc) =	sbr.abs _section_cstart, $3  }
0xc8: {  	[dreg:$0x1] =	wrdreg $0xFFFFFFFF  }
0xc9: {  	_ =	task.clear_ibuf [dreg:s9], $0x2FFFF;
	_ =	strace $0x9FFFFFFF  }
0xca: {  	(tm) =	ssettm $0x7FFFFFFF  }
0xcb: {  	_ =	shalt  }
tec
execute0_lowered:
.L_overlay_start_1:
0x0: {  	(tag) =	ssettag $0x1  }
0x1: {  	s0 =	srdreg.scid;
	s7 =	rddreg [dreg:$0x1]  }
0x2: {  	s1 =	stileid.u32;
	s3 =	rddreg [dreg:$0x2]  }
0x3: {  	s11 =	simm.s32 $0x38;
	s12 =	simm.s32 $0x5780;
	s25 =	simm.s32 $0x11B80  }
0x4: {  	s28 =	simm.s32 $0x3;
	s0 =	sand.u32 $0x1, s0;
	s2 =	sshll.u32 s1, $0x1  }
0x5: {  	s29 =	simm.s32 $0x2;
	s30 =	simm.s32 $0x4;
	s2 =	sor.u32 s0, s2  }
0x6: {  	s31 =	simm.s32 $0x0;
	s5 =	smul.u32 $0xC20, s2;
	s4 =	smin.u32 s2, $0x15  }
0x7: {  	s1 =	rddreg [dreg:$0x0];
	s0 =	ssub.s32 $0x2, s0;
	s6 =	sshll.u32 s4, $0x5  }
0x8: {  	s10 =	sshrl.u32 s0, $0x1;
	p0 =	slt.u32 s2, $0x15;
	s8 =	sadd.s32 s5, s6  }
0x9: {  	s4 =	rddreg [dreg:$0x3];
	s5 =	simm.s32 $0x0;
	s6 =	smul.u32 $0x7, s8  }
0xa: {  	s0 =	ssub.s32 s0, s10;
	s10 =	simm.s32 $0x5;
	[smem:$0x7FF] =	sst s5  }
0xb: {  	v0 =	vlaneseq.u32;
	s8 =	sshll.u32 s8, $0x7;
	s9 =	sshrl.u32 s6, $0x3;
	s6 =	simm.s32 $0x62  }
0xc: {  	v0 =	vmul.u32 $0x7, v0;
	_ =	strace $0x80000047;
	s26 =	sadd.s32 s9, s7;
	s6 =	simm.s32 @!p0 $0x61  }
0xd: {  	v1 =	vimm.f32 $0.0e+00;
	s9 =	smax.u32 s0, $0x1;
	s7 =	sadd.s32 $0x600, s26;
	s26 =	simm.s32 $0x1  }
.LBB2_1:
0xe: {  	[tilespmem:s5], [sflag:$0x5] =	stream.linear.gather [hbm4b:s7+s5], $0x5780, $0x38;
	[tilespmem:$0x17780] =	vst v63  }
0xf: {  	_ =	swait.ge [sflag:s10], $0x5780  }
0x10: {  	[sflag:s10] =	ssyncset.done $0x0  }
0x11: {  	[sflag:s10] =	ssyncadd.s32 $0xFFFFA880  }
0x12: {  	[tilespmem:s12], [sflag:$0x1] =	stream.indirect.gather [hbm4b:s1+s11], $0x80, s5, s11, $0xb8;
	[tilespmem:$0x17780] =	vst v63  }
0x13: {  	s0 =	simm.s32 $0x7380  }
0x14: {  	[tilespmem:s0], [sflag:$0x1] =	stream.indirect.gather [hbm4b:s1+s11], $0x80, s11, s11, $0xb8;
	[tilespmem:$0x17780] =	vst v63  }
0x15: {  	s15 =	simm.s32 $0x70;
	s2 =	simm.s32 $0x8F80  }
0x16: {  	[tilespmem:s2], [sflag:$0x1] =	stream.indirect.gather [hbm4b:s1+s11], $0x80, s15, s11, $0xb8;
	[tilespmem:$0x17780] =	vst v63  }
0x17: {  	s16 =	simm.s32 $0xA8;
	s17 =	simm.s32 $0xAB80  }
0x18: {  	[tilespmem:s17], [sflag:$0x1] =	stream.indirect.gather [hbm4b:s1+s11], $0x80, s16, s11, $0xb8;
	[tilespmem:$0x17780] =	vst v63  }
0x19: {  	s18 =	simm.s32 $0xE0;
	s19 =	simm.s32 $0xC780  }
0x1a: {  	[tilespmem:s19], [sflag:$0x2] =	stream.indirect.gather [hbm4b:s1+s11], $0x80, s18, s11, $0xb8;
	[tilespmem:$0x17780] =	vst v63  }
0x1b: {  	s20 =	simm.s32 $0x118;
	s21 =	simm.s32 $0xE380  }
0x1c: {  	[tilespmem:s21], [sflag:$0x2] =	stream.indirect.gather [hbm4b:s1+s11], $0x80, s20, s11, $0xb8;
	[tilespmem:$0x17780] =	vst v63  }
0x1d: {  	s22 =	simm.s32 $0x150;
	s23 =	simm.s32 $0xFF80  }
0x1e: {  	[tilespmem:s23], [sflag:$0x2] =	stream.indirect.gather [hbm4b:s1+s11], $0x80, s22, s11, $0xb8;
	[tilespmem:$0x17780] =	vst v63  }
0x1f: {  	s24 =	simm.s32 $0x188;
	p0 =	por $0x0, $0x0;
	s2 =	simm.s32 $0x0  }
0x20: {  	[tilespmem:s25], [sflag:$0x2] =	stream.indirect.gather [hbm4b:s1+s11], $0x80, s24, s11, $0xb8;
	[tilespmem:$0x17780] =	vst v63  }
.LBB2_2:
0x21: {  	s14 =	simm.s32 $0x1  }
0x22: {  	s14 =	simm.s32 @!p0 $0x0  }
0x23: {  	s0 =	smul.u32 $0x7000, s14  }
0x24: {  	s13 =	sand.u32 $0x1, s2  }
0x25: {  	[dreg:$0x5] =	wrdreg s0;
	s0 =	sadd.s32 $0x1, s13  }
0x26: {  	_ =	swait.ge [sflag:s0], $0x1C00  }
0x27: {  	[sflag:s0] =	ssyncset.done $0x0  }
0x28: {  	[sflag:s0] =	ssyncadd.s32 $0xFFFFE400  }
0x29: {  	_ =	swait.ge [sflag:s0], $0x1C00  }
0x2a: {  	[sflag:s0] =	ssyncset.done $0x0  }
0x2b: {  	[sflag:s0] =	ssyncadd.s32 $0xFFFFE400  }
0x2c: {  	_ =	swait.ge [sflag:s0], $0x1C00  }
0x2d: {  	[sflag:s0] =	ssyncset.done $0x0  }
0x2e: {  	[sflag:s0] =	ssyncadd.s32 $0xFFFFE400  }
0x2f: {  	_ =	swait.ge [sflag:s0], $0x1C00  }
0x30: {  	p1 =	slt.u32 s2, $0x2;
	[sflag:s0] =	ssyncset.done $0x0  }
0x31: {  	s15 =	sadd.s32 @!p1 $0x3, s13;
	[sflag:s0] =	ssyncadd.s32 $0xFFFFE400  }
0x32: {  	_ =	swait.ge @!p1 [sflag:s15], $0x1000  }
0x33: {  	[sflag:s15] =	ssyncset.done @!p1 $0x0  }
0x34: {  	[sflag:s15] =	ssyncadd.s32 @!p1 $0xFFFFF000  }
0x35: {  	_ =	swait.ge @!p1 [sflag:s15], $0x1000  }
0x36: {  	s16 =	rddreg [dreg:$0x5]  }
0x37: {  	s17 =	sadd.s32 $0x0, s16  }
0x38: {  	v2 =	vmov s17  }
0x39: {  	v2 =	vshrl.u32 v2, $0x7  }
0x3a: {  	v2 =	vshll.u32 v2, $0x7  }
0x3b: {  	s16 =	sadd.s32 $0x1, s17;
	v2 =	vbroadcast v2, $0x0  }
0x3c: {  	v3 =	vadd.s32 s16, v0  }
0x3d: {  	s18 =	sadd.s32 $0x2, s17;
	v2 =	vor.u32 v0, v2  }
0x3e: {  	s19 =	sadd.s32 $0x3, s17;
	v4 =	vadd.s32 s18, v0  }
0x3f: {  	[sflag:s15] =	ssyncset.done @!p1 $0x0;
	s20 =	sadd.s32 $0x4, s17;
	v5 =	vadd.s32 s19, v0  }
0x40: {  	[sflag:s15] =	ssyncadd.s32 @!p1 $0xFFFFF000;
	s21 =	sadd.s32 $0x5, s17;
	v6 =	vadd.s32 s20, v0  }
0x41: {  	s22 =	sadd.s32 $0x6, s17;
	v7 =	vadd.s32 s21, v0;
	v3 =	vld.idx.msk [tilespmem:v3+s12+$0x0], $0xffff  }
0x42: {  	v8 =	vadd.s32 s22, v0;
	v2 =	vld.idx.msk [tilespmem:v2+s12+$0x0], $0xffff  }
0x43: {  	v4 =	vld.idx.msk [tilespmem:v4+s12+$0x0], $0xffff  }
0x44: {  	v5 =	vld.idx.msk [tilespmem:v5+s12+$0x0], $0xffff  }
0x45: {  	v6 =	vld.idx.msk [tilespmem:v6+s12+$0x0], $0xffff  }
0x46: {  	v7 =	vld.idx.msk [tilespmem:v7+s12+$0x0], $0xffff  }
0x47: {  	v8 =	vld.idx.msk [tilespmem:v8+s12+$0x0], $0xffff;
	vm0 =	vgt.f32 v3, v2;
	v2 =	vmax.f32 v2, v3  }
0x48: {  	v3 =	vsel vm0, $0x3F800000, v1;
	vm11 =	vgt.f32 v4, v2;
	v2 =	vmax.f32 v2, v4  }
0x49: {  	v3 =	vsel vm11, $0x40000000, v3;
	vm12 =	vgt.f32 v5, v2;
	v2 =	vmax.f32 v2, v5  }
0x4a: {  	v3 =	vsel vm12, $0x40400000, v3;
	vm13 =	vgt.f32 v6, v2;
	v2 =	vmax.f32 v2, v6  }
0x4b: {  	v3 =	vsel vm13, $0x40800000, v3;
	vm14 =	vgt.f32 v7, v2;
	v2 =	vmax.f32 v2, v7  }
0x4c: {  	s23 =	sadd.s32 $0x70, s17;
	v3 =	vsel vm14, $0x40A00000, v3;
	vm15 =	vgt.f32 v8, v2  }
0x4d: {  	s24 =	sadd.s32 $0x71, s17;
	v4 =	vadd.s32 s23, v0;
	v3 =	vsel vm15, $0x40C00000, v3  }
0x4e: {  	s14 =	sshll.u32 s14, $0xC;
	s16 =	sadd.s32 $0x72, s17;
	v5 =	vadd.s32 s24, v0;
	v3 =	vtrunc.f32 v3  }
0x4f: {  	s18 =	sadd.s32 $0x137C0, s14;
	s19 =	sadd.s32 $0x73, s17;
	v6 =	vadd.s32 s16, v0;
	v2 =	vmax.f32 v2, v8;
	v3 =	vcvt.f32.s32 v3  }
0x50: {  	s20 =	sadd.s32 $0x74, s17;
	s16 =	sadd.s32 $0x157C0, s14;
	[tilespmem:s18+$0xFFFFFFC0] =	vst v2;
	v2 =	vadd.s32 s19, v0  }
0x51: {  	s21 =	sadd.s32 $0x75, s17;
	[tilespmem:s16+$0xFFFFFFC0] =	vst v3;
	v3 =	vadd.s32 s20, v0  }
0x52: {  	s22 =	sadd.s32 $0x76, s17;
	v7 =	vadd.s32 s21, v0;
	v4 =	vld.idx.msk [tilespmem:v4+s12+$0x0], $0xffff  }
0x53: {  	v58 =	vadd.s32 s22, v0;
	v5 =	vld.idx.msk [tilespmem:v5+s12+$0x0], $0xffff  }
0x54: {  	v6 =	vld.idx.msk [tilespmem:v6+s12+$0x0], $0xffff  }
0x55: {  	v2 =	vld.idx.msk [tilespmem:v2+s12+$0x0], $0xffff  }
0x56: {  	v3 =	vld.idx.msk [tilespmem:v3+s12+$0x0], $0xffff  }
0x57: {  	v7 =	vld.idx.msk [tilespmem:v7+s12+$0x0], $0xffff  }
0x58: {  	v8 =	vld.idx.msk [tilespmem:v58+s12+$0x0], $0xffff;
	vm4 =	vgt.f32 v5, v4;
	v4 =	vmax.f32 v4, v5  }
0x59: {  	v5 =	vsel vm4, $0x3F800000, v1;
	vm5 =	vgt.f32 v6, v4;
	v4 =	vmax.f32 v4, v6  }
0x5a: {  	v5 =	vsel vm5, $0x40000000, v5;
	vm6 =	vgt.f32 v2, v4;
	v2 =	vmax.f32 v4, v2  }
0x5b: {  	v4 =	vsel vm6, $0x40400000, v5;
	vm7 =	vgt.f32 v3, v2;
	v2 =	vmax.f32 v2, v3  }
0x5c: {  	v3 =	vsel vm7, $0x40800000, v4;
	vm8 =	vgt.f32 v7, v2;
	v2 =	vmax.f32 v2, v7  }
0x5d: {  	s23 =	sadd.s32 $0xE0, s17;
	v3 =	vsel vm8, $0x40A00000, v3;
	vm9 =	vgt.f32 v8, v2  }
0x5e: {  	s24 =	sadd.s32 $0xE1, s17;
	v4 =	vadd.s32 s23, v0;
	v3 =	vsel vm9, $0x40C00000, v3  }
0x5f: {  	s15 =	sadd.s32 $0xE2, s17;
	v5 =	vadd.s32 s24, v0;
	v3 =	vtrunc.f32 v3  }
0x60: {  	s19 =	sadd.s32 $0xE3, s17;
	v6 =	vadd.s32 s15, v0;
	v2 =	vmax.f32 v2, v8;
	v3 =	vcvt.f32.s32 v3  }
0x61: {  	s20 =	sadd.s32 $0xE4, s17;
	[tilespmem:s18+$0xFFFFFFD0] =	vst v2;
	v2 =	vadd.s32 s19, v0  }
0x62: {  	s21 =	sadd.s32 $0xE5, s17;
	[tilespmem:s16+$0xFFFFFFD0] =	vst v3;
	v3 =	vadd.s32 s20, v0  }
0x63: {  	s22 =	sadd.s32 $0xE6, s17;
	v7 =	vadd.s32 s21, v0;
	v4 =	vld.idx.msk [tilespmem:v4+s12+$0x0], $0xffff  }
0x64: {  	v59 =	vadd.s32 s22, v0;
	v5 =	vld.idx.msk [tilespmem:v5+s12+$0x0], $0xffff  }
0x65: {  	v6 =	vld.idx.msk [tilespmem:v6+s12+$0x0], $0xffff  }
0x66: {  	v2 =	vld.idx.msk [tilespmem:v2+s12+$0x0], $0xffff  }
0x67: {  	v3 =	vld.idx.msk [tilespmem:v3+s12+$0x0], $0xffff  }
0x68: {  	v7 =	vld.idx.msk [tilespmem:v7+s12+$0x0], $0xffff  }
0x69: {  	v8 =	vld.idx.msk [tilespmem:v59+s12+$0x0], $0xffff;
	vm10 =	vgt.f32 v5, v4;
	v4 =	vmax.f32 v4, v5  }
0x6a: {  	v5 =	vsel vm10, $0x3F800000, v1;
	vm11 =	vgt.f32 v6, v4;
	v4 =	vmax.f32 v4, v6  }
0x6b: {  	v5 =	vsel vm11, $0x40000000, v5;
	vm12 =	vgt.f32 v2, v4;
	v2 =	vmax.f32 v4, v2  }
0x6c: {  	v4 =	vsel vm12, $0x40400000, v5;
	vm13 =	vgt.f32 v3, v2;
	v2 =	vmax.f32 v2, v3  }
0x6d: {  	v3 =	vsel vm13, $0x40800000, v4;
	vm14 =	vgt.f32 v7, v2;
	v2 =	vmax.f32 v2, v7  }
0x6e: {  	s23 =	sadd.s32 $0x150, s17;
	v3 =	vsel vm14, $0x40A00000, v3;
	vm15 =	vgt.f32 v8, v2  }
0x6f: {  	s24 =	sadd.s32 $0x151, s17;
	v4 =	vadd.s32 s23, v0;
	v3 =	vsel vm15, $0x40C00000, v3  }
0x70: {  	s15 =	sadd.s32 $0x152, s17;
	v5 =	vadd.s32 s24, v0;
	v3 =	vtrunc.f32 v3  }
0x71: {  	s19 =	sadd.s32 $0x153, s17;
	v6 =	vadd.s32 s15, v0;
	v2 =	vmax.f32 v2, v8;
	v3 =	vcvt.f32.s32 v3  }
0x72: {  	s20 =	sadd.s32 $0x154, s17;
	[tilespmem:s18+$0xFFFFFFE0] =	vst v2;
	v2 =	vadd.s32 s19, v0  }
0x73: {  	s21 =	sadd.s32 $0x155, s17;
	[tilespmem:s16+$0xFFFFFFE0] =	vst v3;
	v3 =	vadd.s32 s20, v0  }
0x74: {  	s22 =	sadd.s32 $0x156, s17;
	v7 =	vadd.s32 s21, v0;
	v4 =	vld.idx.msk [tilespmem:v4+s12+$0x0], $0xffff  }
0x75: {  	v60 =	vadd.s32 s22, v0;
	v5 =	vld.idx.msk [tilespmem:v5+s12+$0x0], $0xffff  }
0x76: {  	v6 =	vld.idx.msk [tilespmem:v6+s12+$0x0], $0xffff  }
0x77: {  	v2 =	vld.idx.msk [tilespmem:v2+s12+$0x0], $0xffff  }
0x78: {  	v3 =	vld.idx.msk [tilespmem:v3+s12+$0x0], $0xffff  }
0x79: {  	v7 =	vld.idx.msk [tilespmem:v7+s12+$0x0], $0xffff  }
0x7a: {  	v8 =	vld.idx.msk [tilespmem:v60+s12+$0x0], $0xffff;
	vm4 =	vgt.f32 v5, v4;
	v4 =	vmax.f32 v4, v5  }
0x7b: {  	v5 =	vsel vm4, $0x3F800000, v1;
	vm5 =	vgt.f32 v6, v4;
	v4 =	vmax.f32 v4, v6  }
0x7c: {  	v5 =	vsel vm5, $0x40000000, v5;
	vm6 =	vgt.f32 v2, v4;
	v2 =	vmax.f32 v4, v2  }
0x7d: {  	v4 =	vsel vm6, $0x40400000, v5;
	vm7 =	vgt.f32 v3, v2;
	v2 =	vmax.f32 v2, v3  }
0x7e: {  	v3 =	vsel vm7, $0x40800000, v4;
	vm8 =	vgt.f32 v7, v2;
	v2 =	vmax.f32 v2, v7  }
0x7f: {  	s23 =	sadd.s32 $0x1C1, s17;
	v3 =	vsel vm8, $0x40A00000, v3;
	vm9 =	vgt.f32 v8, v2  }
0x80: {  	s24 =	sadd.s32 $0x1C0, s17;
	v4 =	vadd.s32 s23, v0;
	v3 =	vsel vm9, $0x40C00000, v3  }
0x81: {  	s15 =	sadd.s32 $0x1C2, s17;
	v5 =	vadd.s32 s24, v0;
	v3 =	vtrunc.f32 v3  }
0x82: {  	s19 =	sadd.s32 $0x1C3, s17;
	v6 =	vadd.s32 s15, v0;
	v2 =	vmax.f32 v2, v8;
	v3 =	vcvt.f32.s32 v3  }
0x83: {  	s20 =	sadd.s32 $0x1C4, s17;
	[tilespmem:s18+$0xFFFFFFF0] =	vst v2;
	v2 =	vadd.s32 s19, v0  }
0x84: {  	s21 =	sadd.s32 $0x1C5, s17;
	[tilespmem:s16+$0xFFFFFFF0] =	vst v3;
	v3 =	vadd.s32 s20, v0  }
0x85: {  	s22 =	sadd.s32 $0x1C6, s17;
	v7 =	vadd.s32 s21, v0;
	v4 =	vld.idx.msk [tilespmem:v4+s12+$0x0], $0xffff  }
0x86: {  	v61 =	vadd.s32 s22, v0;
	v5 =	vld.idx.msk [tilespmem:v5+s12+$0x0], $0xffff  }
0x87: {  	v6 =	vld.idx.msk [tilespmem:v6+s12+$0x0], $0xffff  }
0x88: {  	v2 =	vld.idx.msk [tilespmem:v2+s12+$0x0], $0xffff  }
0x89: {  	v3 =	vld.idx.msk [tilespmem:v3+s12+$0x0], $0xffff  }
0x8a: {  	v7 =	vld.idx.msk [tilespmem:v7+s12+$0x0], $0xffff  }
0x8b: {  	v8 =	vld.idx.msk [tilespmem:v61+s12+$0x0], $0xffff;
	vm10 =	vgt.f32 v4, v5;
	v4 =	vmax.f32 v5, v4  }
0x8c: {  	v5 =	vsel vm10, $0x3F800000, v1;
	vm11 =	vgt.f32 v6, v4;
	v4 =	vmax.f32 v4, v6  }
0x8d: {  	v5 =	vsel vm11, $0x40000000, v5;
	vm12 =	vgt.f32 v2, v4;
	v2 =	vmax.f32 v4, v2  }
0x8e: {  	v4 =	vsel vm12, $0x40400000, v5;
	vm13 =	vgt.f32 v3, v2;
	v2 =	vmax.f32 v2, v3  }
0x8f: {  	v3 =	vsel vm13, $0x40800000, v4;
	vm14 =	vgt.f32 v7, v2;
	v2 =	vmax.f32 v2, v7  }
0x90: {  	s23 =	sadd.s32 $0x230, s17;
	v3 =	vsel vm14, $0x40A00000, v3;
	vm15 =	vgt.f32 v8, v2  }
0x91: {  	s24 =	sadd.s32 $0x231, s17;
	v4 =	vadd.s32 s23, v0;
	v3 =	vsel vm15, $0x40C00000, v3  }
0x92: {  	s15 =	sadd.s32 $0x232, s17;
	v5 =	vadd.s32 s24, v0;
	v3 =	vtrunc.f32 v3  }
0x93: {  	s19 =	sadd.s32 $0x233, s17;
	v6 =	vadd.s32 s15, v0;
	v2 =	vmax.f32 v2, v8;
	v3 =	vcvt.f32.s32 v3  }
0x94: {  	s20 =	sadd.s32 $0x234, s17;
	[tilespmem:s18+$0x0] =	vst v2;
	v2 =	vadd.s32 s19, v0  }
0x95: {  	s21 =	sadd.s32 $0x235, s17;
	[tilespmem:s16+$0x0] =	vst v3;
	v3 =	vadd.s32 s20, v0  }
0x96: {  	s22 =	sadd.s32 $0x236, s17;
	v7 =	vadd.s32 s21, v0;
	v4 =	vld.idx.msk [tilespmem:v4+s12+$0x0], $0xffff  }
0x97: {  	v62 =	vadd.s32 s22, v0;
	v5 =	vld.idx.msk [tilespmem:v5+s12+$0x0], $0xffff  }
0x98: {  	v6 =	vld.idx.msk [tilespmem:v6+s12+$0x0], $0xffff  }
0x99: {  	v2 =	vld.idx.msk [tilespmem:v2+s12+$0x0], $0xffff  }
0x9a: {  	v3 =	vld.idx.msk [tilespmem:v3+s12+$0x0], $0xffff  }
0x9b: {  	v7 =	vld.idx.msk [tilespmem:v7+s12+$0x0], $0xffff  }
0x9c: {  	v8 =	vld.idx.msk [tilespmem:v62+s12+$0x0], $0xffff;
	vm4 =	vgt.f32 v5, v4;
	v4 =	vmax.f32 v4, v5  }
0x9d: {  	v5 =	vsel vm4, $0x3F800000, v1;
	vm5 =	vgt.f32 v6, v4;
	v4 =	vmax.f32 v4, v6  }
0x9e: {  	v5 =	vsel vm5, $0x40000000, v5;
	vm6 =	vgt.f32 v2, v4;
	v2 =	vmax.f32 v4, v2  }
0x9f: {  	v4 =	vsel vm6, $0x40400000, v5;
	vm7 =	vgt.f32 v3, v2;
	v2 =	vmax.f32 v2, v3  }
0xa0: {  	v3 =	vsel vm7, $0x40800000, v4;
	vm8 =	vgt.f32 v7, v2;
	v2 =	vmax.f32 v2, v7  }
0xa1: {  	s23 =	sadd.s32 $0x2A0, s17;
	v3 =	vsel vm8, $0x40A00000, v3;
	vm9 =	vgt.f32 v8, v2  }
0xa2: {  	s24 =	sadd.s32 $0x2A1, s17;
	v4 =	vadd.s32 s23, v0;
	v3 =	vsel vm9, $0x40C00000, v3  }
0xa3: {  	s15 =	sadd.s32 $0x2A2, s17;
	v5 =	vadd.s32 s24, v0;
	v3 =	vtrunc.f32 v3  }
0xa4: {  	s19 =	sadd.s32 $0x2A3, s17;
	v6 =	vadd.s32 s15, v0;
	v2 =	vmax.f32 v2, v8;
	v3 =	vcvt.f32.s32 v3  }
0xa5: {  	s20 =	sadd.s32 $0x2A4, s17;
	[tilespmem:s18+$0x10] =	vst v2;
	v2 =	vadd.s32 s19, v0  }
0xa6: {  	s21 =	sadd.s32 $0x2A5, s17;
	[tilespmem:s16+$0x10] =	vst v3;
	v3 =	vadd.s32 s20, v0  }
0xa7: {  	s22 =	sadd.s32 $0x2A6, s17;
	v7 =	vadd.s32 s21, v0;
	v4 =	vld.idx.msk [tilespmem:v4+s12+$0x0], $0xffff  }
0xa8: {  	v63 =	vadd.s32 s22, v0;
	v5 =	vld.idx.msk [tilespmem:v5+s12+$0x0], $0xffff  }
0xa9: {  	v6 =	vld.idx.msk [tilespmem:v6+s12+$0x0], $0xffff  }
0xaa: {  	v2 =	vld.idx.msk [tilespmem:v2+s12+$0x0], $0xffff  }
0xab: {  	v3 =	vld.idx.msk [tilespmem:v3+s12+$0x0], $0xffff  }
0xac: {  	v7 =	vld.idx.msk [tilespmem:v7+s12+$0x0], $0xffff  }
0xad: {  	v8 =	vld.idx.msk [tilespmem:v63+s12+$0x0], $0xffff;
	vm10 =	vgt.f32 v5, v4;
	v4 =	vmax.f32 v4, v5  }
0xae: {  	v5 =	vsel vm10, $0x3F800000, v1;
	vm11 =	vgt.f32 v6, v4;
	v4 =	vmax.f32 v4, v6  }
0xaf: {  	v5 =	vsel vm11, $0x40000000, v5;
	vm12 =	vgt.f32 v2, v4;
	v2 =	vmax.f32 v4, v2  }
0xb0: {  	v4 =	vsel vm12, $0x40400000, v5;
	vm13 =	vgt.f32 v3, v2;
	v2 =	vmax.f32 v2, v3  }
0xb1: {  	v3 =	vsel vm13, $0x40800000, v4;
	vm14 =	vgt.f32 v7, v2;
	v2 =	vmax.f32 v2, v7  }
0xb2: {  	s19 =	sadd.s32 $0x310, s17;
	v3 =	vsel vm14, $0x40A00000, v3;
	vm15 =	vgt.f32 v8, v2  }
0xb3: {  	s14 =	sshll.u32 s13, $0xC;
	s24 =	sadd.s32 $0x311, s17;
	s23 =	rddreg [dreg:$0x5];
	v2 =	vmax.f32 v2, v8;
	v4 =	vsel vm15, $0x40C00000, v3;
	v3 =	vadd.s32 s19, v0  }
0xb4: {  	s15 =	sadd.s32 $0x80, s18;
	s21 =	sadd.s32 $0x312, s17;
	s22 =	sadd.s32 $0x380, s23;
	[tilespmem:s18+$0x20] =	vst v2;
	v2 =	vadd.s32 s24, v0;
	v4 =	vtrunc.f32 v4  }
0xb5: {  	s20 =	simm.s32 $0x700;
	s19 =	smov.u32 s16;
	v5 =	vcvt.f32.s32 v4;
	v4 =	vadd.s32 s21, v0;
	s21 =	sadd.s32 $0x313, s17  }
.LBB2_3:
0xb6: {  	v7 =	vadd.s32 s21, v0;
	s24 =	sadd.s32 $0x314, s17  }
0xb7: {  	[tilespmem:s19+$0x20] =	vst v5;
	v5 =	vadd.s32 s24, v0;
	s24 =	sadd.s32 $0x315, s17  }
0xb8: {  	v3 =	vld.idx.msk [tilespmem:v3+s12+$0x0], $0xffff;
	v8 =	vadd.s32 s24, v0;
	s24 =	sadd.s32 $0x316, s17  }
0xb9: {  	v2 =	vld.idx.msk [tilespmem:v2+s12+$0x0], $0xffff;
	v9 =	vadd.s32 s24, v0  }
0xba: {  	v4 =	vld.idx.msk [tilespmem:v4+s12+$0x0], $0xffff  }
0xbb: {  	v6 =	vmov s22;
	v7 =	vld.idx.msk [tilespmem:v7+s12+$0x0], $0xffff  }
0xbc: {  	v6 =	vshrl.u32 v6, $0x7;
	v5 =	vld.idx.msk [tilespmem:v5+s12+$0x0], $0xffff  }
0xbd: {  	v6 =	vshll.u32 v6, $0x7;
	v8 =	vld.idx.msk [tilespmem:v8+s12+$0x0], $0xffff  }
0xbe: {  	v6 =	vbroadcast v6, $0x0;
	vm0 =	vgt.f32 v2, v3;
	v2 =	vmax.f32 v3, v2;
	v9 =	vld.idx.msk [tilespmem:v9+s12+$0x0], $0xffff  }
0xbf: {  	v3 =	vsel vm0, $0x3F800000, v1;
	vm5 =	vgt.f32 v4, v2;
	v2 =	vmax.f32 v2, v4  }
0xc0: {  	v3 =	vsel vm5, $0x40000000, v3;
	vm6 =	vgt.f32 v7, v2;
	v2 =	vmax.f32 v2, v7  }
0xc1: {  	v3 =	vsel vm6, $0x40400000, v3;
	vm7 =	vgt.f32 v5, v2;
	v2 =	vmax.f32 v2, v5  }
0xc2: {  	v3 =	vsel vm7, $0x40800000, v3;
	vm8 =	vgt.f32 v8, v2;
	v2 =	vmax.f32 v2, v8  }
0xc3: {  	s17 =	smov.u32 s22;
	v3 =	vsel vm8, $0x40A00000, v3;
	vm9 =	vgt.f32 v9, v2  }
0xc4: {  	s22 =	sadd.s32 $0x1, s17;
	v6 =	vor.u32 v0, v6;
	v2 =	vmax.f32 v2, v9;
	v3 =	vsel vm9, $0x40C00000, v3  }
0xc5: {  	v10 =	vadd.s32 s22, v0;
	s22 =	sadd.s32 $0x2, s17;
	[tilespmem:s18+$0x30] =	vst v2;
	v2 =	vtrunc.f32 v3  }
0xc6: {  	s24 =	sadd.s32 $0x3, s17;
	v11 =	vadd.s32 s22, v0;
	v2 =	vcvt.f32.s32 v2  }
0xc7: {  	v12 =	vadd.s32 s24, v0;
	s22 =	sadd.s32 $0x4, s17  }
0xc8: {  	s24 =	sadd.s32 $0x5, s17;
	v13 =	vadd.s32 s22, v0;
	[tilespmem:s19+$0x30] =	vst v2  }
0xc9: {  	s22 =	sadd.s32 $0x6, s17;
	v3 =	vadd.s32 s24, v0;
	v2 =	vld.idx.msk [tilespmem:v6+s12+$0x0], $0xffff  }
0xca: {  	v5 =	vadd.s32 s22, v0;
	v4 =	vld.idx.msk [tilespmem:v10+s12+$0x0], $0xffff  }
0xcb: {  	v6 =	vld.idx.msk [tilespmem:v11+s12+$0x0], $0xffff  }
0xcc: {  	v7 =	vld.idx.msk [tilespmem:v12+s12+$0x0], $0xffff  }
0xcd: {  	v57 =	vld.idx.msk [tilespmem:v13+s12+$0x0], $0xffff  }
0xce: {  	v3 =	vld.idx.msk [tilespmem:v3+s12+$0x0], $0xffff  }
0xcf: {  	v5 =	vld.idx.msk [tilespmem:v5+s12+$0x0], $0xffff;
	vm10 =	vgt.f32 v4, v2;
	v2 =	vmax.f32 v2, v4  }
0xd0: {  	v4 =	vsel vm10, $0x3F800000, v1;
	vm11 =	vgt.f32 v6, v2;
	v2 =	vmax.f32 v2, v6  }
0xd1: {  	v4 =	vsel vm11, $0x40000000, v4;
	vm12 =	vgt.f32 v7, v2;
	v2 =	vmax.f32 v2, v7  }
0xd2: {  	v4 =	vsel vm12, $0x40400000, v4;
	vm13 =	vgt.f32 v57, v2;
	v2 =	vmax.f32 v2, v57  }
0xd3: {  	v4 =	vsel vm13, $0x40800000, v4;
	vm14 =	vgt.f32 v3, v2;
	v2 =	vmax.f32 v2, v3  }
0xd4: {  	s24 =	sadd.s32 $0x70, s17;
	v3 =	vsel vm14, $0x40A00000, v4;
	vm15 =	vgt.f32 v5, v2  }
0xd5: {  	s22 =	sadd.s32 $0x71, s17;
	v4 =	vadd.s32 s24, v0;
	v3 =	vsel vm15, $0x40C00000, v3  }
0xd6: {  	v2 =	vmax.f32 v2, v5;
	v5 =	vadd.s32 s22, v0;
	s24 =	sadd.s32 $0x72, s17;
	v3 =	vtrunc.f32 v3  }
0xd7: {  	s22 =	sadd.s32 $0x73, s17;
	v6 =	vadd.s32 s24, v0;
	v3 =	vcvt.f32.s32 v3  }
0xd8: {  	s16 =	sadd.s32 $0x80, s16;
	[tilespmem:s15+$0xFFFFFFC0] =	vst v2;
	v2 =	vadd.s32 s22, v0;
	s24 =	sadd.s32 $0x74, s17  }
0xd9: {  	s22 =	sadd.s32 $0x75, s17;
	[tilespmem:s16+$0xFFFFFFC0] =	vst v3;
	v3 =	vadd.s32 s24, v0  }
0xda: {  	v7 =	vadd.s32 s22, v0;
	s24 =	sadd.s32 $0x76, s17;
	v4 =	vld.idx.msk [tilespmem:v4+s12+$0x0], $0xffff  }
0xdb: {  	v5 =	vld.idx.msk [tilespmem:v5+s12+$0x0], $0xffff;
	v58 =	vadd.s32 s24, v0  }
0xdc: {  	v6 =	vld.idx.msk [tilespmem:v6+s12+$0x0], $0xffff  }
0xdd: {  	v2 =	vld.idx.msk [tilespmem:v2+s12+$0x0], $0xffff  }
0xde: {  	v3 =	vld.idx.msk [tilespmem:v3+s12+$0x0], $0xffff  }
0xdf: {  	v7 =	vld.idx.msk [tilespmem:v7+s12+$0x0], $0xffff  }
0xe0: {  	v8 =	vld.idx.msk [tilespmem:v58+s12+$0x0], $0xffff;
	vm4 =	vgt.f32 v5, v4;
	v4 =	vmax.f32 v4, v5  }
0xe1: {  	v5 =	vsel vm4, $0x3F800000, v1;
	vm5 =	vgt.f32 v6, v4;
	v4 =	vmax.f32 v4, v6  }
0xe2: {  	v5 =	vsel vm5, $0x40000000, v5;
	vm6 =	vgt.f32 v2, v4;
	v2 =	vmax.f32 v4, v2  }
0xe3: {  	v4 =	vsel vm6, $0x40400000, v5;
	vm7 =	vgt.f32 v3, v2;
	v2 =	vmax.f32 v2, v3  }
0xe4: {  	v3 =	vsel vm7, $0x40800000, v4;
	vm8 =	vgt.f32 v7, v2;
	v2 =	vmax.f32 v2, v7  }
0xe5: {  	s22 =	sadd.s32 $0xE0, s17;
	v3 =	vsel vm8, $0x40A00000, v3;
	vm9 =	vgt.f32 v8, v2;
	v2 =	vmax.f32 v2, v8  }
0xe6: {  	s24 =	sadd.s32 $0xE1, s17;
	v3 =	vsel vm9, $0x40C00000, v3;
	[tilespmem:s15+$0xFFFFFFD0] =	vst v2;
	v2 =	vadd.s32 s22, v0  }
0xe7: {  	v4 =	vadd.s32 s24, v0;
	s22 =	sadd.s32 $0xE2, s17;
	v3 =	vtrunc.f32 v3  }
0xe8: {  	s24 =	sadd.s32 $0xE3, s17;
	v5 =	vadd.s32 s22, v0;
	v3 =	vcvt.f32.s32 v3  }
0xe9: {  	v6 =	vadd.s32 s24, v0;
	s22 =	sadd.s32 $0xE4, s17  }
0xea: {  	s24 =	sadd.s32 $0xE5, s17;
	[tilespmem:s16+$0xFFFFFFD0] =	vst v3;
	v3 =	vadd.s32 s22, v0  }
0xeb: {  	v7 =	vadd.s32 s24, v0;
	s22 =	sadd.s32 $0xE6, s17;
	v2 =	vld.idx.msk [tilespmem:v2+s12+$0x0], $0xffff  }
0xec: {  	v4 =	vld.idx.msk [tilespmem:v4+s12+$0x0], $0xffff;
	v59 =	vadd.s32 s22, v0  }
0xed: {  	v5 =	vld.idx.msk [tilespmem:v5+s12+$0x0], $0xffff  }
0xee: {  	v6 =	vld.idx.msk [tilespmem:v6+s12+$0x0], $0xffff  }
0xef: {  	v3 =	vld.idx.msk [tilespmem:v3+s12+$0x0], $0xffff  }
0xf0: {  	v7 =	vld.idx.msk [tilespmem:v7+s12+$0x0], $0xffff  }
0xf1: {  	v8 =	vld.idx.msk [tilespmem:v59+s12+$0x0], $0xffff;
	vm10 =	vgt.f32 v4, v2;
	v2 =	vmax.f32 v2, v4  }
0xf2: {  	v4 =	vsel vm10, $0x3F800000, v1;
	vm11 =	vgt.f32 v5, v2;
	v2 =	vmax.f32 v2, v5  }
0xf3: {  	v4 =	vsel vm11, $0x40000000, v4;
	vm12 =	vgt.f32 v6, v2;
	v2 =	vmax.f32 v2, v6  }
0xf4: {  	v4 =	vsel vm12, $0x40400000, v4;
	vm13 =	vgt.f32 v3, v2;
	v2 =	vmax.f32 v2, v3  }
0xf5: {  	v3 =	vsel vm13, $0x40800000, v4;
	vm14 =	vgt.f32 v7, v2;
	v2 =	vmax.f32 v2, v7  }
0xf6: {  	s24 =	sadd.s32 $0x150, s17;
	v3 =	vsel vm14, $0x40A00000, v3;
	vm15 =	vgt.f32 v8, v2;
	v2 =	vmax.f32 v2, v8  }
0xf7: {  	s22 =	sadd.s32 $0x151, s17;
	v3 =	vsel vm15, $0x40C00000, v3;
	[tilespmem:s15+$0xFFFFFFE0] =	vst v2;
	v2 =	vadd.s32 s24, v0  }
0xf8: {  	v4 =	vadd.s32 s22, v0;
	s24 =	sadd.s32 $0x152, s17;
	v3 =	vtrunc.f32 v3  }
0xf9: {  	s22 =	sadd.s32 $0x153, s17;
	v5 =	vadd.s32 s24, v0;
	v3 =	vcvt.f32.s32 v3  }
0xfa: {  	v6 =	vadd.s32 s22, v0;
	s24 =	sadd.s32 $0x154, s17  }
0xfb: {  	s22 =	sadd.s32 $0x155, s17;
	[tilespmem:s16+$0xFFFFFFE0] =	vst v3;
	v3 =	vadd.s32 s24, v0  }
0xfc: {  	v7 =	vadd.s32 s22, v0;
	s24 =	sadd.s32 $0x156, s17;
	v2 =	vld.idx.msk [tilespmem:v2+s12+$0x0], $0xffff  }
0xfd: {  	v4 =	vld.idx.msk [tilespmem:v4+s12+$0x0], $0xffff;
	v60 =	vadd.s32 s24, v0  }
0xfe: {  	v5 =	vld.idx.msk [tilespmem:v5+s12+$0x0], $0xffff  }
0xff: {  	v6 =	vld.idx.msk [tilespmem:v6+s12+$0x0], $0xffff  }
0x100: {  	v3 =	vld.idx.msk [tilespmem:v3+s12+$0x0], $0xffff  }
0x101: {  	v7 =	vld.idx.msk [tilespmem:v7+s12+$0x0], $0xffff  }
0x102: {  	v8 =	vld.idx.msk [tilespmem:v60+s12+$0x0], $0xffff;
	vm4 =	vgt.f32 v4, v2;
	v2 =	vmax.f32 v2, v4  }
0x103: {  	v4 =	vsel vm4, $0x3F800000, v1;
	vm5 =	vgt.f32 v5, v2;
	v2 =	vmax.f32 v2, v5  }
0x104: {  	v4 =	vsel vm5, $0x40000000, v4;
	vm6 =	vgt.f32 v6, v2;
	v2 =	vmax.f32 v2, v6  }
0x105: {  	v4 =	vsel vm6, $0x40400000, v4;
	vm7 =	vgt.f32 v3, v2;
	v2 =	vmax.f32 v2, v3  }
0x106: {  	v3 =	vsel vm7, $0x40800000, v4;
	vm8 =	vgt.f32 v7, v2;
	v2 =	vmax.f32 v2, v7  }
0x107: {  	s22 =	sadd.s32 $0x1C1, s17;
	v3 =	vsel vm8, $0x40A00000, v3;
	vm9 =	vgt.f32 v8, v2;
	v2 =	vmax.f32 v2, v8  }
0x108: {  	s24 =	sadd.s32 $0x1C0, s17;
	v3 =	vsel vm9, $0x40C00000, v3;
	[tilespmem:s15+$0xFFFFFFF0] =	vst v2;
	v2 =	vadd.s32 s22, v0  }
0x109: {  	v4 =	vadd.s32 s24, v0;
	s22 =	sadd.s32 $0x1C2, s17;
	v3 =	vtrunc.f32 v3  }
0x10a: {  	s24 =	sadd.s32 $0x1C3, s17;
	v5 =	vadd.s32 s22, v0;
	v3 =	vcvt.f32.s32 v3  }
0x10b: {  	v6 =	vadd.s32 s24, v0;
	s22 =	sadd.s32 $0x1C4, s17  }
0x10c: {  	s24 =	sadd.s32 $0x1C5, s17;
	[tilespmem:s16+$0xFFFFFFF0] =	vst v3;
	v3 =	vadd.s32 s22, v0  }
0x10d: {  	v7 =	vadd.s32 s24, v0;
	s22 =	sadd.s32 $0x1C6, s17;
	v2 =	vld.idx.msk [tilespmem:v2+s12+$0x0], $0xffff  }
0x10e: {  	v4 =	vld.idx.msk [tilespmem:v4+s12+$0x0], $0xffff;
	v61 =	vadd.s32 s22, v0  }
0x10f: {  	v5 =	vld.idx.msk [tilespmem:v5+s12+$0x0], $0xffff  }
0x110: {  	v6 =	vld.idx.msk [tilespmem:v6+s12+$0x0], $0xffff  }
0x111: {  	v3 =	vld.idx.msk [tilespmem:v3+s12+$0x0], $0xffff  }
0x112: {  	v7 =	vld.idx.msk [tilespmem:v7+s12+$0x0], $0xffff  }
0x113: {  	v8 =	vld.idx.msk [tilespmem:v61+s12+$0x0], $0xffff;
	vm10 =	vgt.f32 v2, v4;
	v2 =	vmax.f32 v4, v2  }
0x114: {  	v4 =	vsel vm10, $0x3F800000, v1;
	vm11 =	vgt.f32 v5, v2;
	v2 =	vmax.f32 v2, v5  }
0x115: {  	v4 =	vsel vm11, $0x40000000, v4;
	vm12 =	vgt.f32 v6, v2;
	v2 =	vmax.f32 v2, v6  }
0x116: {  	v4 =	vsel vm12, $0x40400000, v4;
	vm13 =	vgt.f32 v3, v2;
	v2 =	vmax.f32 v2, v3  }
0x117: {  	v3 =	vsel vm13, $0x40800000, v4;
	vm14 =	vgt.f32 v7, v2;
	v2 =	vmax.f32 v2, v7  }
0x118: {  	s24 =	sadd.s32 $0x230, s17;
	v3 =	vsel vm14, $0x40A00000, v3;
	vm15 =	vgt.f32 v8, v2;
	v2 =	vmax.f32 v2, v8  }
0x119: {  	s22 =	sadd.s32 $0x231, s17;
	v3 =	vsel vm15, $0x40C00000, v3;
	[tilespmem:s15+$0x0] =	vst v2;
	v2 =	vadd.s32 s24, v0  }
0x11a: {  	v4 =	vadd.s32 s22, v0;
	s24 =	sadd.s32 $0x232, s17;
	v3 =	vtrunc.f32 v3  }
0x11b: {  	s22 =	sadd.s32 $0x233, s17;
	v5 =	vadd.s32 s24, v0;
	v3 =	vcvt.f32.s32 v3  }
0x11c: {  	v6 =	vadd.s32 s22, v0;
	s24 =	sadd.s32 $0x234, s17  }
0x11d: {  	s22 =	sadd.s32 $0x235, s17;
	[tilespmem:s16+$0x0] =	vst v3;
	v3 =	vadd.s32 s24, v0  }
0x11e: {  	v7 =	vadd.s32 s22, v0;
	s24 =	sadd.s32 $0x236, s17;
	v2 =	vld.idx.msk [tilespmem:v2+s12+$0x0], $0xffff  }
0x11f: {  	v4 =	vld.idx.msk [tilespmem:v4+s12+$0x0], $0xffff;
	v62 =	vadd.s32 s24, v0  }
0x120: {  	v5 =	vld.idx.msk [tilespmem:v5+s12+$0x0], $0xffff  }
0x121: {  	v6 =	vld.idx.msk [tilespmem:v6+s12+$0x0], $0xffff  }
0x122: {  	v3 =	vld.idx.msk [tilespmem:v3+s12+$0x0], $0xffff  }
0x123: {  	v7 =	vld.idx.msk [tilespmem:v7+s12+$0x0], $0xffff  }
0x124: {  	v8 =	vld.idx.msk [tilespmem:v62+s12+$0x0], $0xffff;
	vm4 =	vgt.f32 v4, v2;
	v2 =	vmax.f32 v2, v4  }
0x125: {  	v4 =	vsel vm4, $0x3F800000, v1;
	vm5 =	vgt.f32 v5, v2;
	v2 =	vmax.f32 v2, v5  }
0x126: {  	v4 =	vsel vm5, $0x40000000, v4;
	vm6 =	vgt.f32 v6, v2;
	v2 =	vmax.f32 v2, v6  }
0x127: {  	v4 =	vsel vm6, $0x40400000, v4;
	vm7 =	vgt.f32 v3, v2;
	v2 =	vmax.f32 v2, v3  }
0x128: {  	v3 =	vsel vm7, $0x40800000, v4;
	vm8 =	vgt.f32 v7, v2;
	v2 =	vmax.f32 v2, v7  }
0x129: {  	s22 =	sadd.s32 $0x2A0, s17;
	v3 =	vsel vm8, $0x40A00000, v3;
	vm9 =	vgt.f32 v8, v2;
	v2 =	vmax.f32 v2, v8  }
0x12a: {  	s24 =	sadd.s32 $0x2A1, s17;
	v3 =	vsel vm9, $0x40C00000, v3;
	[tilespmem:s15+$0x10] =	vst v2;
	v2 =	vadd.s32 s22, v0  }
0x12b: {  	v4 =	vadd.s32 s24, v0;
	s22 =	sadd.s32 $0x2A2, s17;
	v3 =	vtrunc.f32 v3  }
0x12c: {  	s24 =	sadd.s32 $0x2A3, s17;
	v5 =	vadd.s32 s22, v0;
	v3 =	vcvt.f32.s32 v3  }
0x12d: {  	v6 =	vadd.s32 s24, v0;
	s22 =	sadd.s32 $0x2A4, s17  }
0x12e: {  	s24 =	sadd.s32 $0x2A5, s17;
	[tilespmem:s16+$0x10] =	vst v3;
	v3 =	vadd.s32 s22, v0  }
0x12f: {  	v7 =	vadd.s32 s24, v0;
	s22 =	sadd.s32 $0x2A6, s17;
	v2 =	vld.idx.msk [tilespmem:v2+s12+$0x0], $0xffff  }
0x130: {  	v4 =	vld.idx.msk [tilespmem:v4+s12+$0x0], $0xffff;
	v63 =	vadd.s32 s22, v0  }
0x131: {  	v5 =	vld.idx.msk [tilespmem:v5+s12+$0x0], $0xffff  }
0x132: {  	v6 =	vld.idx.msk [tilespmem:v6+s12+$0x0], $0xffff  }
0x133: {  	v3 =	vld.idx.msk [tilespmem:v3+s12+$0x0], $0xffff  }
0x134: {  	v7 =	vld.idx.msk [tilespmem:v7+s12+$0x0], $0xffff  }
0x135: {  	v8 =	vld.idx.msk [tilespmem:v63+s12+$0x0], $0xffff;
	vm10 =	vgt.f32 v4, v2;
	v2 =	vmax.f32 v2, v4  }
0x136: {  	v4 =	vsel vm10, $0x3F800000, v1;
	vm11 =	vgt.f32 v5, v2;
	v2 =	vmax.f32 v2, v5  }
0x137: {  	v4 =	vsel vm11, $0x40000000, v4;
	vm12 =	vgt.f32 v6, v2;
	v2 =	vmax.f32 v2, v6  }
0x138: {  	p1 =	sne.s32 s20, $0x6C80;
	v4 =	vsel vm12, $0x40400000, v4;
	vm13 =	vgt.f32 v3, v2;
	v2 =	vmax.f32 v2, v3  }
.Ltmp0:
0x139: {  	v3 =	vsel vm13, $0x40800000, v4;
	vm14 =	vgt.f32 v7, v2;
	v2 =	vmax.f32 v2, v7;
	(pc) =	sbr.rel @p1 .LBB2_3-.Ltmp0, $4  }
0x13a: {  	s21 =	smov.u32 s20;
	s23 =	sadd.s32 $0x380, s20;
	s24 =	sadd.s32 $0x310, s17;
	v3 =	vsel vm14, $0x40A00000, v3;
	vm15 =	vgt.f32 v8, v2  }
0x13b: {  	s20 =	rddreg [dreg:$0x5];
	s18 =	smov.u32 s15;
	v2 =	vmax.f32 v2, v8;
	v4 =	vsel vm15, $0x40C00000, v3;
	v3 =	vadd.s32 s24, v0;
	s24 =	sadd.s32 $0x311, s17  }
0x13c: {  	s19 =	smov.u32 s16;
	s22 =	sadd.s32 s21, s20;
	[tilespmem:s15+$0x20] =	vst v2;
	v4 =	vtrunc.f32 v4;
	v2 =	vadd.s32 s24, v0;
	s24 =	sadd.s32 $0x312, s17  }
0x13d: {  	s21 =	sadd.s32 $0x313, s17;
	s20 =	smov.u32 s23;
	s15 =	sadd.s32 $0x80, s15;
	v5 =	vcvt.f32.s32 v4;
	v4 =	vadd.s32 s24, v0  }
0x13e: {  	_ =	sdelay $0x1  }
0x13f: {  	v6 =	vadd.s32 s21, v0;
	s20 =	sadd.s32 $0x314, s17  }
0x140: {  	s23 =	sadd.s32 $0x315, s17;
	[tilespmem:s19+$0x20] =	vst v5;
	v59 =	vadd.s32 s20, v0  }
0x141: {  	s24 =	sadd.s32 $0x316, s17;
	v7 =	vadd.s32 s23, v0;
	v3 =	vld.idx.msk [tilespmem:v3+s12+$0x0], $0xffff  }
0x142: {  	v8 =	vadd.s32 s24, v0;
	v2 =	vld.idx.msk [tilespmem:v2+s12+$0x0], $0xffff  }
0x143: {  	v4 =	vld.idx.msk [tilespmem:v4+s12+$0x0], $0xffff  }
0x144: {  	v9 =	vmov s22;
	v6 =	vld.idx.msk [tilespmem:v6+s12+$0x0], $0xffff  }
0x145: {  	v9 =	vshrl.u32 v9, $0x7;
	v5 =	vld.idx.msk [tilespmem:v59+s12+$0x0], $0xffff  }
0x146: {  	v9 =	vshll.u32 v9, $0x7;
	v7 =	vld.idx.msk [tilespmem:v7+s12+$0x0], $0xffff  }
0x147: {  	v9 =	vbroadcast v9, $0x0;
	v8 =	vld.idx.msk [tilespmem:v8+s12+$0x0], $0xffff;
	vm0 =	vgt.f32 v2, v3;
	v2 =	vmax.f32 v3, v2  }
0x148: {  	v3 =	vsel vm0, $0x3F800000, v1;
	vm11 =	vgt.f32 v4, v2;
	v2 =	vmax.f32 v2, v4  }
0x149: {  	v3 =	vsel vm11, $0x40000000, v3;
	vm12 =	vgt.f32 v6, v2;
	v2 =	vmax.f32 v2, v6  }
0x14a: {  	v3 =	vsel vm12, $0x40400000, v3;
	vm13 =	vgt.f32 v5, v2;
	v2 =	vmax.f32 v2, v5  }
0x14b: {  	v3 =	vsel vm13, $0x40800000, v3;
	vm14 =	vgt.f32 v7, v2;
	v2 =	vmax.f32 v2, v7  }
0x14c: {  	v3 =	vsel vm14, $0x40A00000, v3;
	vm15 =	vgt.f32 v8, v2  }
0x14d: {  	s20 =	sadd.s32 $0x1, s22;
	v60 =	vor.u32 v0, v9;
	v3 =	vsel vm15, $0x40C00000, v3  }
0x14e: {  	s21 =	sadd.s32 $0x2, s22;
	v61 =	vadd.s32 s20, v0;
	v3 =	vtrunc.f32 v3  }
0x14f: {  	v62 =	vadd.s32 s21, v0;
	s23 =	sadd.s32 $0x3, s22;
	v2 =	vmax.f32 v2, v8;
	v3 =	vcvt.f32.s32 v3  }
0x150: {  	s24 =	sadd.s32 $0x4, s22;
	v63 =	vadd.s32 s23, v0;
	[tilespmem:s18+$0x30] =	vst v2  }
0x151: {  	s20 =	sadd.s32 $0x5, s22;
	v2 =	vadd.s32 s24, v0;
	[tilespmem:s19+$0x30] =	vst v3  }
0x152: {  	s21 =	sadd.s32 $0x6, s22;
	v12 =	vadd.s32 s20, v0;
	v3 =	vld.idx.msk [tilespmem:v60+s12+$0x0], $0xffff  }
0x153: {  	v13 =	vadd.s32 s21, v0;
	v5 =	vld.idx.msk [tilespmem:v61+s12+$0x0], $0xffff  }
0x154: {  	v6 =	vld.idx.msk [tilespmem:v62+s12+$0x0], $0xffff  }
0x155: {  	v7 =	vld.idx.msk [tilespmem:v63+s12+$0x0], $0xffff  }
0x156: {  	v2 =	vld.idx.msk [tilespmem:v2+s12+$0x0], $0xffff  }
0x157: {  	v4 =	vld.idx.msk [tilespmem:v12+s12+$0x0], $0xffff  }
0x158: {  	v8 =	vld.idx.msk [tilespmem:v13+s12+$0x0], $0xffff;
	vm4 =	vgt.f32 v5, v3;
	v3 =	vmax.f32 v3, v5  }
0x159: {  	v14 =	vsel vm4, $0x3F800000, v1;
	vm5 =	vgt.f32 v6, v3;
	v3 =	vmax.f32 v3, v6  }
0x15a: {  	v5 =	vsel vm5, $0x40000000, v14;
	vm6 =	vgt.f32 v7, v3;
	v3 =	vmax.f32 v3, v7  }
0x15b: {  	v5 =	vsel vm6, $0x40400000, v5;
	vm7 =	vgt.f32 v2, v3;
	v2 =	vmax.f32 v3, v2  }
0x15c: {  	v3 =	vsel vm7, $0x40800000, v5;
	vm8 =	vgt.f32 v4, v2;
	v2 =	vmax.f32 v2, v4  }
0x15d: {  	s23 =	sadd.s32 $0x70, s22;
	v3 =	vsel vm8, $0x40A00000, v3;
	vm9 =	vgt.f32 v8, v2  }
0x15e: {  	v15 =	vadd.s32 s23, v0;
	s24 =	sadd.s32 $0x71, s22;
	v3 =	vsel vm9, $0x40C00000, v3  }
0x15f: {  	s18 =	sadd.s32 $0x72, s22;
	v16 =	vadd.s32 s24, v0;
	v3 =	vtrunc.f32 v3  }
0x160: {  	v17 =	vadd.s32 s18, v0;
	s19 =	sadd.s32 $0x73, s22;
	v2 =	vmax.f32 v2, v8;
	v3 =	vcvt.f32.s32 v3  }
0x161: {  	s16 =	sadd.s32 $0x80, s16;
	s20 =	sadd.s32 $0x74, s22;
	[tilespmem:s15+$0xFFFFFFC0] =	vst v2;
	v2 =	vadd.s32 s19, v0  }
0x162: {  	s21 =	sadd.s32 $0x75, s22;
	[tilespmem:s16+$0xFFFFFFC0] =	vst v3;
	v3 =	vadd.s32 s20, v0  }
0x163: {  	v18 =	vadd.s32 s21, v0;
	s23 =	sadd.s32 $0x76, s22;
	v4 =	vld.idx.msk [tilespmem:v15+s12+$0x0], $0xffff  }
0x164: {  	v19 =	vadd.s32 s23, v0;
	v5 =	vld.idx.msk [tilespmem:v16+s12+$0x0], $0xffff  }
0x165: {  	v6 =	vld.idx.msk [tilespmem:v17+s12+$0x0], $0xffff  }
0x166: {  	v2 =	vld.idx.msk [tilespmem:v2+s12+$0x0], $0xffff  }
0x167: {  	v3 =	vld.idx.msk [tilespmem:v3+s12+$0x0], $0xffff  }
0x168: {  	v7 =	vld.idx.msk [tilespmem:v18+s12+$0x0], $0xffff  }
0x169: {  	v8 =	vld.idx.msk [tilespmem:v19+s12+$0x0], $0xffff;
	vm10 =	vgt.f32 v5, v4;
	v4 =	vmax.f32 v4, v5  }
0x16a: {  	v20 =	vsel vm10, $0x3F800000, v1;
	vm11 =	vgt.f32 v6, v4;
	v4 =	vmax.f32 v4, v6  }
0x16b: {  	v5 =	vsel vm11, $0x40000000, v20;
	vm12 =	vgt.f32 v2, v4;
	v2 =	vmax.f32 v4, v2  }
0x16c: {  	v21 =	vsel vm12, $0x40400000, v5;
	vm13 =	vgt.f32 v3, v2;
	v2 =	vmax.f32 v2, v3  }
0x16d: {  	v3 =	vsel vm13, $0x40800000, v21;
	vm14 =	vgt.f32 v7, v2;
	v2 =	vmax.f32 v2, v7  }
0x16e: {  	s24 =	sadd.s32 $0xE0, s22;
	v3 =	vsel vm14, $0x40A00000, v3;
	vm15 =	vgt.f32 v8, v2  }
0x16f: {  	s18 =	sadd.s32 $0xE1, s22;
	v22 =	vadd.s32 s24, v0;
	v3 =	vsel vm15, $0x40C00000, v3  }
0x170: {  	v23 =	vadd.s32 s18, v0;
	s19 =	sadd.s32 $0xE2, s22;
	v3 =	vtrunc.f32 v3  }
0x171: {  	v24 =	vadd.s32 s19, v0;
	s20 =	sadd.s32 $0xE3, s22;
	v2 =	vmax.f32 v2, v8;
	v3 =	vcvt.f32.s32 v3  }
0x172: {  	s21 =	sadd.s32 $0xE4, s22;
	[tilespmem:s15+$0xFFFFFFD0] =	vst v2;
	v2 =	vadd.s32 s20, v0  }
0x173: {  	s23 =	sadd.s32 $0xE5, s22;
	[tilespmem:s16+$0xFFFFFFD0] =	vst v3;
	v3 =	vadd.s32 s21, v0  }
0x174: {  	v25 =	vadd.s32 s23, v0;
	s24 =	sadd.s32 $0xE6, s22;
	v4 =	vld.idx.msk [tilespmem:v22+s12+$0x0], $0xffff  }
0x175: {  	v26 =	vadd.s32 s24, v0;
	v5 =	vld.idx.msk [tilespmem:v23+s12+$0x0], $0xffff  }
0x176: {  	v6 =	vld.idx.msk [tilespmem:v24+s12+$0x0], $0xffff  }
0x177: {  	v2 =	vld.idx.msk [tilespmem:v2+s12+$0x0], $0xffff  }
0x178: {  	v3 =	vld.idx.msk [tilespmem:v3+s12+$0x0], $0xffff  }
0x179: {  	v7 =	vld.idx.msk [tilespmem:v25+s12+$0x0], $0xffff  }
0x17a: {  	v8 =	vld.idx.msk [tilespmem:v26+s12+$0x0], $0xffff;
	vm4 =	vgt.f32 v5, v4;
	v4 =	vmax.f32 v4, v5  }
0x17b: {  	v27 =	vsel vm4, $0x3F800000, v1;
	vm5 =	vgt.f32 v6, v4;
	v4 =	vmax.f32 v4, v6  }
0x17c: {  	v5 =	vsel vm5, $0x40000000, v27;
	vm6 =	vgt.f32 v2, v4;
	v2 =	vmax.f32 v4, v2  }
0x17d: {  	v28 =	vsel vm6, $0x40400000, v5;
	vm7 =	vgt.f32 v3, v2;
	v2 =	vmax.f32 v2, v3  }
0x17e: {  	v3 =	vsel vm7, $0x40800000, v28;
	vm8 =	vgt.f32 v7, v2;
	v2 =	vmax.f32 v2, v7  }
0x17f: {  	s18 =	sadd.s32 $0x150, s22;
	v3 =	vsel vm8, $0x40A00000, v3;
	vm9 =	vgt.f32 v8, v2  }
0x180: {  	v29 =	vadd.s32 s18, v0;
	s19 =	sadd.s32 $0x151, s22;
	v3 =	vsel vm9, $0x40C00000, v3  }
0x181: {  	v30 =	vadd.s32 s19, v0;
	s20 =	sadd.s32 $0x152, s22;
	v3 =	vtrunc.f32 v3  }
0x182: {  	v31 =	vadd.s32 s20, v0;
	s21 =	sadd.s32 $0x153, s22;
	v2 =	vmax.f32 v2, v8;
	v3 =	vcvt.f32.s32 v3  }
0x183: {  	s23 =	sadd.s32 $0x154, s22;
	[tilespmem:s15+$0xFFFFFFE0] =	vst v2;
	v2 =	vadd.s32 s21, v0  }
0x184: {  	s24 =	sadd.s32 $0x155, s22;
	[tilespmem:s16+$0xFFFFFFE0] =	vst v3;
	v3 =	vadd.s32 s23, v0  }
0x185: {  	s18 =	sadd.s32 $0x156, s22;
	v32 =	vadd.s32 s24, v0;
	v4 =	vld.idx.msk [tilespmem:v29+s12+$0x0], $0xffff  }
0x186: {  	v33 =	vadd.s32 s18, v0;
	v5 =	vld.idx.msk [tilespmem:v30+s12+$0x0], $0xffff  }
0x187: {  	v6 =	vld.idx.msk [tilespmem:v31+s12+$0x0], $0xffff  }
0x188: {  	v2 =	vld.idx.msk [tilespmem:v2+s12+$0x0], $0xffff  }
0x189: {  	v3 =	vld.idx.msk [tilespmem:v3+s12+$0x0], $0xffff  }
0x18a: {  	v7 =	vld.idx.msk [tilespmem:v32+s12+$0x0], $0xffff  }
0x18b: {  	v8 =	vld.idx.msk [tilespmem:v33+s12+$0x0], $0xffff;
	vm10 =	vgt.f32 v5, v4;
	v4 =	vmax.f32 v4, v5  }
0x18c: {  	v34 =	vsel vm10, $0x3F800000, v1;
	vm11 =	vgt.f32 v6, v4;
	v4 =	vmax.f32 v4, v6  }
0x18d: {  	v5 =	vsel vm11, $0x40000000, v34;
	vm12 =	vgt.f32 v2, v4;
	v2 =	vmax.f32 v4, v2  }
0x18e: {  	v35 =	vsel vm12, $0x40400000, v5;
	vm13 =	vgt.f32 v3, v2;
	v2 =	vmax.f32 v2, v3  }
0x18f: {  	v3 =	vsel vm13, $0x40800000, v35;
	vm14 =	vgt.f32 v7, v2;
	v2 =	vmax.f32 v2, v7  }
0x190: {  	s19 =	sadd.s32 $0x1C1, s22;
	v3 =	vsel vm14, $0x40A00000, v3;
	vm15 =	vgt.f32 v8, v2  }
0x191: {  	v36 =	vadd.s32 s19, v0;
	s20 =	sadd.s32 $0x1C0, s22;
	v3 =	vsel vm15, $0x40C00000, v3  }
0x192: {  	v37 =	vadd.s32 s20, v0;
	s21 =	sadd.s32 $0x1C2, s22;
	v3 =	vtrunc.f32 v3  }
0x193: {  	v38 =	vadd.s32 s21, v0;
	s23 =	sadd.s32 $0x1C3, s22;
	v2 =	vmax.f32 v2, v8;
	v3 =	vcvt.f32.s32 v3  }
0x194: {  	s24 =	sadd.s32 $0x1C4, s22;
	[tilespmem:s15+$0xFFFFFFF0] =	vst v2;
	v2 =	vadd.s32 s23, v0  }
0x195: {  	s18 =	sadd.s32 $0x1C5, s22;
	[tilespmem:s16+$0xFFFFFFF0] =	vst v3;
	v3 =	vadd.s32 s24, v0  }
0x196: {  	v39 =	vadd.s32 s18, v0;
	s19 =	sadd.s32 $0x1C6, s22;
	v4 =	vld.idx.msk [tilespmem:v36+s12+$0x0], $0xffff  }
0x197: {  	v40 =	vadd.s32 s19, v0;
	v5 =	vld.idx.msk [tilespmem:v37+s12+$0x0], $0xffff  }
0x198: {  	v6 =	vld.idx.msk [tilespmem:v38+s12+$0x0], $0xffff  }
0x199: {  	v2 =	vld.idx.msk [tilespmem:v2+s12+$0x0], $0xffff  }
0x19a: {  	v3 =	vld.idx.msk [tilespmem:v3+s12+$0x0], $0xffff  }
0x19b: {  	v7 =	vld.idx.msk [tilespmem:v39+s12+$0x0], $0xffff  }
0x19c: {  	v8 =	vld.idx.msk [tilespmem:v40+s12+$0x0], $0xffff;
	vm4 =	vgt.f32 v4, v5;
	v4 =	vmax.f32 v5, v4  }
0x19d: {  	v41 =	vsel vm4, $0x3F800000, v1;
	vm5 =	vgt.f32 v6, v4;
	v4 =	vmax.f32 v4, v6  }
0x19e: {  	v5 =	vsel vm5, $0x40000000, v41;
	vm6 =	vgt.f32 v2, v4;
	v2 =	vmax.f32 v4, v2  }
0x19f: {  	v42 =	vsel vm6, $0x40400000, v5;
	vm7 =	vgt.f32 v3, v2;
	v2 =	vmax.f32 v2, v3  }
0x1a0: {  	v3 =	vsel vm7, $0x40800000, v42;
	vm8 =	vgt.f32 v7, v2;
	v2 =	vmax.f32 v2, v7  }
0x1a1: {  	s20 =	sadd.s32 $0x230, s22;
	v3 =	vsel vm8, $0x40A00000, v3;
	vm9 =	vgt.f32 v8, v2  }
0x1a2: {  	v43 =	vadd.s32 s20, v0;
	s21 =	sadd.s32 $0x231, s22;
	v3 =	vsel vm9, $0x40C00000, v3  }
0x1a3: {  	v44 =	vadd.s32 s21, v0;
	s23 =	sadd.s32 $0x232, s22;
	v3 =	vtrunc.f32 v3  }
0x1a4: {  	v45 =	vadd.s32 s23, v0;
	s24 =	sadd.s32 $0x233, s22;
	v2 =	vmax.f32 v2, v8;
	v3 =	vcvt.f32.s32 v3  }
0x1a5: {  	s18 =	sadd.s32 $0x234, s22;
	[tilespmem:s15+$0x0] =	vst v2;
	v2 =	vadd.s32 s24, v0  }
0x1a6: {  	s19 =	sadd.s32 $0x235, s22;
	[tilespmem:s16+$0x0] =	vst v3;
	v3 =	vadd.s32 s18, v0  }
0x1a7: {  	v46 =	vadd.s32 s19, v0;
	s20 =	sadd.s32 $0x236, s22;
	v4 =	vld.idx.msk [tilespmem:v43+s12+$0x0], $0xffff  }
0x1a8: {  	v47 =	vadd.s32 s20, v0;
	v5 =	vld.idx.msk [tilespmem:v44+s12+$0x0], $0xffff  }
0x1a9: {  	v6 =	vld.idx.msk [tilespmem:v45+s12+$0x0], $0xffff  }
0x1aa: {  	v2 =	vld.idx.msk [tilespmem:v2+s12+$0x0], $0xffff  }
0x1ab: {  	v3 =	vld.idx.msk [tilespmem:v3+s12+$0x0], $0xffff  }
0x1ac: {  	v7 =	vld.idx.msk [tilespmem:v46+s12+$0x0], $0xffff  }
0x1ad: {  	v8 =	vld.idx.msk [tilespmem:v47+s12+$0x0], $0xffff;
	vm10 =	vgt.f32 v5, v4;
	v4 =	vmax.f32 v4, v5  }
0x1ae: {  	v48 =	vsel vm10, $0x3F800000, v1;
	vm11 =	vgt.f32 v6, v4;
	v4 =	vmax.f32 v4, v6  }
0x1af: {  	v5 =	vsel vm11, $0x40000000, v48;
	vm12 =	vgt.f32 v2, v4;
	v2 =	vmax.f32 v4, v2  }
0x1b0: {  	v49 =	vsel vm12, $0x40400000, v5;
	vm13 =	vgt.f32 v3, v2;
	v2 =	vmax.f32 v2, v3  }
0x1b1: {  	v3 =	vsel vm13, $0x40800000, v49;
	vm14 =	vgt.f32 v7, v2;
	v2 =	vmax.f32 v2, v7  }
0x1b2: {  	s21 =	sadd.s32 $0x2A0, s22;
	v3 =	vsel vm14, $0x40A00000, v3;
	vm15 =	vgt.f32 v8, v2  }
0x1b3: {  	v50 =	vadd.s32 s21, v0;
	s23 =	sadd.s32 $0x2A1, s22;
	v3 =	vsel vm15, $0x40C00000, v3  }
0x1b4: {  	v51 =	vadd.s32 s23, v0;
	s24 =	sadd.s32 $0x2A2, s22;
	v3 =	vtrunc.f32 v3  }
0x1b5: {  	v52 =	vadd.s32 s24, v0;
	s18 =	sadd.s32 $0x2A3, s22;
	v2 =	vmax.f32 v2, v8;
	v3 =	vcvt.f32.s32 v3  }
0x1b6: {  	s19 =	sadd.s32 $0x2A4, s22;
	[tilespmem:s15+$0x10] =	vst v2;
	v2 =	vadd.s32 s18, v0  }
0x1b7: {  	s20 =	sadd.s32 $0x2A5, s22;
	[tilespmem:s16+$0x10] =	vst v3;
	v3 =	vadd.s32 s19, v0  }
0x1b8: {  	v53 =	vadd.s32 s20, v0;
	s21 =	sadd.s32 $0x2A6, s22;
	v4 =	vld.idx.msk [tilespmem:v50+s12+$0x0], $0xffff  }
0x1b9: {  	v54 =	vadd.s32 s21, v0;
	v5 =	vld.idx.msk [tilespmem:v51+s12+$0x0], $0xffff  }
0x1ba: {  	v6 =	vld.idx.msk [tilespmem:v52+s12+$0x0], $0xffff  }
0x1bb: {  	v2 =	vld.idx.msk [tilespmem:v2+s12+$0x0], $0xffff  }
0x1bc: {  	v3 =	vld.idx.msk [tilespmem:v3+s12+$0x0], $0xffff  }
0x1bd: {  	v7 =	vld.idx.msk [tilespmem:v53+s12+$0x0], $0xffff  }
0x1be: {  	v8 =	vld.idx.msk [tilespmem:v54+s12+$0x0], $0xffff;
	vm4 =	vgt.f32 v5, v4;
	v4 =	vmax.f32 v4, v5  }
0x1bf: {  	v55 =	vsel vm4, $0x3F800000, v1;
	vm5 =	vgt.f32 v6, v4;
	v4 =	vmax.f32 v4, v6  }
0x1c0: {  	v5 =	vsel vm5, $0x40000000, v55;
	vm6 =	vgt.f32 v2, v4;
	v2 =	vmax.f32 v4, v2  }
0x1c1: {  	v56 =	vsel vm6, $0x40400000, v5;
	vm7 =	vgt.f32 v3, v2;
	v2 =	vmax.f32 v2, v3  }
0x1c2: {  	v3 =	vsel vm7, $0x40800000, v56;
	vm8 =	vgt.f32 v7, v2;
	v2 =	vmax.f32 v2, v7  }
0x1c3: {  	s23 =	sadd.s32 $0x310, s22;
	v3 =	vsel vm8, $0x40A00000, v3;
	vm9 =	vgt.f32 v8, v2  }
0x1c4: {  	v57 =	vadd.s32 s23, v0;
	s24 =	sadd.s32 $0x311, s22;
	v3 =	vsel vm9, $0x40C00000, v3  }
0x1c5: {  	v58 =	vadd.s32 s24, v0;
	s18 =	sadd.s32 $0x312, s22;
	v3 =	vtrunc.f32 v3  }
0x1c6: {  	v59 =	vadd.s32 s18, v0;
	s19 =	sadd.s32 $0x313, s22;
	v2 =	vmax.f32 v2, v8;
	v3 =	vcvt.f32.s32 v3  }
0x1c7: {  	s20 =	sadd.s32 $0x314, s22;
	[tilespmem:s15+$0x20] =	vst v2;
	v2 =	vadd.s32 s19, v0  }
0x1c8: {  	s21 =	sadd.s32 $0x315, s22;
	[tilespmem:s16+$0x20] =	vst v3;
	v3 =	vadd.s32 s20, v0  }
0x1c9: {  	v60 =	vadd.s32 s21, v0;
	s22 =	sadd.s32 $0x316, s22;
	v4 =	vld.idx.msk [tilespmem:v57+s12+$0x0], $0xffff  }
0x1ca: {  	v61 =	vadd.s32 s22, v0;
	v5 =	vld.idx.msk [tilespmem:v58+s12+$0x0], $0xffff  }
0x1cb: {  	v6 =	vld.idx.msk [tilespmem:v59+s12+$0x0], $0xffff  }
0x1cc: {  	v2 =	vld.idx.msk [tilespmem:v2+s12+$0x0], $0xffff  }
0x1cd: {  	v3 =	vld.idx.msk [tilespmem:v3+s12+$0x0], $0xffff  }
0x1ce: {  	v7 =	vld.idx.msk [tilespmem:v60+s12+$0x0], $0xffff  }
0x1cf: {  	v8 =	vld.idx.msk [tilespmem:v61+s12+$0x0], $0xffff;
	vm10 =	vgt.f32 v5, v4;
	v4 =	vmax.f32 v4, v5  }
0x1d0: {  	v62 =	vsel vm10, $0x3F800000, v1;
	vm11 =	vgt.f32 v6, v4;
	v4 =	vmax.f32 v4, v6  }
0x1d1: {  	v5 =	vsel vm11, $0x40000000, v62;
	vm12 =	vgt.f32 v2, v4;
	v2 =	vmax.f32 v4, v2  }
0x1d2: {  	v63 =	vsel vm12, $0x40400000, v5;
	vm13 =	vgt.f32 v3, v2;
	v2 =	vmax.f32 v2, v3  }
0x1d3: {  	v3 =	vsel vm13, $0x40800000, v63;
	vm14 =	vgt.f32 v7, v2;
	v2 =	vmax.f32 v2, v7  }
0x1d4: {  	v3 =	vsel vm14, $0x40A00000, v3;
	vm15 =	vgt.f32 v8, v2  }
0x1d5: {  	s23 =	sshll.u32 s2, $0xC;
	v3 =	vsel vm15, $0x40C00000, v3  }
0x1d6: {  	s17 =	sadd.s32 s8, s23;
	v3 =	vtrunc.f32 v3  }
0x1d7: {  	s24 =	sshrl.u32 s17, $0x3;
	v2 =	vmax.f32 v2, v8;
	v3 =	vcvt.f32.s32 v3  }
0x1d8: {  	s21 =	sadd.s32 s3, s24;
	s22 =	smul.u32 $0x1C000, s13;
	s19 =	sadd.s32 $0x3, s13;
	[tilespmem:s15+$0x30] =	vst v2  }
0x1d9: {  	s20 =	sadd.s32 $0x13780, s14;
	s15 =	sadd.s32 s4, s24;
	s24 =	smul.u32 $0x380, s2;
	[tilespmem:s16+$0x30] =	vst v3  }
0x1da: {  	[hbm4b:s21+s5] =	stream.linear.scatter [tilespmem:s20], [sflag:s19], $0x1000, $0x38;
	[tilespmem:$0x17780] =	vst v63  }
0x1db: {  	s23 =	sadd.s32 $0x15780, s14;
	s13 =	sshrl.u32 s22, $0x2;
	s18 =	sshra.s32 s24, $0x2  }
0x1dc: {  	[hbm4b:s15+s5] =	stream.linear.scatter [tilespmem:s23], [sflag:s19], $0x1000, $0x38;
	[tilespmem:$0x17780] =	vst v63  }
0x1dd: {  	s2 =	sadd.s32 $0x1, s2;
	s20 =	sadd.s32 $0x1C0, s18;
	s19 =	sadd.s32 $0x5780, s13  }
0x1de: {  	[tilespmem:s19], [sflag:s0] =	stream.indirect.gather [hbm4b:s1+s11], $0x80, s20, s11, $0xb8;
	[tilespmem:$0x17780] =	vst v63  }
0x1df: {  	p1 =	sne.s32 s2, s6;
	s22 =	sadd.s32 $0x1F8, s18;
	s21 =	sadd.s32 $0x7380, s13  }
0x1e0: {  	[tilespmem:s21], [sflag:s0] =	stream.indirect.gather [hbm4b:s1+s11], $0x80, s22, s11, $0xb8;
	[tilespmem:$0x17780] =	vst v63  }
.Ltmp1:
0x1e1: {  	_ = 	snop;
	(pc) =	sbr.rel @p1 .LBB2_2-.Ltmp1, $4  }
0x1e2: {  	s24 =	sadd.s32 $0x230, s18;
	s23 =	sor.u32 $0x8F80, s13  }
0x1e3: {  	[tilespmem:s23], [sflag:s0] =	stream.indirect.gather [hbm4b:s1+s11], $0x80, s24, s11, $0xb8;
	[tilespmem:$0x17780] =	vst v63  }
0x1e4: {  	p0 =	por !p0, !p0;
	s14 =	sadd.s32 $0x268, s18;
	s13 =	sadd.s32 $0xAB80, s13  }
0x1e5: {  	[tilespmem:s13], [sflag:s0] =	stream.indirect.gather [hbm4b:s1+s11], $0x80, s14, s11, $0xb8;
	[tilespmem:$0x17780] =	vst v63  }
0x1e6: {  	_ =	swait.ge [sflag:s26], $0x1C00  }
0x1e7: {  	[sflag:s26] =	ssyncset.done $0x0  }
0x1e8: {  	[sflag:s26] =	ssyncadd.s32 $0xFFFFE400  }
0x1e9: {  	_ =	swait.ge [sflag:s26], $0x1C00  }
0x1ea: {  	[sflag:s26] =	ssyncset.done $0x0  }
0x1eb: {  	[sflag:s26] =	ssyncadd.s32 $0xFFFFE400  }
0x1ec: {  	_ =	swait.ge [sflag:s26], $0x1C00  }
0x1ed: {  	[sflag:s26] =	ssyncset.done $0x0  }
0x1ee: {  	[sflag:s26] =	ssyncadd.s32 $0xFFFFE400  }
0x1ef: {  	_ =	swait.ge [sflag:s26], $0x1C00  }
0x1f0: {  	[sflag:s26] =	ssyncset.done $0x0  }
0x1f1: {  	[sflag:s26] =	ssyncadd.s32 $0xFFFFE400  }
0x1f2: {  	_ =	swait.ge [sflag:s28], $0x1000  }
0x1f3: {  	[sflag:s28] =	ssyncset.done $0x0  }
0x1f4: {  	[sflag:s28] =	ssyncadd.s32 $0xFFFFF000  }
0x1f5: {  	_ =	swait.ge [sflag:s28], $0x1000  }
0x1f6: {  	[sflag:s28] =	ssyncset.done $0x0  }
0x1f7: {  	[sflag:s28] =	ssyncadd.s32 $0xFFFFF000  }
0x1f8: {  	_ =	swait.ge [sflag:s29], $0x1C00  }
0x1f9: {  	[sflag:s29] =	ssyncset.done $0x0  }
0x1fa: {  	[sflag:s29] =	ssyncadd.s32 $0xFFFFE400  }
0x1fb: {  	_ =	swait.ge [sflag:s29], $0x1C00  }
0x1fc: {  	[sflag:s29] =	ssyncset.done $0x0  }
0x1fd: {  	[sflag:s29] =	ssyncadd.s32 $0xFFFFE400  }
0x1fe: {  	_ =	swait.ge [sflag:s29], $0x1C00  }
0x1ff: {  	[sflag:s29] =	ssyncset.done $0x0  }
0x200: {  	[sflag:s29] =	ssyncadd.s32 $0xFFFFE400  }
0x201: {  	_ =	swait.ge [sflag:s29], $0x1C00  }
0x202: {  	[sflag:s29] =	ssyncset.done $0x0  }
0x203: {  	s31 =	sadd.s32 $0x1, s31;
	[sflag:s29] =	ssyncadd.s32 $0xFFFFE400  }
0x204: {  	p0 =	sne.s32 s31, s9;
	_ =	swait.ge [sflag:s30], $0x1000  }
.Ltmp2:
0x205: {  	[sflag:s30] =	ssyncset.done $0x0;
	(pc) =	sbr.rel @p0 .LBB2_1-.Ltmp2, $4  }
0x206: {  	[sflag:s30] =	ssyncadd.s32 $0xFFFFF000  }
0x207: {  	_ =	swait.ge [sflag:s30], $0x1000  }
0x208: {  	[sflag:s30] =	ssyncset.done $0x0  }
0x209: {  	[sflag:s30] =	ssyncadd.s32 $0xFFFFF000  }
0x20a: {  	_ =	sfence.sel $0x180000  }
0x20b: {  	[bflag:$0x0] =	sbarrier.arrive $0xFFFF  }
0x20c: {  	_ =	strace $0x90000047  }
0x20d: {  	s0 =	stileid.u32;
	[bflag:$0x2] =	sbarrier.arrive $0xFFFF  }
0x20e: {  	p0 =	sne.s32 s0, $0x0;
	s0 =	rddreg [dreg:$0x4]  }
0x20f: {  	s0 =	sadd.s32 @!p0 $0x100000, s0  }
0x210: {  	[sflag:s0] =	ssyncadd.tile.s32 @!p0 $0x1;
	_ =	shalt  }
.Lfunc_end2:
_tile_overlayer_lowered:
.L_overlay_start_2:
0x211: {  	(tag) =	ssettag $0x2  }
0x212: {  	s0 =	rddreg [dreg:$0x0];
	s2 =	stileid.u32  }
0x213: {  	s1 =	rddreg [dreg:$0x1];
	p0 =	sne.s32 s2, $0x0  }
0x214: {  	s3 =	rddreg [dreg:$0x2];
	[bflag:$0x3] =	sbarrier.arrive $0xFFFF;
	s2 =	simm.s32 @!p0 $0x1C05  }
0x215: {  	[timem:s3], [sflag:s2] =	dma.local @!p0 [hbm:s0], s1  }
0x216: {  	s0 =	simm.s32 @!p0 $0x5  }
0x217: {  	_ =	swait.ge @!p0 [sflag:s0], s1  }
0x218: {  	s1 =	ssub.s32 @!p0 $0x0, s1;
	[sflag:s0] =	ssyncset.done @!p0 $0x0  }
0x219: {  	[sflag:s0] =	ssyncadd.s32 @!p0 s1  }
0x21a: {  	[bflag:$0x3] =	sbarrier.arrive $0xFFFF  }
0x21b: {  	_ =	shalt  }

</sc_bundles>
